<compile_context>
chip_gen: v7x
topology: tpu7x:2x2x1
jax: 0.10.2.dev20260603
libtpu: 0.0.44.dev20260713+nightly
codegen_flags: <defaults>
</compile_context>

<pallas_src>
import functools
import jax
import jax.numpy as jnp
from jax import lax
from jax.experimental import pallas as pl
from jax.experimental.pallas import tpu as pltpu, tpu_sc as plsc

_B = 4
_S = 8192
_D = 1024
_L = 16
_CH = 16


def _make_sc_add():
    info = plsc.get_sparse_core_info()
    NC, NS = info.num_cores, info.num_subcores
    NW = NC * NS
    pos_per_w = _S // NW
    n_steps = (pos_per_w // _CH) * _B
    mesh = plsc.VectorSubcoreMesh(core_axis_name="c", subcore_axis_name="s")

    buf = lambda: pltpu.VMEM((_CH, _D), jnp.float32)

    @functools.partial(
        pl.kernel,
        mesh=mesh,
        out_type=jax.ShapeDtypeStruct((_B, _S, _D), jnp.float32),
        scratch_types=[
            buf(), buf(),
            buf(), buf(),
            buf(), buf(),
            pltpu.SemaphoreType.DMA, pltpu.SemaphoreType.DMA,
            pltpu.SemaphoreType.DMA, pltpu.SemaphoreType.DMA,
            pltpu.SemaphoreType.DMA, pltpu.SemaphoreType.DMA,
        ],
    )
    def sc_add(x_hbm, t_hbm, out_hbm, xb0, xb1, tb0, tb1, ob0, ob1,
               xsem0, xsem1, tsem0, tsem1, osem0, osem1):
        wid = lax.axis_index("s") * NC + lax.axis_index("c")
        base = wid * pos_per_w

        def start_loads(k, xb, tb, xsem, tsem):
            t = k // _B
            b = k % _B
            s0 = base + t * _CH
            pltpu.make_async_copy(x_hbm.at[b, pl.ds(s0, _CH), :], xb, xsem).start()
            pltpu.make_async_copy(t_hbm.at[pl.ds(s0, _CH), :], tb, tsem).start()

        def wait_loads(xb, tb, xsem, tsem):
            pltpu.make_async_copy(x_hbm.at[0, pl.ds(base, _CH), :], xb, xsem).wait()
            pltpu.make_async_copy(t_hbm.at[pl.ds(base, _CH), :], tb, tsem).wait()

        def compute(xb, tb, ob):
            @plsc.parallel_loop(0, _CH, 1, unroll=1)
            def i_loop(i):
                for j in range(_D // _L):
                    sl = pl.ds(j * _L, _L)
                    ob[i, sl] = xb[i, sl] + tb[i, sl]

        def start_store(k, ob, osem):
            t = k // _B
            b = k % _B
            s0 = base + t * _CH
            pltpu.make_async_copy(ob, out_hbm.at[b, pl.ds(s0, _CH), :], osem).start()

        def wait_store(ob, osem):
            pltpu.make_async_copy(ob, out_hbm.at[0, pl.ds(base, _CH), :], osem).wait()

        start_loads(0, xb0, tb0, xsem0, tsem0)
        start_loads(1, xb1, tb1, xsem1, tsem1)

        def half_step(m, k, xb, tb, ob, xsem, tsem, osem):
            wait_loads(xb, tb, xsem, tsem)

            @pl.when(m > 0)
            def _():
                wait_store(ob, osem)

            compute(xb, tb, ob)
            start_store(k, ob, osem)

            @pl.when(k + 2 < n_steps)
            def _():
                start_loads(k + 2, xb, tb, xsem, tsem)

        def m_loop(m, carry):
            half_step(m, 2 * m, xb0, tb0, ob0, xsem0, tsem0, osem0)
            half_step(m, 2 * m + 1, xb1, tb1, ob1, xsem1, tsem1, osem1)
            return carry

        lax.fori_loop(0, n_steps // 2, m_loop, 0)
        wait_store(ob0, osem0)
        wait_store(ob1, osem1)

    return sc_add


_sc_add = _make_sc_add()


def kernel(x, table):
    return _sc_add(x, table)

# --- scband reference (transcript-rebuilt; emitter-appended) ---
"""Pipeline reference for scband-learned-positional-encoding-60206851556137 (READ-ONLY COPY).

The authoritative reference and input builder live on the scoring server;
editing this copy changes nothing except your own understanding.
"""

import jax, jax.numpy as jnp
import numpy as np

MAX_SEQ_LEN = 8192
DIM = 1024
B = 4
S = 8192

def setup_inputs(seed: int = 0) -> dict:
    key = jax.random.key(seed)
    k1, k2 = jax.random.split(key)
    x = jax.random.normal(k1, (B, S, DIM), dtype=jnp.float32)
    # Learned positional embedding table, init std=0.02 like the torch module
    table = jax.random.normal(k2, (MAX_SEQ_LEN, DIM), dtype=jnp.float32) * 0.02
    return {"x": x, "table": table}

def reference(x, table):
    # positions = arange(S) expanded to (B, S)
    positions = jnp.broadcast_to(jnp.arange(x.shape[1]), (x.shape[0], x.shape[1]))
    # embedding lookup: gather rows of the table
    position_embeddings = jnp.take(table, positions, axis=0)  # (B, S, DIM)
    return x + position_embeddings

if __name__ == "__main__":
    import jax
    _d = setup_inputs()
    print(jax.jit(kernel)(*tuple(_d.values())))

</pallas_src>

<mosaic_0001>
#map = affine_map<(d0, d1) -> (0, 0, 0)>
#map1 = affine_map<(d0, d1) -> (0, 0)>
module attributes {stable_mosaic.version = 14 : i64} {
  func.func @sc_add(%arg0: i32, %arg1: i32, %arg2: memref<4x8192x1024xf32, #tpu.memory_space<hbm>>, %arg3: memref<8192x1024xf32, #tpu.memory_space<hbm>>, %arg4: memref<4x8192x1024xf32, #tpu.memory_space<hbm>>, %arg5: memref<16x1024xf32, #tpu.memory_space<vmem>>, %arg6: memref<16x1024xf32, #tpu.memory_space<vmem>>, %arg7: memref<16x1024xf32, #tpu.memory_space<vmem>>, %arg8: memref<16x1024xf32, #tpu.memory_space<vmem>>, %arg9: memref<16x1024xf32, #tpu.memory_space<vmem>>, %arg10: memref<16x1024xf32, #tpu.memory_space<vmem>>, %arg11: memref<!tpu.dma_semaphore, #tpu.memory_space<semaphore_mem>>, %arg12: memref<!tpu.dma_semaphore, #tpu.memory_space<semaphore_mem>>, %arg13: memref<!tpu.dma_semaphore, #tpu.memory_space<semaphore_mem>>, %arg14: memref<!tpu.dma_semaphore, #tpu.memory_space<semaphore_mem>>, %arg15: memref<!tpu.dma_semaphore, #tpu.memory_space<semaphore_mem>>, %arg16: memref<!tpu.dma_semaphore, #tpu.memory_space<semaphore_mem>>) attributes {dimension_semantics = [#tpu.dimension_semantics<core_parallel>, #tpu.dimension_semantics<subcore_parallel>], iteration_bounds = array<i64: 2, 16>, scalar_prefetch = 0 : i64, scratch_operands = 12 : i64, tpu.core_type = #tpu.core_type<sc_vector_subcore>, window_params = [{transform_indices = #map}, {transform_indices = #map1}, {transform_indices = #map}]} {
    %mul3A = arith.constant 2 : i32
    %mul3A_0 = arith.muli %arg1, %mul3A : i32
    %add3A = arith.addi %mul3A_0, %arg0 : i32
    %mul3A_1 = arith.constant 256 : i32
    %mul3A_2 = arith.muli %add3A, %mul3A_1 : i32
    %add3A_3 = arith.constant 0 : i32
    %add3A_4 = arith.addi %mul3A_2, %add3A_3 : i32
    %dma_start3A = arith.constant 0 : i32
    %dma_start3A_5 = arith.constant 0 : i32
    %dma_start3A_6 = tpu.memref_slice %arg2[%dma_start3A, %add3A_4, %dma_start3A_5] : memref<4x8192x1024xf32, #tpu.memory_space<hbm>> -> memref<1x16x1024xf32, #tpu.memory_space<hbm>>
    %dma_start3A_7 = tpu.memref_squeeze %dma_start3A_6 : memref<1x16x1024xf32, #tpu.memory_space<hbm>> -> memref<16x1024xf32, #tpu.memory_space<hbm>>
    %dma_start3A_8 = arith.constant 0 : i32
    %dma_start3A_9 = tpu.memref_slice %arg2[%dma_start3A, %add3A_4, %dma_start3A_8] : memref<4x8192x1024xf32, #tpu.memory_space<hbm>> -> memref<1x16x1024xf32, #tpu.memory_space<hbm>>
    %dma_start3A_10 = tpu.memref_squeeze %dma_start3A_9 : memref<1x16x1024xf32, #tpu.memory_space<hbm>> -> memref<16x1024xf32, #tpu.memory_space<hbm>>
    tpu.enqueue_dma source(%dma_start3A_10 : memref<16x1024xf32, #tpu.memory_space<hbm>>) target(%arg5 : memref<16x1024xf32, #tpu.memory_space<vmem>>) target_semaphore(%arg11 : memref<!tpu.dma_semaphore, #tpu.memory_space<semaphore_mem>>)
    %dma_start3A_11 = arith.constant 0 : i32
    %dma_start3A_12 = tpu.memref_slice %arg3[%add3A_4, %dma_start3A_11] : memref<8192x1024xf32, #tpu.memory_space<hbm>> -> memref<16x1024xf32, #tpu.memory_space<hbm>>
    %dma_start3A_13 = arith.constant 0 : i32
    %dma_start3A_14 = tpu.memref_slice %arg3[%add3A_4, %dma_start3A_13] : memref<8192x1024xf32, #tpu.memory_space<hbm>> -> memref<16x1024xf32, #tpu.memory_space<hbm>>
    tpu.enqueue_dma source(%dma_start3A_14 : memref<16x1024xf32, #tpu.memory_space<hbm>>) target(%arg7 : memref<16x1024xf32, #tpu.memory_space<vmem>>) target_semaphore(%arg13 : memref<!tpu.dma_semaphore, #tpu.memory_space<semaphore_mem>>)
    %add3A_15 = arith.constant 0 : i32
    %add3A_16 = arith.addi %mul3A_2, %add3A_15 : i32
    %dma_start3A_17 = arith.constant 1 : i32
    %dma_start3A_18 = arith.constant 0 : i32
    %dma_start3A_19 = tpu.memref_slice %arg2[%dma_start3A_17, %add3A_16, %dma_start3A_18] : memref<4x8192x1024xf32, #tpu.memory_space<hbm>> -> memref<1x16x1024xf32, #tpu.memory_space<hbm>>
    %dma_start3A_20 = tpu.memref_squeeze %dma_start3A_19 : memref<1x16x1024xf32, #tpu.memory_space<hbm>> -> memref<16x1024xf32, #tpu.memory_space<hbm>>
    %dma_start3A_21 = arith.constant 0 : i32
    %dma_start3A_22 = tpu.memref_slice %arg2[%dma_start3A_17, %add3A_16, %dma_start3A_21] : memref<4x8192x1024xf32, #tpu.memory_space<hbm>> -> memref<1x16x1024xf32, #tpu.memory_space<hbm>>
    %dma_start3A_23 = tpu.memref_squeeze %dma_start3A_22 : memref<1x16x1024xf32, #tpu.memory_space<hbm>> -> memref<16x1024xf32, #tpu.memory_space<hbm>>
    tpu.enqueue_dma source(%dma_start3A_23 : memref<16x1024xf32, #tpu.memory_space<hbm>>) target(%arg6 : memref<16x1024xf32, #tpu.memory_space<vmem>>) target_semaphore(%arg12 : memref<!tpu.dma_semaphore, #tpu.memory_space<semaphore_mem>>)
    %dma_start3A_24 = arith.constant 0 : i32
    %dma_start3A_25 = tpu.memref_slice %arg3[%add3A_16, %dma_start3A_24] : memref<8192x1024xf32, #tpu.memory_space<hbm>> -> memref<16x1024xf32, #tpu.memory_space<hbm>>
    %dma_start3A_26 = arith.constant 0 : i32
    %dma_start3A_27 = tpu.memref_slice %arg3[%add3A_16, %dma_start3A_26] : memref<8192x1024xf32, #tpu.memory_space<hbm>> -> memref<16x1024xf32, #tpu.memory_space<hbm>>
    tpu.enqueue_dma source(%dma_start3A_27 : memref<16x1024xf32, #tpu.memory_space<hbm>>) target(%arg8 : memref<16x1024xf32, #tpu.memory_space<vmem>>) target_semaphore(%arg14 : memref<!tpu.dma_semaphore, #tpu.memory_space<semaphore_mem>>)
    %scan3A = arith.constant 0 : i32
    %scan3A_28 = arith.constant 0 : i32
    %scan3A_29 = arith.constant 32 : i32
    %scan3A_30 = arith.addi %scan3A_28, %scan3A_29 : i32
    %scan3A_31 = arith.constant 1 : i32
    scf.for %scan3A_46 = %scan3A_28 to %scan3A_30 step %scan3A_31  : i32 {
      %mul3A_47 = arith.constant 2 : i32
      %mul3A_48 = arith.muli %mul3A_47, %scan3A_46 : i32
      %dma_wait3A_49 = arith.constant 0 : i32
      %dma_wait3A_50 = arith.constant 0 : i32
      %dma_wait3A_51 = tpu.memref_slice %arg2[%dma_wait3A_49, %mul3A_2, %dma_wait3A_50] : memref<4x8192x1024xf32, #tpu.memory_space<hbm>> -> memref<1x16x1024xf32, #tpu.memory_space<hbm>>
      %dma_wait3A_52 = tpu.memref_squeeze %dma_wait3A_51 : memref<1x16x1024xf32, #tpu.memory_space<hbm>> -> memref<16x1024xf32, #tpu.memory_space<hbm>>
      %dma_wait3A_53 = arith.constant 0 : i32
      %dma_wait3A_54 = tpu.memref_slice %arg2[%dma_wait3A_49, %mul3A_2, %dma_wait3A_53] : memref<4x8192x1024xf32, #tpu.memory_space<hbm>> -> memref<1x16x1024xf32, #tpu.memory_space<hbm>>
      %dma_wait3A_55 = tpu.memref_squeeze %dma_wait3A_54 : memref<1x16x1024xf32, #tpu.memory_space<hbm>> -> memref<16x1024xf32, #tpu.memory_space<hbm>>
      tpu.wait_dma2 semaphore(%arg11 : memref<!tpu.dma_semaphore, #tpu.memory_space<semaphore_mem>>) src(%dma_wait3A_55 : memref<16x1024xf32, #tpu.memory_space<hbm>>) dst(%arg5 : memref<16x1024xf32, #tpu.memory_space<vmem>>)
      %dma_wait3A_56 = arith.constant 0 : i32
      %dma_wait3A_57 = tpu.memref_slice %arg3[%mul3A_2, %dma_wait3A_56] : memref<8192x1024xf32, #tpu.memory_space<hbm>> -> memref<16x1024xf32, #tpu.memory_space<hbm>>
      %dma_wait3A_58 = arith.constant 0 : i32
      %dma_wait3A_59 = tpu.memref_slice %arg3[%mul3A_2, %dma_wait3A_58] : memref<8192x1024xf32, #tpu.memory_space<hbm>> -> memref<16x1024xf32, #tpu.memory_space<hbm>>
      tpu.wait_dma2 semaphore(%arg13 : memref<!tpu.dma_semaphore, #tpu.memory_space<semaphore_mem>>) src(%dma_wait3A_59 : memref<16x1024xf32, #tpu.memory_space<hbm>>) dst(%arg7 : memref<16x1024xf32, #tpu.memory_space<vmem>>)
      %gt3A = arith.constant 0 : i32
      %gt3A_60 = arith.cmpi sgt, %scan3A_46, %gt3A : i32
      %convert_element_type3A = arith.extui %gt3A_60 : i1 to i32
      %cond3A = arith.constant 0 : i32
      %cond3A_61 = arith.cmpi ne, %convert_element_type3A, %cond3A : i32
      scf.if %cond3A_61 {
        %dma_wait3A_189 = arith.constant 0 : i32
        %dma_wait3A_190 = arith.constant 0 : i32
        %dma_wait3A_191 = tpu.memref_slice %arg4[%dma_wait3A_189, %mul3A_2, %dma_wait3A_190] : memref<4x8192x1024xf32, #tpu.memory_space<hbm>> -> memref<1x16x1024xf32, #tpu.memory_space<hbm>>
        %dma_wait3A_192 = tpu.memref_squeeze %dma_wait3A_191 : memref<1x16x1024xf32, #tpu.memory_space<hbm>> -> memref<16x1024xf32, #tpu.memory_space<hbm>>
        %dma_wait3A_193 = arith.constant 0 : i32
        %dma_wait3A_194 = tpu.memref_slice %arg4[%dma_wait3A_189, %mul3A_2, %dma_wait3A_193] : memref<4x8192x1024xf32, #tpu.memory_space<hbm>> -> memref<1x16x1024xf32, #tpu.memory_space<hbm>>
        %dma_wait3A_195 = tpu.memref_squeeze %dma_wait3A_194 : memref<1x16x1024xf32, #tpu.memory_space<hbm>> -> memref<16x1024xf32, #tpu.memory_space<hbm>>
        tpu.wait_dma2 semaphore(%arg15 : memref<!tpu.dma_semaphore, #tpu.memory_space<semaphore_mem>>) src(%arg9 : memref<16x1024xf32, #tpu.memory_space<vmem>>) dst(%dma_wait3A_195 : memref<16x1024xf32, #tpu.memory_space<hbm>>)
      } else {
      }
      %parallel_loop3A = arith.constant 0 : i32
      %parallel_loop3A_62 = arith.constant 16 : i32
      %parallel_loop3A_63 = arith.constant 1 : i32
      scf.for %parallel_loop3A_189 = %parallel_loop3A to %parallel_loop3A_62 step %parallel_loop3A_63  : i32 {
        %parallel_loop3A_190 = arith.index_cast %parallel_loop3A_189 : i32 to index
        %parallel_loop3A_191 = arith.constant 0 : index
        %parallel_loop3A_192 = tpu.vector_load %arg5[%parallel_loop3A_190, %parallel_loop3A_191] {strides = array<i32>} : memref<16x1024xf32, #tpu.memory_space<vmem>>, vector<1x16xf32>,
        %parallel_loop3A_193 = vector.shape_cast %parallel_loop3A_192 : vector<1x16xf32> to vector<16xf32>
        %parallel_loop3A_194 = arith.index_cast %parallel_loop3A_189 : i32 to index
        %parallel_loop3A_195 = arith.constant 0 : index
        %parallel_loop3A_196 = tpu.vector_load %arg7[%parallel_loop3A_194, %parallel_loop3A_195] {strides = array<i32>} : memref<16x1024xf32, #tpu.memory_space<vmem>>, vector<1x16xf32>,
        %parallel_loop3A_197 = vector.shape_cast %parallel_loop3A_196 : vector<1x16xf32> to vector<16xf32>
        %parallel_loop3A_198 = arith.addf %parallel_loop3A_193, %parallel_loop3A_197 : vector<16xf32>
        %parallel_loop3A_199 = arith.index_cast %parallel_loop3A_189 : i32 to index
        %parallel_loop3A_200 = arith.constant 0 : index
        %parallel_loop3A_201 = tpu.vector_load %arg9[%parallel_loop3A_199, %parallel_loop3A_200] {strides = array<i32>} : memref<16x1024xf32, #tpu.memory_space<vmem>>, vector<1x16xf32>,
        %parallel_loop3A_202 = vector.shape_cast %parallel_loop3A_201 : vector<1x16xf32> to vector<16xf32>
        %parallel_loop3A_203 = vector.shape_cast %parallel_loop3A_198 : vector<16xf32> to vector<1x16xf32>
        tpu.vector_store %arg9[%parallel_loop3A_199, %parallel_loop3A_200], %parallel_loop3A_203 {strides = array<i32>} : memref<16x1024xf32, #tpu.memory_space<vmem>>, vector<1x16xf32>,
        %parallel_loop3A_204 = arith.index_cast %parallel_loop3A_189 : i32 to index
        %parallel_loop3A_205 = arith.constant 16 : index
        %parallel_loop3A_206 = tpu.vector_load %arg5[%parallel_loop3A_204, %parallel_loop3A_205] {strides = array<i32>} : memref<16x1024xf32, #tpu.memory_space<vmem>>, vector<1x16xf32>,
        %parallel_loop3A_207 = vector.shape_cast %parallel_loop3A_206 : vector<1x16xf32> to vector<16xf32>
        %parallel_loop3A_208 = arith.index_cast %parallel_loop3A_189 : i32 to index
        %parallel_loop3A_209 = arith.constant 16 : index
        %parallel_loop3A_210 = tpu.vector_load %arg7[%parallel_loop3A_208, %parallel_loop3A_209] {strides = array<i32>} : memref<16x1024xf32, #tpu.memory_space<vmem>>, vector<1x16xf32>,
        %parallel_loop3A_211 = vector.shape_cast %parallel_loop3A_210 : vector<1x16xf32> to vector<16xf32>
        %parallel_loop3A_212 = arith.addf %parallel_loop3A_207, %parallel_loop3A_211 : vector<16xf32>
        %parallel_loop3A_213 = arith.index_cast %parallel_loop3A_189 : i32 to index
        %parallel_loop3A_214 = arith.constant 16 : index
        %parallel_loop3A_215 = tpu.vector_load %arg9[%parallel_loop3A_213, %parallel_loop3A_214] {strides = array<i32>} : memref<16x1024xf32, #tpu.memory_space<vmem>>, vector<1x16xf32>,
        %parallel_loop3A_216 = vector.shape_cast %parallel_loop3A_215 : vector<1x16xf32> to vector<16xf32>
        %parallel_loop3A_217 = vector.shape_cast %parallel_loop3A_212 : vector<16xf32> to vector<1x16xf32>
        tpu.vector_store %arg9[%parallel_loop3A_213, %parallel_loop3A_214], %parallel_loop3A_217 {strides = array<i32>} : memref<16x1024xf32, #tpu.memory_space<vmem>>, vector<1x16xf32>,
        %parallel_loop3A_218 = arith.index_cast %parallel_loop3A_189 : i32 to index
        %parallel_loop3A_219 = arith.constant 32 : index
        %parallel_loop3A_220 = tpu.vector_load %arg5[%parallel_loop3A_218, %parallel_loop3A_219] {strides = array<i32>} : memref<16x1024xf32, #tpu.memory_space<vmem>>, vector<1x16xf32>,
        %parallel_loop3A_221 = vector.shape_cast %parallel_loop3A_220 : vector<1x16xf32> to vector<16xf32>
        %parallel_loop3A_222 = arith.index_cast %parallel_loop3A_189 : i32 to index
        %parallel_loop3A_223 = arith.constant 32 : index
        %parallel_loop3A_224 = tpu.vector_load %arg7[%parallel_loop3A_222, %parallel_loop3A_223] {strides = array<i32>} : memref<16x1024xf32, #tpu.memory_space<vmem>>, vector<1x16xf32>,
        %parallel_loop3A_225 = vector.shape_cast %parallel_loop3A_224 : vector<1x16xf32> to vector<16xf32>
        %parallel_loop3A_226 = arith.addf %parallel_loop3A_221, %parallel_loop3A_225 : vector<16xf32>
        %parallel_loop3A_227 = arith.index_cast %parallel_loop3A_189 : i32 to index
        %parallel_loop3A_228 = arith.constant 32 : index
        %parallel_loop3A_229 = tpu.vector_load %arg9[%parallel_loop3A_227, %parallel_loop3A_228] {strides = array<i32>} : memref<16x1024xf32, #tpu.memory_space<vmem>>, vector<1x16xf32>,
        %parallel_loop3A_230 = vector.shape_cast %parallel_loop3A_229 : vector<1x16xf32> to vector<16xf32>
        %parallel_loop3A_231 = vector.shape_cast %parallel_loop3A_226 : vector<16xf32> to vector<1x16xf32>
        tpu.vector_store %arg9[%parallel_loop3A_227, %parallel_loop3A_228], %parallel_loop3A_231 {strides = array<i32>} : memref<16x1024xf32, #tpu.memory_space<vmem>>, vector<1x16xf32>,
        %parallel_loop3A_232 = arith.index_cast %parallel_loop3A_189 : i32 to index
        %parallel_loop3A_233 = arith.constant 48 : index
        %parallel_loop3A_234 = tpu.vector_load %arg5[%parallel_loop3A_232, %parallel_loop3A_233] {strides = array<i32>} : memref<16x1024xf32, #tpu.memory_space<vmem>>, vector<1x16xf32>,
        %parallel_loop3A_235 = vector.shape_cast %parallel_loop3A_234 : vector<1x16xf32> to vector<16xf32>
        %parallel_loop3A_236 = arith.index_cast %parallel_loop3A_189 : i32 to index
        %parallel_loop3A_237 = arith.constant 48 : index
        %parallel_loop3A_238 = tpu.vector_load %arg7[%parallel_loop3A_236, %parallel_loop3A_237] {strides = array<i32>} : memref<16x1024xf32, #tpu.memory_space<vmem>>, vector<1x16xf32>,
        %parallel_loop3A_239 = vector.shape_cast %parallel_loop3A_238 : vector<1x16xf32> to vector<16xf32>
        %parallel_loop3A_240 = arith.addf %parallel_loop3A_235, %parallel_loop3A_239 : vector<16xf32>
        %parallel_loop3A_241 = arith.index_cast %parallel_loop3A_189 : i32 to index
        %parallel_loop3A_242 = arith.constant 48 : index
        %parallel_loop3A_243 = tpu.vector_load %arg9[%parallel_loop3A_241, %parallel_loop3A_242] {strides = array<i32>} : memref<16x1024xf32, #tpu.memory_space<vmem>>, vector<1x16xf32>,
        %parallel_loop3A_244 = vector.shape_cast %parallel_loop3A_243 : vector<1x16xf32> to vector<16xf32>
        %parallel_loop3A_245 = vector.shape_cast %parallel_loop3A_240 : vector<16xf32> to vector<1x16xf32>
        tpu.vector_store %arg9[%parallel_loop3A_241, %parallel_loop3A_242], %parallel_loop3A_245 {strides = array<i32>} : memref<16x1024xf32, #tpu.memory_space<vmem>>, vector<1x16xf32>,
        %parallel_loop3A_246 = arith.index_cast %parallel_loop3A_189 : i32 to index
        %parallel_loop3A_247 = arith.constant 64 : index
        %parallel_loop3A_248 = tpu.vector_load %arg5[%parallel_loop3A_246, %parallel_loop3A_247] {strides = array<i32>} : memref<16x1024xf32, #tpu.memory_space<vmem>>, vector<1x16xf32>,
        %parallel_loop3A_249 = vector.shape_cast %parallel_loop3A_248 : vector<1x16xf32> to vector<16xf32>
        %parallel_loop3A_250 = arith.index_cast %parallel_loop3A_189 : i32 to index
        %parallel_loop3A_251 = arith.constant 64 : index
        %parallel_loop3A_252 = tpu.vector_load %arg7[%parallel_loop3A_250, %parallel_loop3A_251] {strides = array<i32>} : memref<16x1024xf32, #tpu.memory_space<vmem>>, vector<1x16xf32>,
        %parallel_loop3A_253 = vector.shape_cast %parallel_loop3A_252 : vector<1x16xf32> to vector<16xf32>
        %parallel_loop3A_254 = arith.addf %parallel_loop3A_249, %parallel_loop3A_253 : vector<16xf32>
        %parallel_loop3A_255 = arith.index_cast %parallel_loop3A_189 : i32 to index
        %parallel_loop3A_256 = arith.constant 64 : index
        %parallel_loop3A_257 = tpu.vector_load %arg9[%parallel_loop3A_255, %parallel_loop3A_256] {strides = array<i32>} : memref<16x1024xf32, #tpu.memory_space<vmem>>, vector<1x16xf32>,
        %parallel_loop3A_258 = vector.shape_cast %parallel_loop3A_257 : vector<1x16xf32> to vector<16xf32>
        %parallel_loop3A_259 = vector.shape_cast %parallel_loop3A_254 : vector<16xf32> to vector<1x16xf32>
        tpu.vector_store %arg9[%parallel_loop3A_255, %parallel_loop3A_256], %parallel_loop3A_259 {strides = array<i32>} : memref<16x1024xf32, #tpu.memory_space<vmem>>, vector<1x16xf32>,
        %parallel_loop3A_260 = arith.index_cast %parallel_loop3A_189 : i32 to index
        %parallel_loop3A_261 = arith.constant 80 : index
        %parallel_loop3A_262 = tpu.vector_load %arg5[%parallel_loop3A_260, %parallel_loop3A_261] {strides = array<i32>} : memref<16x1024xf32, #tpu.memory_space<vmem>>, vector<1x16xf32>,
        %parallel_loop3A_263 = vector.shape_cast %parallel_loop3A_262 : vector<1x16xf32> to vector<16xf32>
        %parallel_loop3A_264 = arith.index_cast %parallel_loop3A_189 : i32 to index
        %parallel_loop3A_265 = arith.constant 80 : index
        %parallel_loop3A_266 = tpu.vector_load %arg7[%parallel_loop3A_264, %parallel_loop3A_265] {strides = array<i32>} : memref<16x1024xf32, #tpu.memory_space<vmem>>, vector<1x16xf32>,
        %parallel_loop3A_267 = vector.shape_cast %parallel_loop3A_266 : vector<1x16xf32> to vector<16xf32>
        %parallel_loop3A_268 = arith.addf %parallel_loop3A_263, %parallel_loop3A_267 : vector<16xf32>
        %parallel_loop3A_269 = arith.index_cast %parallel_loop3A_189 : i32 to index
        %parallel_loop3A_270 = arith.constant 80 : index
        %parallel_loop3A_271 = tpu.vector_load %arg9[%parallel_loop3A_269, %parallel_loop3A_270] {strides = array<i32>} : memref<16x1024xf32, #tpu.memory_space<vmem>>, vector<1x16xf32>,
        %parallel_loop3A_272 = vector.shape_cast %parallel_loop3A_271 : vector<1x16xf32> to vector<16xf32>
        %parallel_loop3A_273 = vector.shape_cast %parallel_loop3A_268 : vector<16xf32> to vector<1x16xf32>
        tpu.vector_store %arg9[%parallel_loop3A_269, %parallel_loop3A_270], %parallel_loop3A_273 {strides = array<i32>} : memref<16x1024xf32, #tpu.memory_space<vmem>>, vector<1x16xf32>,
        %parallel_loop3A_274 = arith.index_cast %parallel_loop3A_189 : i32 to index
        %parallel_loop3A_275 = arith.constant 96 : index
        %parallel_loop3A_276 = tpu.vector_load %arg5[%parallel_loop3A_274, %parallel_loop3A_275] {strides = array<i32>} : memref<16x1024xf32, #tpu.memory_space<vmem>>, vector<1x16xf32>,
        %parallel_loop3A_277 = vector.shape_cast %parallel_loop3A_276 : vector<1x16xf32> to vector<16xf32>
        %parallel_loop3A_278 = arith.index_cast %parallel_loop3A_189 : i32 to index
        %parallel_loop3A_279 = arith.constant 96 : index
        %parallel_loop3A_280 = tpu.vector_load %arg7[%parallel_loop3A_278, %parallel_loop3A_279] {strides = array<i32>} : memref<16x1024xf32, #tpu.memory_space<vmem>>, vector<1x16xf32>,
        %parallel_loop3A_281 = vector.shape_cast %parallel_loop3A_280 : vector<1x16xf32> to vector<16xf32>
        %parallel_loop3A_282 = arith.addf %parallel_loop3A_277, %parallel_loop3A_281 : vector<16xf32>
        %parallel_loop3A_283 = arith.index_cast %parallel_loop3A_189 : i32 to index
        %parallel_loop3A_284 = arith.constant 96 : index
        %parallel_loop3A_285 = tpu.vector_load %arg9[%parallel_loop3A_283, %parallel_loop3A_284] {strides = array<i32>} : memref<16x1024xf32, #tpu.memory_space<vmem>>, vector<1x16xf32>,
        %parallel_loop3A_286 = vector.shape_cast %parallel_loop3A_285 : vector<1x16xf32> to vector<16xf32>
        %parallel_loop3A_287 = vector.shape_cast %parallel_loop3A_282 : vector<16xf32> to vector<1x16xf32>
        tpu.vector_store %arg9[%parallel_loop3A_283, %parallel_loop3A_284], %parallel_loop3A_287 {strides = array<i32>} : memref<16x1024xf32, #tpu.memory_space<vmem>>, vector<1x16xf32>,
        %parallel_loop3A_288 = arith.index_cast %parallel_loop3A_189 : i32 to index
        %parallel_loop3A_289 = arith.constant 112 : index
        %parallel_loop3A_290 = tpu.vector_load %arg5[%parallel_loop3A_288, %parallel_loop3A_289] {strides = array<i32>} : memref<16x1024xf32, #tpu.memory_space<vmem>>, vector<1x16xf32>,
        %parallel_loop3A_291 = vector.shape_cast %parallel_loop3A_290 : vector<1x16xf32> to vector<16xf32>
        %parallel_loop3A_292 = arith.index_cast %parallel_loop3A_189 : i32 to index
        %parallel_loop3A_293 = arith.constant 112 : index
        %parallel_loop3A_294 = tpu.vector_load %arg7[%parallel_loop3A_292, %parallel_loop3A_293] {strides = array<i32>} : memref<16x1024xf32, #tpu.memory_space<vmem>>, vector<1x16xf32>,
        %parallel_loop3A_295 = vector.shape_cast %parallel_loop3A_294 : vector<1x16xf32> to vector<16xf32>
        %parallel_loop3A_296 = arith.addf %parallel_loop3A_291, %parallel_loop3A_295 : vector<16xf32>
        %parallel_loop3A_297 = arith.index_cast %parallel_loop3A_189 : i32 to index
        %parallel_loop3A_298 = arith.constant 112 : index
        %parallel_loop3A_299 = tpu.vector_load %arg9[%parallel_loop3A_297, %parallel_loop3A_298] {strides = array<i32>} : memref<16x1024xf32, #tpu.memory_space<vmem>>, vector<1x16xf32>,
        %parallel_loop3A_300 = vector.shape_cast %parallel_loop3A_299 : vector<1x16xf32> to vector<16xf32>
        %parallel_loop3A_301 = vector.shape_cast %parallel_loop3A_296 : vector<16xf32> to vector<1x16xf32>
        tpu.vector_store %arg9[%parallel_loop3A_297, %parallel_loop3A_298], %parallel_loop3A_301 {strides = array<i32>} : memref<16x1024xf32, #tpu.memory_space<vmem>>, vector<1x16xf32>,
        %parallel_loop3A_302 = arith.index_cast %parallel_loop3A_189 : i32 to index
        %parallel_loop3A_303 = arith.constant 128 : index
        %parallel_loop3A_304 = tpu.vector_load %arg5[%parallel_loop3A_302, %parallel_loop3A_303] {strides = array<i32>} : memref<16x1024xf32, #tpu.memory_space<vmem>>, vector<1x16xf32>,
        %parallel_loop3A_305 = vector.shape_cast %parallel_loop3A_304 : vector<1x16xf32> to vector<16xf32>
        %parallel_loop3A_306 = arith.index_cast %parallel_loop3A_189 : i32 to index
        %parallel_loop3A_307 = arith.constant 128 : index
        %parallel_loop3A_308 = tpu.vector_load %arg7[%parallel_loop3A_306, %parallel_loop3A_307] {strides = array<i32>} : memref<16x1024xf32, #tpu.memory_space<vmem>>, vector<1x16xf32>,
        %parallel_loop3A_309 = vector.shape_cast %parallel_loop3A_308 : vector<1x16xf32> to vector<16xf32>
        %parallel_loop3A_310 = arith.addf %parallel_loop3A_305, %parallel_loop3A_309 : vector<16xf32>
        %parallel_loop3A_311 = arith.index_cast %parallel_loop3A_189 : i32 to index
        %parallel_loop3A_312 = arith.constant 128 : index
        %parallel_loop3A_313 = tpu.vector_load %arg9[%parallel_loop3A_311, %parallel_loop3A_312] {strides = array<i32>} : memref<16x1024xf32, #tpu.memory_space<vmem>>, vector<1x16xf32>,
        %parallel_loop3A_314 = vector.shape_cast %parallel_loop3A_313 : vector<1x16xf32> to vector<16xf32>
        %parallel_loop3A_315 = vector.shape_cast %parallel_loop3A_310 : vector<16xf32> to vector<1x16xf32>
        tpu.vector_store %arg9[%parallel_loop3A_311, %parallel_loop3A_312], %parallel_loop3A_315 {strides = array<i32>} : memref<16x1024xf32, #tpu.memory_space<vmem>>, vector<1x16xf32>,
        %parallel_loop3A_316 = arith.index_cast %parallel_loop3A_189 : i32 to index
        %parallel_loop3A_317 = arith.constant 144 : index
        %parallel_loop3A_318 = tpu.vector_load %arg5[%parallel_loop3A_316, %parallel_loop3A_317] {strides = array<i32>} : memref<16x1024xf32, #tpu.memory_space<vmem>>, vector<1x16xf32>,
        %parallel_loop3A_319 = vector.shape_cast %parallel_loop3A_318 : vector<1x16xf32> to vector<16xf32>
        %parallel_loop3A_320 = arith.index_cast %parallel_loop3A_189 : i32 to index
        %parallel_loop3A_321 = arith.constant 144 : index
        %parallel_loop3A_322 = tpu.vector_load %arg7[%parallel_loop3A_320, %parallel_loop3A_321] {strides = array<i32>} : memref<16x1024xf32, #tpu.memory_space<vmem>>, vector<1x16xf32>,
        %parallel_loop3A_323 = vector.shape_cast %parallel_loop3A_322 : vector<1x16xf32> to vector<16xf32>
        %parallel_loop3A_324 = arith.addf %parallel_loop3A_319, %parallel_loop3A_323 : vector<16xf32>
        %parallel_loop3A_325 = arith.index_cast %parallel_loop3A_189 : i32 to index
        %parallel_loop3A_326 = arith.constant 144 : index
        %parallel_loop3A_327 = tpu.vector_load %arg9[%parallel_loop3A_325, %parallel_loop3A_326] {strides = array<i32>} : memref<16x1024xf32, #tpu.memory_space<vmem>>, vector<1x16xf32>,
        %parallel_loop3A_328 = vector.shape_cast %parallel_loop3A_327 : vector<1x16xf32> to vector<16xf32>
        %parallel_loop3A_329 = vector.shape_cast %parallel_loop3A_324 : vector<16xf32> to vector<1x16xf32>
        tpu.vector_store %arg9[%parallel_loop3A_325, %parallel_loop3A_326], %parallel_loop3A_329 {strides = array<i32>} : memref<16x1024xf32, #tpu.memory_space<vmem>>, vector<1x16xf32>,
        %parallel_loop3A_330 = arith.index_cast %parallel_loop3A_189 : i32 to index
        %parallel_loop3A_331 = arith.constant 160 : index
        %parallel_loop3A_332 = tpu.vector_load %arg5[%parallel_loop3A_330, %parallel_loop3A_331] {strides = array<i32>} : memref<16x1024xf32, #tpu.memory_space<vmem>>, vector<1x16xf32>,
        %parallel_loop3A_333 = vector.shape_cast %parallel_loop3A_332 : vector<1x16xf32> to vector<16xf32>
        %parallel_loop3A_334 = arith.index_cast %parallel_loop3A_189 : i32 to index
        %parallel_loop3A_335 = arith.constant 160 : index
        %parallel_loop3A_336 = tpu.vector_load %arg7[%parallel_loop3A_334, %parallel_loop3A_335] {strides = array<i32>} : memref<16x1024xf32, #tpu.memory_space<vmem>>, vector<1x16xf32>,
        %parallel_loop3A_337 = vector.shape_cast %parallel_loop3A_336 : vector<1x16xf32> to vector<16xf32>
        %parallel_loop3A_338 = arith.addf %parallel_loop3A_333, %parallel_loop3A_337 : vector<16xf32>
        %parallel_loop3A_339 = arith.index_cast %parallel_loop3A_189 : i32 to index
        %parallel_loop3A_340 = arith.constant 160 : index
        %parallel_loop3A_341 = tpu.vector_load %arg9[%parallel_loop3A_339, %parallel_loop3A_340] {strides = array<i32>} : memref<16x1024xf32, #tpu.memory_space<vmem>>, vector<1x16xf32>,
        %parallel_loop3A_342 = vector.shape_cast %parallel_loop3A_341 : vector<1x16xf32> to vector<16xf32>
        %parallel_loop3A_343 = vector.shape_cast %parallel_loop3A_338 : vector<16xf32> to vector<1x16xf32>
        tpu.vector_store %arg9[%parallel_loop3A_339, %parallel_loop3A_340], %parallel_loop3A_343 {strides = array<i32>} : memref<16x1024xf32, #tpu.memory_space<vmem>>, vector<1x16xf32>,
        %parallel_loop3A_344 = arith.index_cast %parallel_loop3A_189 : i32 to index
        %parallel_loop3A_345 = arith.constant 176 : index
        %parallel_loop3A_346 = tpu.vector_load %arg5[%parallel_loop3A_344, %parallel_loop3A_345] {strides = array<i32>} : memref<16x1024xf32, #tpu.memory_space<vmem>>, vector<1x16xf32>,
        %parallel_loop3A_347 = vector.shape_cast %parallel_loop3A_346 : vector<1x16xf32> to vector<16xf32>
        %parallel_loop3A_348 = arith.index_cast %parallel_loop3A_189 : i32 to index
        %parallel_loop3A_349 = arith.constant 176 : index
        %parallel_loop3A_350 = tpu.vector_load %arg7[%parallel_loop3A_348, %parallel_loop3A_349] {strides = array<i32>} : memref<16x1024xf32, #tpu.memory_space<vmem>>, vector<1x16xf32>,
        %parallel_loop3A_351 = vector.shape_cast %parallel_loop3A_350 : vector<1x16xf32> to vector<16xf32>
        %parallel_loop3A_352 = arith.addf %parallel_loop3A_347, %parallel_loop3A_351 : vector<16xf32>
        %parallel_loop3A_353 = arith.index_cast %parallel_loop3A_189 : i32 to index
        %parallel_loop3A_354 = arith.constant 176 : index
        %parallel_loop3A_355 = tpu.vector_load %arg9[%parallel_loop3A_353, %parallel_loop3A_354] {strides = array<i32>} : memref<16x1024xf32, #tpu.memory_space<vmem>>, vector<1x16xf32>,
        %parallel_loop3A_356 = vector.shape_cast %parallel_loop3A_355 : vector<1x16xf32> to vector<16xf32>
        %parallel_loop3A_357 = vector.shape_cast %parallel_loop3A_352 : vector<16xf32> to vector<1x16xf32>
        tpu.vector_store %arg9[%parallel_loop3A_353, %parallel_loop3A_354], %parallel_loop3A_357 {strides = array<i32>} : memref<16x1024xf32, #tpu.memory_space<vmem>>, vector<1x16xf32>,
        %parallel_loop3A_358 = arith.index_cast %parallel_loop3A_189 : i32 to index
        %parallel_loop3A_359 = arith.constant 192 : index
        %parallel_loop3A_360 = tpu.vector_load %arg5[%parallel_loop3A_358, %parallel_loop3A_359] {strides = array<i32>} : memref<16x1024xf32, #tpu.memory_space<vmem>>, vector<1x16xf32>,
        %parallel_loop3A_361 = vector.shape_cast %parallel_loop3A_360 : vector<1x16xf32> to vector<16xf32>
        %parallel_loop3A_362 = arith.index_cast %parallel_loop3A_189 : i32 to index
        %parallel_loop3A_363 = arith.constant 192 : index
        %parallel_loop3A_364 = tpu.vector_load %arg7[%parallel_loop3A_362, %parallel_loop3A_363] {strides = array<i32>} : memref<16x1024xf32, #tpu.memory_space<vmem>>, vector<1x16xf32>,
        %parallel_loop3A_365 = vector.shape_cast %parallel_loop3A_364 : vector<1x16xf32> to vector<16xf32>
        %parallel_loop3A_366 = arith.addf %parallel_loop3A_361, %parallel_loop3A_365 : vector<16xf32>
        %parallel_loop3A_367 = arith.index_cast %parallel_loop3A_189 : i32 to index
        %parallel_loop3A_368 = arith.constant 192 : index
        %parallel_loop3A_369 = tpu.vector_load %arg9[%parallel_loop3A_367, %parallel_loop3A_368] {strides = array<i32>} : memref<16x1024xf32, #tpu.memory_space<vmem>>, vector<1x16xf32>,
        %parallel_loop3A_370 = vector.shape_cast %parallel_loop3A_369 : vector<1x16xf32> to vector<16xf32>
        %parallel_loop3A_371 = vector.shape_cast %parallel_loop3A_366 : vector<16xf32> to vector<1x16xf32>
        tpu.vector_store %arg9[%parallel_loop3A_367, %parallel_loop3A_368], %parallel_loop3A_371 {strides = array<i32>} : memref<16x1024xf32, #tpu.memory_space<vmem>>, vector<1x16xf32>,
        %parallel_loop3A_372 = arith.index_cast %parallel_loop3A_189 : i32 to index
        %parallel_loop3A_373 = arith.constant 208 : index
        %parallel_loop3A_374 = tpu.vector_load %arg5[%parallel_loop3A_372, %parallel_loop3A_373] {strides = array<i32>} : memref<16x1024xf32, #tpu.memory_space<vmem>>, vector<1x16xf32>,
        %parallel_loop3A_375 = vector.shape_cast %parallel_loop3A_374 : vector<1x16xf32> to vector<16xf32>
        %parallel_loop3A_376 = arith.index_cast %parallel_loop3A_189 : i32 to index
        %parallel_loop3A_377 = arith.constant 208 : index
        %parallel_loop3A_378 = tpu.vector_load %arg7[%parallel_loop3A_376, %parallel_loop3A_377] {strides = array<i32>} : memref<16x1024xf32, #tpu.memory_space<vmem>>, vector<1x16xf32>,
        %parallel_loop3A_379 = vector.shape_cast %parallel_loop3A_378 : vector<1x16xf32> to vector<16xf32>
        %parallel_loop3A_380 = arith.addf %parallel_loop3A_375, %parallel_loop3A_379 : vector<16xf32>
        %parallel_loop3A_381 = arith.index_cast %parallel_loop3A_189 : i32 to index
        %parallel_loop3A_382 = arith.constant 208 : index
        %parallel_loop3A_383 = tpu.vector_load %arg9[%parallel_loop3A_381, %parallel_loop3A_382] {strides = array<i32>} : memref<16x1024xf32, #tpu.memory_space<vmem>>, vector<1x16xf32>,
        %parallel_loop3A_384 = vector.shape_cast %parallel_loop3A_383 : vector<1x16xf32> to vector<16xf32>
        %parallel_loop3A_385 = vector.shape_cast %parallel_loop3A_380 : vector<16xf32> to vector<1x16xf32>
        tpu.vector_store %arg9[%parallel_loop3A_381, %parallel_loop3A_382], %parallel_loop3A_385 {strides = array<i32>} : memref<16x1024xf32, #tpu.memory_space<vmem>>, vector<1x16xf32>,
        %parallel_loop3A_386 = arith.index_cast %parallel_loop3A_189 : i32 to index
        %parallel_loop3A_387 = arith.constant 224 : index
        %parallel_loop3A_388 = tpu.vector_load %arg5[%parallel_loop3A_386, %parallel_loop3A_387] {strides = array<i32>} : memref<16x1024xf32, #tpu.memory_space<vmem>>, vector<1x16xf32>,
        %parallel_loop3A_389 = vector.shape_cast %parallel_loop3A_388 : vector<1x16xf32> to vector<16xf32>
        %parallel_loop3A_390 = arith.index_cast %parallel_loop3A_189 : i32 to index
        %parallel_loop3A_391 = arith.constant 224 : index
        %parallel_loop3A_392 = tpu.vector_load %arg7[%parallel_loop3A_390, %parallel_loop3A_391] {strides = array<i32>} : memref<16x1024xf32, #tpu.memory_space<vmem>>, vector<1x16xf32>,
        %parallel_loop3A_393 = vector.shape_cast %parallel_loop3A_392 : vector<1x16xf32> to vector<16xf32>
        %parallel_loop3A_394 = arith.addf %parallel_loop3A_389, %parallel_loop3A_393 : vector<16xf32>
        %parallel_loop3A_395 = arith.index_cast %parallel_loop3A_189 : i32 to index
        %parallel_loop3A_396 = arith.constant 224 : index
        %parallel_loop3A_397 = tpu.vector_load %arg9[%parallel_loop3A_395, %parallel_loop3A_396] {strides = array<i32>} : memref<16x1024xf32, #tpu.memory_space<vmem>>, vector<1x16xf32>,
        %parallel_loop3A_398 = vector.shape_cast %parallel_loop3A_397 : vector<1x16xf32> to vector<16xf32>
        %parallel_loop3A_399 = vector.shape_cast %parallel_loop3A_394 : vector<16xf32> to vector<1x16xf32>
        tpu.vector_store %arg9[%parallel_loop3A_395, %parallel_loop3A_396], %parallel_loop3A_399 {strides = array<i32>} : memref<16x1024xf32, #tpu.memory_space<vmem>>, vector<1x16xf32>,
        %parallel_loop3A_400 = arith.index_cast %parallel_loop3A_189 : i32 to index
        %parallel_loop3A_401 = arith.constant 240 : index
        %parallel_loop3A_402 = tpu.vector_load %arg5[%parallel_loop3A_400, %parallel_loop3A_401] {strides = array<i32>} : memref<16x1024xf32, #tpu.memory_space<vmem>>, vector<1x16xf32>,
        %parallel_loop3A_403 = vector.shape_cast %parallel_loop3A_402 : vector<1x16xf32> to vector<16xf32>
        %parallel_loop3A_404 = arith.index_cast %parallel_loop3A_189 : i32 to index
        %parallel_loop3A_405 = arith.constant 240 : index
        %parallel_loop3A_406 = tpu.vector_load %arg7[%parallel_loop3A_404, %parallel_loop3A_405] {strides = array<i32>} : memref<16x1024xf32, #tpu.memory_space<vmem>>, vector<1x16xf32>,
        %parallel_loop3A_407 = vector.shape_cast %parallel_loop3A_406 : vector<1x16xf32> to vector<16xf32>
        %parallel_loop3A_408 = arith.addf %parallel_loop3A_403, %parallel_loop3A_407 : vector<16xf32>
        %parallel_loop3A_409 = arith.index_cast %parallel_loop3A_189 : i32 to index
        %parallel_loop3A_410 = arith.constant 240 : index
        %parallel_loop3A_411 = tpu.vector_load %arg9[%parallel_loop3A_409, %parallel_loop3A_410] {strides = array<i32>} : memref<16x1024xf32, #tpu.memory_space<vmem>>, vector<1x16xf32>,
        %parallel_loop3A_412 = vector.shape_cast %parallel_loop3A_411 : vector<1x16xf32> to vector<16xf32>
        %parallel_loop3A_413 = vector.shape_cast %parallel_loop3A_408 : vector<16xf32> to vector<1x16xf32>
        tpu.vector_store %arg9[%parallel_loop3A_409, %parallel_loop3A_410], %parallel_loop3A_413 {strides = array<i32>} : memref<16x1024xf32, #tpu.memory_space<vmem>>, vector<1x16xf32>,
        %parallel_loop3A_414 = arith.index_cast %parallel_loop3A_189 : i32 to index
        %parallel_loop3A_415 = arith.constant 256 : index
        %parallel_loop3A_416 = tpu.vector_load %arg5[%parallel_loop3A_414, %parallel_loop3A_415] {strides = array<i32>} : memref<16x1024xf32, #tpu.memory_space<vmem>>, vector<1x16xf32>,
        %parallel_loop3A_417 = vector.shape_cast %parallel_loop3A_416 : vector<1x16xf32> to vector<16xf32>
        %parallel_loop3A_418 = arith.index_cast %parallel_loop3A_189 : i32 to index
        %parallel_loop3A_419 = arith.constant 256 : index
        %parallel_loop3A_420 = tpu.vector_load %arg7[%parallel_loop3A_418, %parallel_loop3A_419] {strides = array<i32>} : memref<16x1024xf32, #tpu.memory_space<vmem>>, vector<1x16xf32>,
        %parallel_loop3A_421 = vector.shape_cast %parallel_loop3A_420 : vector<1x16xf32> to vector<16xf32>
        %parallel_loop3A_422 = arith.addf %parallel_loop3A_417, %parallel_loop3A_421 : vector<16xf32>
        %parallel_loop3A_423 = arith.index_cast %parallel_loop3A_189 : i32 to index
        %parallel_loop3A_424 = arith.constant 256 : index
        %parallel_loop3A_425 = tpu.vector_load %arg9[%parallel_loop3A_423, %parallel_loop3A_424] {strides = array<i32>} : memref<16x1024xf32, #tpu.memory_space<vmem>>, vector<1x16xf32>,
        %parallel_loop3A_426 = vector.shape_cast %parallel_loop3A_425 : vector<1x16xf32> to vector<16xf32>
        %parallel_loop3A_427 = vector.shape_cast %parallel_loop3A_422 : vector<16xf32> to vector<1x16xf32>
        tpu.vector_store %arg9[%parallel_loop3A_423, %parallel_loop3A_424], %parallel_loop3A_427 {strides = array<i32>} : memref<16x1024xf32, #tpu.memory_space<vmem>>, vector<1x16xf32>,
        %parallel_loop3A_428 = arith.index_cast %parallel_loop3A_189 : i32 to index
        %parallel_loop3A_429 = arith.constant 272 : index
        %parallel_loop3A_430 = tpu.vector_load %arg5[%parallel_loop3A_428, %parallel_loop3A_429] {strides = array<i32>} : memref<16x1024xf32, #tpu.memory_space<vmem>>, vector<1x16xf32>,
        %parallel_loop3A_431 = vector.shape_cast %parallel_loop3A_430 : vector<1x16xf32> to vector<16xf32>
        %parallel_loop3A_432 = arith.index_cast %parallel_loop3A_189 : i32 to index
        %parallel_loop3A_433 = arith.constant 272 : index
        %parallel_loop3A_434 = tpu.vector_load %arg7[%parallel_loop3A_432, %parallel_loop3A_433] {strides = array<i32>} : memref<16x1024xf32, #tpu.memory_space<vmem>>, vector<1x16xf32>,
        %parallel_loop3A_435 = vector.shape_cast %parallel_loop3A_434 : vector<1x16xf32> to vector<16xf32>
        %parallel_loop3A_436 = arith.addf %parallel_loop3A_431, %parallel_loop3A_435 : vector<16xf32>
        %parallel_loop3A_437 = arith.index_cast %parallel_loop3A_189 : i32 to index
        %parallel_loop3A_438 = arith.constant 272 : index
        %parallel_loop3A_439 = tpu.vector_load %arg9[%parallel_loop3A_437, %parallel_loop3A_438] {strides = array<i32>} : memref<16x1024xf32, #tpu.memory_space<vmem>>, vector<1x16xf32>,
        %parallel_loop3A_440 = vector.shape_cast %parallel_loop3A_439 : vector<1x16xf32> to vector<16xf32>
        %parallel_loop3A_441 = vector.shape_cast %parallel_loop3A_436 : vector<16xf32> to vector<1x16xf32>
        tpu.vector_store %arg9[%parallel_loop3A_437, %parallel_loop3A_438], %parallel_loop3A_441 {strides = array<i32>} : memref<16x1024xf32, #tpu.memory_space<vmem>>, vector<1x16xf32>,
        %parallel_loop3A_442 = arith.index_cast %parallel_loop3A_189 : i32 to index
        %parallel_loop3A_443 = arith.constant 288 : index
        %parallel_loop3A_444 = tpu.vector_load %arg5[%parallel_loop3A_442, %parallel_loop3A_443] {strides = array<i32>} : memref<16x1024xf32, #tpu.memory_space<vmem>>, vector<1x16xf32>,
        %parallel_loop3A_445 = vector.shape_cast %parallel_loop3A_444 : vector<1x16xf32> to vector<16xf32>
        %parallel_loop3A_446 = arith.index_cast %parallel_loop3A_189 : i32 to index
        %parallel_loop3A_447 = arith.constant 288 : index
        %parallel_loop3A_448 = tpu.vector_load %arg7[%parallel_loop3A_446, %parallel_loop3A_447] {strides = array<i32>} : memref<16x1024xf32, #tpu.memory_space<vmem>>, vector<1x16xf32>,
        %parallel_loop3A_449 = vector.shape_cast %parallel_loop3A_448 : vector<1x16xf32> to vector<16xf32>
        %parallel_loop3A_450 = arith.addf %parallel_loop3A_445, %parallel_loop3A_449 : vector<16xf32>
        %parallel_loop3A_451 = arith.index_cast %parallel_loop3A_189 : i32 to index
        %parallel_loop3A_452 = arith.constant 288 : index
        %parallel_loop3A_453 = tpu.vector_load %arg9[%parallel_loop3A_451, %parallel_loop3A_452] {strides = array<i32>} : memref<16x1024xf32, #tpu.memory_space<vmem>>, vector<1x16xf32>,
        %parallel_loop3A_454 = vector.shape_cast %parallel_loop3A_453 : vector<1x16xf32> to vector<16xf32>
        %parallel_loop3A_455 = vector.shape_cast %parallel_loop3A_450 : vector<16xf32> to vector<1x16xf32>
        tpu.vector_store %arg9[%parallel_loop3A_451, %parallel_loop3A_452], %parallel_loop3A_455 {strides = array<i32>} : memref<16x1024xf32, #tpu.memory_space<vmem>>, vector<1x16xf32>,
        %parallel_loop3A_456 = arith.index_cast %parallel_loop3A_189 : i32 to index
        %parallel_loop3A_457 = arith.constant 304 : index
        %parallel_loop3A_458 = tpu.vector_load %arg5[%parallel_loop3A_456, %parallel_loop3A_457] {strides = array<i32>} : memref<16x1024xf32, #tpu.memory_space<vmem>>, vector<1x16xf32>,
        %parallel_loop3A_459 = vector.shape_cast %parallel_loop3A_458 : vector<1x16xf32> to vector<16xf32>
        %parallel_loop3A_460 = arith.index_cast %parallel_loop3A_189 : i32 to index
        %parallel_loop3A_461 = arith.constant 304 : index
        %parallel_loop3A_462 = tpu.vector_load %arg7[%parallel_loop3A_460, %parallel_loop3A_461] {strides = array<i32>} : memref<16x1024xf32, #tpu.memory_space<vmem>>, vector<1x16xf32>,
        %parallel_loop3A_463 = vector.shape_cast %parallel_loop3A_462 : vector<1x16xf32> to vector<16xf32>
        %parallel_loop3A_464 = arith.addf %parallel_loop3A_459, %parallel_loop3A_463 : vector<16xf32>
        %parallel_loop3A_465 = arith.index_cast %parallel_loop3A_189 : i32 to index
        %parallel_loop3A_466 = arith.constant 304 : index
        %parallel_loop3A_467 = tpu.vector_load %arg9[%parallel_loop3A_465, %parallel_loop3A_466] {strides = array<i32>} : memref<16x1024xf32, #tpu.memory_space<vmem>>, vector<1x16xf32>,
        %parallel_loop3A_468 = vector.shape_cast %parallel_loop3A_467 : vector<1x16xf32> to vector<16xf32>
        %parallel_loop3A_469 = vector.shape_cast %parallel_loop3A_464 : vector<16xf32> to vector<1x16xf32>
        tpu.vector_store %arg9[%parallel_loop3A_465, %parallel_loop3A_466], %parallel_loop3A_469 {strides = array<i32>} : memref<16x1024xf32, #tpu.memory_space<vmem>>, vector<1x16xf32>,
        %parallel_loop3A_470 = arith.index_cast %parallel_loop3A_189 : i32 to index
        %parallel_loop3A_471 = arith.constant 320 : index
        %parallel_loop3A_472 = tpu.vector_load %arg5[%parallel_loop3A_470, %parallel_loop3A_471] {strides = array<i32>} : memref<16x1024xf32, #tpu.memory_space<vmem>>, vector<1x16xf32>,
        %parallel_loop3A_473 = vector.shape_cast %parallel_loop3A_472 : vector<1x16xf32> to vector<16xf32>
        %parallel_loop3A_474 = arith.index_cast %parallel_loop3A_189 : i32 to index
        %parallel_loop3A_475 = arith.constant 320 : index
        %parallel_loop3A_476 = tpu.vector_load %arg7[%parallel_loop3A_474, %parallel_loop3A_475] {strides = array<i32>} : memref<16x1024xf32, #tpu.memory_space<vmem>>, vector<1x16xf32>,
        %parallel_loop3A_477 = vector.shape_cast %parallel_loop3A_476 : vector<1x16xf32> to vector<16xf32>
        %parallel_loop3A_478 = arith.addf %parallel_loop3A_473, %parallel_loop3A_477 : vector<16xf32>
        %parallel_loop3A_479 = arith.index_cast %parallel_loop3A_189 : i32 to index
        %parallel_loop3A_480 = arith.constant 320 : index
        %parallel_loop3A_481 = tpu.vector_load %arg9[%parallel_loop3A_479, %parallel_loop3A_480] {strides = array<i32>} : memref<16x1024xf32, #tpu.memory_space<vmem>>, vector<1x16xf32>,
        %parallel_loop3A_482 = vector.shape_cast %parallel_loop3A_481 : vector<1x16xf32> to vector<16xf32>
        %parallel_loop3A_483 = vector.shape_cast %parallel_loop3A_478 : vector<16xf32> to vector<1x16xf32>
        tpu.vector_store %arg9[%parallel_loop3A_479, %parallel_loop3A_480], %parallel_loop3A_483 {strides = array<i32>} : memref<16x1024xf32, #tpu.memory_space<vmem>>, vector<1x16xf32>,
        %parallel_loop3A_484 = arith.index_cast %parallel_loop3A_189 : i32 to index
        %parallel_loop3A_485 = arith.constant 336 : index
        %parallel_loop3A_486 = tpu.vector_load %arg5[%parallel_loop3A_484, %parallel_loop3A_485] {strides = array<i32>} : memref<16x1024xf32, #tpu.memory_space<vmem>>, vector<1x16xf32>,
        %parallel_loop3A_487 = vector.shape_cast %parallel_loop3A_486 : vector<1x16xf32> to vector<16xf32>
        %parallel_loop3A_488 = arith.index_cast %parallel_loop3A_189 : i32 to index
        %parallel_loop3A_489 = arith.constant 336 : index
        %parallel_loop3A_490 = tpu.vector_load %arg7[%parallel_loop3A_488, %parallel_loop3A_489] {strides = array<i32>} : memref<16x1024xf32, #tpu.memory_space<vmem>>, vector<1x16xf32>,
        %parallel_loop3A_491 = vector.shape_cast %parallel_loop3A_490 : vector<1x16xf32> to vector<16xf32>
        %parallel_loop3A_492 = arith.addf %parallel_loop3A_487, %parallel_loop3A_491 : vector<16xf32>
        %parallel_loop3A_493 = arith.index_cast %parallel_loop3A_189 : i32 to index
        %parallel_loop3A_494 = arith.constant 336 : index
        %parallel_loop3A_495 = tpu.vector_load %arg9[%parallel_loop3A_493, %parallel_loop3A_494] {strides = array<i32>} : memref<16x1024xf32, #tpu.memory_space<vmem>>, vector<1x16xf32>,
        %parallel_loop3A_496 = vector.shape_cast %parallel_loop3A_495 : vector<1x16xf32> to vector<16xf32>
        %parallel_loop3A_497 = vector.shape_cast %parallel_loop3A_492 : vector<16xf32> to vector<1x16xf32>
        tpu.vector_store %arg9[%parallel_loop3A_493, %parallel_loop3A_494], %parallel_loop3A_497 {strides = array<i32>} : memref<16x1024xf32, #tpu.memory_space<vmem>>, vector<1x16xf32>,
        %parallel_loop3A_498 = arith.index_cast %parallel_loop3A_189 : i32 to index
        %parallel_loop3A_499 = arith.constant 352 : index
        %parallel_loop3A_500 = tpu.vector_load %arg5[%parallel_loop3A_498, %parallel_loop3A_499] {strides = array<i32>} : memref<16x1024xf32, #tpu.memory_space<vmem>>, vector<1x16xf32>,
        %parallel_loop3A_501 = vector.shape_cast %parallel_loop3A_500 : vector<1x16xf32> to vector<16xf32>
        %parallel_loop3A_502 = arith.index_cast %parallel_loop3A_189 : i32 to index
        %parallel_loop3A_503 = arith.constant 352 : index
        %parallel_loop3A_504 = tpu.vector_load %arg7[%parallel_loop3A_502, %parallel_loop3A_503] {strides = array<i32>} : memref<16x1024xf32, #tpu.memory_space<vmem>>, vector<1x16xf32>,
        %parallel_loop3A_505 = vector.shape_cast %parallel_loop3A_504 : vector<1x16xf32> to vector<16xf32>
        %parallel_loop3A_506 = arith.addf %parallel_loop3A_501, %parallel_loop3A_505 : vector<16xf32>
        %parallel_loop3A_507 = arith.index_cast %parallel_loop3A_189 : i32 to index
        %parallel_loop3A_508 = arith.constant 352 : index
        %parallel_loop3A_509 = tpu.vector_load %arg9[%parallel_loop3A_507, %parallel_loop3A_508] {strides = array<i32>} : memref<16x1024xf32, #tpu.memory_space<vmem>>, vector<1x16xf32>,
        %parallel_loop3A_510 = vector.shape_cast %parallel_loop3A_509 : vector<1x16xf32> to vector<16xf32>
        %parallel_loop3A_511 = vector.shape_cast %parallel_loop3A_506 : vector<16xf32> to vector<1x16xf32>
        tpu.vector_store %arg9[%parallel_loop3A_507, %parallel_loop3A_508], %parallel_loop3A_511 {strides = array<i32>} : memref<16x1024xf32, #tpu.memory_space<vmem>>, vector<1x16xf32>,
        %parallel_loop3A_512 = arith.index_cast %parallel_loop3A_189 : i32 to index
        %parallel_loop3A_513 = arith.constant 368 : index
        %parallel_loop3A_514 = tpu.vector_load %arg5[%parallel_loop3A_512, %parallel_loop3A_513] {strides = array<i32>} : memref<16x1024xf32, #tpu.memory_space<vmem>>, vector<1x16xf32>,
        %parallel_loop3A_515 = vector.shape_cast %parallel_loop3A_514 : vector<1x16xf32> to vector<16xf32>
        %parallel_loop3A_516 = arith.index_cast %parallel_loop3A_189 : i32 to index
        %parallel_loop3A_517 = arith.constant 368 : index
        %parallel_loop3A_518 = tpu.vector_load %arg7[%parallel_loop3A_516, %parallel_loop3A_517] {strides = array<i32>} : memref<16x1024xf32, #tpu.memory_space<vmem>>, vector<1x16xf32>,
        %parallel_loop3A_519 = vector.shape_cast %parallel_loop3A_518 : vector<1x16xf32> to vector<16xf32>
        %parallel_loop3A_520 = arith.addf %parallel_loop3A_515, %parallel_loop3A_519 : vector<16xf32>
        %parallel_loop3A_521 = arith.index_cast %parallel_loop3A_189 : i32 to index
        %parallel_loop3A_522 = arith.constant 368 : index
        %parallel_loop3A_523 = tpu.vector_load %arg9[%parallel_loop3A_521, %parallel_loop3A_522] {strides = array<i32>} : memref<16x1024xf32, #tpu.memory_space<vmem>>, vector<1x16xf32>,
        %parallel_loop3A_524 = vector.shape_cast %parallel_loop3A_523 : vector<1x16xf32> to vector<16xf32>
        %parallel_loop3A_525 = vector.shape_cast %parallel_loop3A_520 : vector<16xf32> to vector<1x16xf32>
        tpu.vector_store %arg9[%parallel_loop3A_521, %parallel_loop3A_522], %parallel_loop3A_525 {strides = array<i32>} : memref<16x1024xf32, #tpu.memory_space<vmem>>, vector<1x16xf32>,
        %parallel_loop3A_526 = arith.index_cast %parallel_loop3A_189 : i32 to index
        %parallel_loop3A_527 = arith.constant 384 : index
        %parallel_loop3A_528 = tpu.vector_load %arg5[%parallel_loop3A_526, %parallel_loop3A_527] {strides = array<i32>} : memref<16x1024xf32, #tpu.memory_space<vmem>>, vector<1x16xf32>,
        %parallel_loop3A_529 = vector.shape_cast %parallel_loop3A_528 : vector<1x16xf32> to vector<16xf32>
        %parallel_loop3A_530 = arith.index_cast %parallel_loop3A_189 : i32 to index
        %parallel_loop3A_531 = arith.constant 384 : index
        %parallel_loop3A_532 = tpu.vector_load %arg7[%parallel_loop3A_530, %parallel_loop3A_531] {strides = array<i32>} : memref<16x1024xf32, #tpu.memory_space<vmem>>, vector<1x16xf32>,
        %parallel_loop3A_533 = vector.shape_cast %parallel_loop3A_532 : vector<1x16xf32> to vector<16xf32>
        %parallel_loop3A_534 = arith.addf %parallel_loop3A_529, %parallel_loop3A_533 : vector<16xf32>
        %parallel_loop3A_535 = arith.index_cast %parallel_loop3A_189 : i32 to index
        %parallel_loop3A_536 = arith.constant 384 : index
        %parallel_loop3A_537 = tpu.vector_load %arg9[%parallel_loop3A_535, %parallel_loop3A_536] {strides = array<i32>} : memref<16x1024xf32, #tpu.memory_space<vmem>>, vector<1x16xf32>,
        %parallel_loop3A_538 = vector.shape_cast %parallel_loop3A_537 : vector<1x16xf32> to vector<16xf32>
        %parallel_loop3A_539 = vector.shape_cast %parallel_loop3A_534 : vector<16xf32> to vector<1x16xf32>
        tpu.vector_store %arg9[%parallel_loop3A_535, %parallel_loop3A_536], %parallel_loop3A_539 {strides = array<i32>} : memref<16x1024xf32, #tpu.memory_space<vmem>>, vector<1x16xf32>,
        %parallel_loop3A_540 = arith.index_cast %parallel_loop3A_189 : i32 to index
        %parallel_loop3A_541 = arith.constant 400 : index
        %parallel_loop3A_542 = tpu.vector_load %arg5[%parallel_loop3A_540, %parallel_loop3A_541] {strides = array<i32>} : memref<16x1024xf32, #tpu.memory_space<vmem>>, vector<1x16xf32>,
        %parallel_loop3A_543 = vector.shape_cast %parallel_loop3A_542 : vector<1x16xf32> to vector<16xf32>
        %parallel_loop3A_544 = arith.index_cast %parallel_loop3A_189 : i32 to index
        %parallel_loop3A_545 = arith.constant 400 : index
        %parallel_loop3A_546 = tpu.vector_load %arg7[%parallel_loop3A_544, %parallel_loop3A_545] {strides = array<i32>} : memref<16x1024xf32, #tpu.memory_space<vmem>>, vector<1x16xf32>,
        %parallel_loop3A_547 = vector.shape_cast %parallel_loop3A_546 : vector<1x16xf32> to vector<16xf32>
        %parallel_loop3A_548 = arith.addf %parallel_loop3A_543, %parallel_loop3A_547 : vector<16xf32>
        %parallel_loop3A_549 = arith.index_cast %parallel_loop3A_189 : i32 to index
        %parallel_loop3A_550 = arith.constant 400 : index
        %parallel_loop3A_551 = tpu.vector_load %arg9[%parallel_loop3A_549, %parallel_loop3A_550] {strides = array<i32>} : memref<16x1024xf32, #tpu.memory_space<vmem>>, vector<1x16xf32>,
        %parallel_loop3A_552 = vector.shape_cast %parallel_loop3A_551 : vector<1x16xf32> to vector<16xf32>
        %parallel_loop3A_553 = vector.shape_cast %parallel_loop3A_548 : vector<16xf32> to vector<1x16xf32>
        tpu.vector_store %arg9[%parallel_loop3A_549, %parallel_loop3A_550], %parallel_loop3A_553 {strides = array<i32>} : memref<16x1024xf32, #tpu.memory_space<vmem>>, vector<1x16xf32>,
        %parallel_loop3A_554 = arith.index_cast %parallel_loop3A_189 : i32 to index
        %parallel_loop3A_555 = arith.constant 416 : index
        %parallel_loop3A_556 = tpu.vector_load %arg5[%parallel_loop3A_554, %parallel_loop3A_555] {strides = array<i32>} : memref<16x1024xf32, #tpu.memory_space<vmem>>, vector<1x16xf32>,
        %parallel_loop3A_557 = vector.shape_cast %parallel_loop3A_556 : vector<1x16xf32> to vector<16xf32>
        %parallel_loop3A_558 = arith.index_cast %parallel_loop3A_189 : i32 to index
        %parallel_loop3A_559 = arith.constant 416 : index
        %parallel_loop3A_560 = tpu.vector_load %arg7[%parallel_loop3A_558, %parallel_loop3A_559] {strides = array<i32>} : memref<16x1024xf32, #tpu.memory_space<vmem>>, vector<1x16xf32>,
        %parallel_loop3A_561 = vector.shape_cast %parallel_loop3A_560 : vector<1x16xf32> to vector<16xf32>
        %parallel_loop3A_562 = arith.addf %parallel_loop3A_557, %parallel_loop3A_561 : vector<16xf32>
        %parallel_loop3A_563 = arith.index_cast %parallel_loop3A_189 : i32 to index
        %parallel_loop3A_564 = arith.constant 416 : index
        %parallel_loop3A_565 = tpu.vector_load %arg9[%parallel_loop3A_563, %parallel_loop3A_564] {strides = array<i32>} : memref<16x1024xf32, #tpu.memory_space<vmem>>, vector<1x16xf32>,
        %parallel_loop3A_566 = vector.shape_cast %parallel_loop3A_565 : vector<1x16xf32> to vector<16xf32>
        %parallel_loop3A_567 = vector.shape_cast %parallel_loop3A_562 : vector<16xf32> to vector<1x16xf32>
        tpu.vector_store %arg9[%parallel_loop3A_563, %parallel_loop3A_564], %parallel_loop3A_567 {strides = array<i32>} : memref<16x1024xf32, #tpu.memory_space<vmem>>, vector<1x16xf32>,
        %parallel_loop3A_568 = arith.index_cast %parallel_loop3A_189 : i32 to index
        %parallel_loop3A_569 = arith.constant 432 : index
        %parallel_loop3A_570 = tpu.vector_load %arg5[%parallel_loop3A_568, %parallel_loop3A_569] {strides = array<i32>} : memref<16x1024xf32, #tpu.memory_space<vmem>>, vector<1x16xf32>,
        %parallel_loop3A_571 = vector.shape_cast %parallel_loop3A_570 : vector<1x16xf32> to vector<16xf32>
        %parallel_loop3A_572 = arith.index_cast %parallel_loop3A_189 : i32 to index
        %parallel_loop3A_573 = arith.constant 432 : index
        %parallel_loop3A_574 = tpu.vector_load %arg7[%parallel_loop3A_572, %parallel_loop3A_573] {strides = array<i32>} : memref<16x1024xf32, #tpu.memory_space<vmem>>, vector<1x16xf32>,
        %parallel_loop3A_575 = vector.shape_cast %parallel_loop3A_574 : vector<1x16xf32> to vector<16xf32>
        %parallel_loop3A_576 = arith.addf %parallel_loop3A_571, %parallel_loop3A_575 : vector<16xf32>
        %parallel_loop3A_577 = arith.index_cast %parallel_loop3A_189 : i32 to index
        %parallel_loop3A_578 = arith.constant 432 : index
        %parallel_loop3A_579 = tpu.vector_load %arg9[%parallel_loop3A_577, %parallel_loop3A_578] {strides = array<i32>} : memref<16x1024xf32, #tpu.memory_space<vmem>>, vector<1x16xf32>,
        %parallel_loop3A_580 = vector.shape_cast %parallel_loop3A_579 : vector<1x16xf32> to vector<16xf32>
        %parallel_loop3A_581 = vector.shape_cast %parallel_loop3A_576 : vector<16xf32> to vector<1x16xf32>
        tpu.vector_store %arg9[%parallel_loop3A_577, %parallel_loop3A_578], %parallel_loop3A_581 {strides = array<i32>} : memref<16x1024xf32, #tpu.memory_space<vmem>>, vector<1x16xf32>,
        %parallel_loop3A_582 = arith.index_cast %parallel_loop3A_189 : i32 to index
        %parallel_loop3A_583 = arith.constant 448 : index
        %parallel_loop3A_584 = tpu.vector_load %arg5[%parallel_loop3A_582, %parallel_loop3A_583] {strides = array<i32>} : memref<16x1024xf32, #tpu.memory_space<vmem>>, vector<1x16xf32>,
        %parallel_loop3A_585 = vector.shape_cast %parallel_loop3A_584 : vector<1x16xf32> to vector<16xf32>
        %parallel_loop3A_586 = arith.index_cast %parallel_loop3A_189 : i32 to index
        %parallel_loop3A_587 = arith.constant 448 : index
        %parallel_loop3A_588 = tpu.vector_load %arg7[%parallel_loop3A_586, %parallel_loop3A_587] {strides = array<i32>} : memref<16x1024xf32, #tpu.memory_space<vmem>>, vector<1x16xf32>,
        %parallel_loop3A_589 = vector.shape_cast %parallel_loop3A_588 : vector<1x16xf32> to vector<16xf32>
        %parallel_loop3A_590 = arith.addf %parallel_loop3A_585, %parallel_loop3A_589 : vector<16xf32>
        %parallel_loop3A_591 = arith.index_cast %parallel_loop3A_189 : i32 to index
        %parallel_loop3A_592 = arith.constant 448 : index
        %parallel_loop3A_593 = tpu.vector_load %arg9[%parallel_loop3A_591, %parallel_loop3A_592] {strides = array<i32>} : memref<16x1024xf32, #tpu.memory_space<vmem>>, vector<1x16xf32>,
        %parallel_loop3A_594 = vector.shape_cast %parallel_loop3A_593 : vector<1x16xf32> to vector<16xf32>
        %parallel_loop3A_595 = vector.shape_cast %parallel_loop3A_590 : vector<16xf32> to vector<1x16xf32>
        tpu.vector_store %arg9[%parallel_loop3A_591, %parallel_loop3A_592], %parallel_loop3A_595 {strides = array<i32>} : memref<16x1024xf32, #tpu.memory_space<vmem>>, vector<1x16xf32>,
        %parallel_loop3A_596 = arith.index_cast %parallel_loop3A_189 : i32 to index
        %parallel_loop3A_597 = arith.constant 464 : index
        %parallel_loop3A_598 = tpu.vector_load %arg5[%parallel_loop3A_596, %parallel_loop3A_597] {strides = array<i32>} : memref<16x1024xf32, #tpu.memory_space<vmem>>, vector<1x16xf32>,
        %parallel_loop3A_599 = vector.shape_cast %parallel_loop3A_598 : vector<1x16xf32> to vector<16xf32>
        %parallel_loop3A_600 = arith.index_cast %parallel_loop3A_189 : i32 to index
        %parallel_loop3A_601 = arith.constant 464 : index
        %parallel_loop3A_602 = tpu.vector_load %arg7[%parallel_loop3A_600, %parallel_loop3A_601] {strides = array<i32>} : memref<16x1024xf32, #tpu.memory_space<vmem>>, vector<1x16xf32>,
        %parallel_loop3A_603 = vector.shape_cast %parallel_loop3A_602 : vector<1x16xf32> to vector<16xf32>
        %parallel_loop3A_604 = arith.addf %parallel_loop3A_599, %parallel_loop3A_603 : vector<16xf32>
        %parallel_loop3A_605 = arith.index_cast %parallel_loop3A_189 : i32 to index
        %parallel_loop3A_606 = arith.constant 464 : index
        %parallel_loop3A_607 = tpu.vector_load %arg9[%parallel_loop3A_605, %parallel_loop3A_606] {strides = array<i32>} : memref<16x1024xf32, #tpu.memory_space<vmem>>, vector<1x16xf32>,
        %parallel_loop3A_608 = vector.shape_cast %parallel_loop3A_607 : vector<1x16xf32> to vector<16xf32>
        %parallel_loop3A_609 = vector.shape_cast %parallel_loop3A_604 : vector<16xf32> to vector<1x16xf32>
        tpu.vector_store %arg9[%parallel_loop3A_605, %parallel_loop3A_606], %parallel_loop3A_609 {strides = array<i32>} : memref<16x1024xf32, #tpu.memory_space<vmem>>, vector<1x16xf32>,
        %parallel_loop3A_610 = arith.index_cast %parallel_loop3A_189 : i32 to index
        %parallel_loop3A_611 = arith.constant 480 : index
        %parallel_loop3A_612 = tpu.vector_load %arg5[%parallel_loop3A_610, %parallel_loop3A_611] {strides = array<i32>} : memref<16x1024xf32, #tpu.memory_space<vmem>>, vector<1x16xf32>,
        %parallel_loop3A_613 = vector.shape_cast %parallel_loop3A_612 : vector<1x16xf32> to vector<16xf32>
        %parallel_loop3A_614 = arith.index_cast %parallel_loop3A_189 : i32 to index
        %parallel_loop3A_615 = arith.constant 480 : index
        %parallel_loop3A_616 = tpu.vector_load %arg7[%parallel_loop3A_614, %parallel_loop3A_615] {strides = array<i32>} : memref<16x1024xf32, #tpu.memory_space<vmem>>, vector<1x16xf32>,
        %parallel_loop3A_617 = vector.shape_cast %parallel_loop3A_616 : vector<1x16xf32> to vector<16xf32>
        %parallel_loop3A_618 = arith.addf %parallel_loop3A_613, %parallel_loop3A_617 : vector<16xf32>
        %parallel_loop3A_619 = arith.index_cast %parallel_loop3A_189 : i32 to index
        %parallel_loop3A_620 = arith.constant 480 : index
        %parallel_loop3A_621 = tpu.vector_load %arg9[%parallel_loop3A_619, %parallel_loop3A_620] {strides = array<i32>} : memref<16x1024xf32, #tpu.memory_space<vmem>>, vector<1x16xf32>,
        %parallel_loop3A_622 = vector.shape_cast %parallel_loop3A_621 : vector<1x16xf32> to vector<16xf32>
        %parallel_loop3A_623 = vector.shape_cast %parallel_loop3A_618 : vector<16xf32> to vector<1x16xf32>
        tpu.vector_store %arg9[%parallel_loop3A_619, %parallel_loop3A_620], %parallel_loop3A_623 {strides = array<i32>} : memref<16x1024xf32, #tpu.memory_space<vmem>>, vector<1x16xf32>,
        %parallel_loop3A_624 = arith.index_cast %parallel_loop3A_189 : i32 to index
        %parallel_loop3A_625 = arith.constant 496 : index
        %parallel_loop3A_626 = tpu.vector_load %arg5[%parallel_loop3A_624, %parallel_loop3A_625] {strides = array<i32>} : memref<16x1024xf32, #tpu.memory_space<vmem>>, vector<1x16xf32>,
        %parallel_loop3A_627 = vector.shape_cast %parallel_loop3A_626 : vector<1x16xf32> to vector<16xf32>
        %parallel_loop3A_628 = arith.index_cast %parallel_loop3A_189 : i32 to index
        %parallel_loop3A_629 = arith.constant 496 : index
        %parallel_loop3A_630 = tpu.vector_load %arg7[%parallel_loop3A_628, %parallel_loop3A_629] {strides = array<i32>} : memref<16x1024xf32, #tpu.memory_space<vmem>>, vector<1x16xf32>,
        %parallel_loop3A_631 = vector.shape_cast %parallel_loop3A_630 : vector<1x16xf32> to vector<16xf32>
        %parallel_loop3A_632 = arith.addf %parallel_loop3A_627, %parallel_loop3A_631 : vector<16xf32>
        %parallel_loop3A_633 = arith.index_cast %parallel_loop3A_189 : i32 to index
        %parallel_loop3A_634 = arith.constant 496 : index
        %parallel_loop3A_635 = tpu.vector_load %arg9[%parallel_loop3A_633, %parallel_loop3A_634] {strides = array<i32>} : memref<16x1024xf32, #tpu.memory_space<vmem>>, vector<1x16xf32>,
        %parallel_loop3A_636 = vector.shape_cast %parallel_loop3A_635 : vector<1x16xf32> to vector<16xf32>
        %parallel_loop3A_637 = vector.shape_cast %parallel_loop3A_632 : vector<16xf32> to vector<1x16xf32>
        tpu.vector_store %arg9[%parallel_loop3A_633, %parallel_loop3A_634], %parallel_loop3A_637 {strides = array<i32>} : memref<16x1024xf32, #tpu.memory_space<vmem>>, vector<1x16xf32>,
        %parallel_loop3A_638 = arith.index_cast %parallel_loop3A_189 : i32 to index
        %parallel_loop3A_639 = arith.constant 512 : index
        %parallel_loop3A_640 = tpu.vector_load %arg5[%parallel_loop3A_638, %parallel_loop3A_639] {strides = array<i32>} : memref<16x1024xf32, #tpu.memory_space<vmem>>, vector<1x16xf32>,
        %parallel_loop3A_641 = vector.shape_cast %parallel_loop3A_640 : vector<1x16xf32> to vector<16xf32>
        %parallel_loop3A_642 = arith.index_cast %parallel_loop3A_189 : i32 to index
        %parallel_loop3A_643 = arith.constant 512 : index
        %parallel_loop3A_644 = tpu.vector_load %arg7[%parallel_loop3A_642, %parallel_loop3A_643] {strides = array<i32>} : memref<16x1024xf32, #tpu.memory_space<vmem>>, vector<1x16xf32>,
        %parallel_loop3A_645 = vector.shape_cast %parallel_loop3A_644 : vector<1x16xf32> to vector<16xf32>
        %parallel_loop3A_646 = arith.addf %parallel_loop3A_641, %parallel_loop3A_645 : vector<16xf32>
        %parallel_loop3A_647 = arith.index_cast %parallel_loop3A_189 : i32 to index
        %parallel_loop3A_648 = arith.constant 512 : index
        %parallel_loop3A_649 = tpu.vector_load %arg9[%parallel_loop3A_647, %parallel_loop3A_648] {strides = array<i32>} : memref<16x1024xf32, #tpu.memory_space<vmem>>, vector<1x16xf32>,
        %parallel_loop3A_650 = vector.shape_cast %parallel_loop3A_649 : vector<1x16xf32> to vector<16xf32>
        %parallel_loop3A_651 = vector.shape_cast %parallel_loop3A_646 : vector<16xf32> to vector<1x16xf32>
        tpu.vector_store %arg9[%parallel_loop3A_647, %parallel_loop3A_648], %parallel_loop3A_651 {strides = array<i32>} : memref<16x1024xf32, #tpu.memory_space<vmem>>, vector<1x16xf32>,
        %parallel_loop3A_652 = arith.index_cast %parallel_loop3A_189 : i32 to index
        %parallel_loop3A_653 = arith.constant 528 : index
        %parallel_loop3A_654 = tpu.vector_load %arg5[%parallel_loop3A_652, %parallel_loop3A_653] {strides = array<i32>} : memref<16x1024xf32, #tpu.memory_space<vmem>>, vector<1x16xf32>,
        %parallel_loop3A_655 = vector.shape_cast %parallel_loop3A_654 : vector<1x16xf32> to vector<16xf32>
        %parallel_loop3A_656 = arith.index_cast %parallel_loop3A_189 : i32 to index
        %parallel_loop3A_657 = arith.constant 528 : index
        %parallel_loop3A_658 = tpu.vector_load %arg7[%parallel_loop3A_656, %parallel_loop3A_657] {strides = array<i32>} : memref<16x1024xf32, #tpu.memory_space<vmem>>, vector<1x16xf32>,
        %parallel_loop3A_659 = vector.shape_cast %parallel_loop3A_658 : vector<1x16xf32> to vector<16xf32>
        %parallel_loop3A_660 = arith.addf %parallel_loop3A_655, %parallel_loop3A_659 : vector<16xf32>
        %parallel_loop3A_661 = arith.index_cast %parallel_loop3A_189 : i32 to index
        %parallel_loop3A_662 = arith.constant 528 : index
        %parallel_loop3A_663 = tpu.vector_load %arg9[%parallel_loop3A_661, %parallel_loop3A_662] {strides = array<i32>} : memref<16x1024xf32, #tpu.memory_space<vmem>>, vector<1x16xf32>,
        %parallel_loop3A_664 = vector.shape_cast %parallel_loop3A_663 : vector<1x16xf32> to vector<16xf32>
        %parallel_loop3A_665 = vector.shape_cast %parallel_loop3A_660 : vector<16xf32> to vector<1x16xf32>
        tpu.vector_store %arg9[%parallel_loop3A_661, %parallel_loop3A_662], %parallel_loop3A_665 {strides = array<i32>} : memref<16x1024xf32, #tpu.memory_space<vmem>>, vector<1x16xf32>,
        %parallel_loop3A_666 = arith.index_cast %parallel_loop3A_189 : i32 to index
        %parallel_loop3A_667 = arith.constant 544 : index
        %parallel_loop3A_668 = tpu.vector_load %arg5[%parallel_loop3A_666, %parallel_loop3A_667] {strides = array<i32>} : memref<16x1024xf32, #tpu.memory_space<vmem>>, vector<1x16xf32>,
        %parallel_loop3A_669 = vector.shape_cast %parallel_loop3A_668 : vector<1x16xf32> to vector<16xf32>
        %parallel_loop3A_670 = arith.index_cast %parallel_loop3A_189 : i32 to index
        %parallel_loop3A_671 = arith.constant 544 : index
        %parallel_loop3A_672 = tpu.vector_load %arg7[%parallel_loop3A_670, %parallel_loop3A_671] {strides = array<i32>} : memref<16x1024xf32, #tpu.memory_space<vmem>>, vector<1x16xf32>,
        %parallel_loop3A_673 = vector.shape_cast %parallel_loop3A_672 : vector<1x16xf32> to vector<16xf32>
        %parallel_loop3A_674 = arith.addf %parallel_loop3A_669, %parallel_loop3A_673 : vector<16xf32>
        %parallel_loop3A_675 = arith.index_cast %parallel_loop3A_189 : i32 to index
        %parallel_loop3A_676 = arith.constant 544 : index
        %parallel_loop3A_677 = tpu.vector_load %arg9[%parallel_loop3A_675, %parallel_loop3A_676] {strides = array<i32>} : memref<16x1024xf32, #tpu.memory_space<vmem>>, vector<1x16xf32>,
        %parallel_loop3A_678 = vector.shape_cast %parallel_loop3A_677 : vector<1x16xf32> to vector<16xf32>
        %parallel_loop3A_679 = vector.shape_cast %parallel_loop3A_674 : vector<16xf32> to vector<1x16xf32>
        tpu.vector_store %arg9[%parallel_loop3A_675, %parallel_loop3A_676], %parallel_loop3A_679 {strides = array<i32>} : memref<16x1024xf32, #tpu.memory_space<vmem>>, vector<1x16xf32>,
        %parallel_loop3A_680 = arith.index_cast %parallel_loop3A_189 : i32 to index
        %parallel_loop3A_681 = arith.constant 560 : index
        %parallel_loop3A_682 = tpu.vector_load %arg5[%parallel_loop3A_680, %parallel_loop3A_681] {strides = array<i32>} : memref<16x1024xf32, #tpu.memory_space<vmem>>, vector<1x16xf32>,
        %parallel_loop3A_683 = vector.shape_cast %parallel_loop3A_682 : vector<1x16xf32> to vector<16xf32>
        %parallel_loop3A_684 = arith.index_cast %parallel_loop3A_189 : i32 to index
        %parallel_loop3A_685 = arith.constant 560 : index
        %parallel_loop3A_686 = tpu.vector_load %arg7[%parallel_loop3A_684, %parallel_loop3A_685] {strides = array<i32>} : memref<16x1024xf32, #tpu.memory_space<vmem>>, vector<1x16xf32>,
        %parallel_loop3A_687 = vector.shape_cast %parallel_loop3A_686 : vector<1x16xf32> to vector<16xf32>
        %parallel_loop3A_688 = arith.addf %parallel_loop3A_683, %parallel_loop3A_687 : vector<16xf32>
        %parallel_loop3A_689 = arith.index_cast %parallel_loop3A_189 : i32 to index
        %parallel_loop3A_690 = arith.constant 560 : index
        %parallel_loop3A_691 = tpu.vector_load %arg9[%parallel_loop3A_689, %parallel_loop3A_690] {strides = array<i32>} : memref<16x1024xf32, #tpu.memory_space<vmem>>, vector<1x16xf32>,
        %parallel_loop3A_692 = vector.shape_cast %parallel_loop3A_691 : vector<1x16xf32> to vector<16xf32>
        %parallel_loop3A_693 = vector.shape_cast %parallel_loop3A_688 : vector<16xf32> to vector<1x16xf32>
        tpu.vector_store %arg9[%parallel_loop3A_689, %parallel_loop3A_690], %parallel_loop3A_693 {strides = array<i32>} : memref<16x1024xf32, #tpu.memory_space<vmem>>, vector<1x16xf32>,
        %parallel_loop3A_694 = arith.index_cast %parallel_loop3A_189 : i32 to index
        %parallel_loop3A_695 = arith.constant 576 : index
        %parallel_loop3A_696 = tpu.vector_load %arg5[%parallel_loop3A_694, %parallel_loop3A_695] {strides = array<i32>} : memref<16x1024xf32, #tpu.memory_space<vmem>>, vector<1x16xf32>,
        %parallel_loop3A_697 = vector.shape_cast %parallel_loop3A_696 : vector<1x16xf32> to vector<16xf32>
        %parallel_loop3A_698 = arith.index_cast %parallel_loop3A_189 : i32 to index
        %parallel_loop3A_699 = arith.constant 576 : index
        %parallel_loop3A_700 = tpu.vector_load %arg7[%parallel_loop3A_698, %parallel_loop3A_699] {strides = array<i32>} : memref<16x1024xf32, #tpu.memory_space<vmem>>, vector<1x16xf32>,
        %parallel_loop3A_701 = vector.shape_cast %parallel_loop3A_700 : vector<1x16xf32> to vector<16xf32>
        %parallel_loop3A_702 = arith.addf %parallel_loop3A_697, %parallel_loop3A_701 : vector<16xf32>
        %parallel_loop3A_703 = arith.index_cast %parallel_loop3A_189 : i32 to index
        %parallel_loop3A_704 = arith.constant 576 : index
        %parallel_loop3A_705 = tpu.vector_load %arg9[%parallel_loop3A_703, %parallel_loop3A_704] {strides = array<i32>} : memref<16x1024xf32, #tpu.memory_space<vmem>>, vector<1x16xf32>,
        %parallel_loop3A_706 = vector.shape_cast %parallel_loop3A_705 : vector<1x16xf32> to vector<16xf32>
        %parallel_loop3A_707 = vector.shape_cast %parallel_loop3A_702 : vector<16xf32> to vector<1x16xf32>
        tpu.vector_store %arg9[%parallel_loop3A_703, %parallel_loop3A_704], %parallel_loop3A_707 {strides = array<i32>} : memref<16x1024xf32, #tpu.memory_space<vmem>>, vector<1x16xf32>,
        %parallel_loop3A_708 = arith.index_cast %parallel_loop3A_189 : i32 to index
        %parallel_loop3A_709 = arith.constant 592 : index
        %parallel_loop3A_710 = tpu.vector_load %arg5[%parallel_loop3A_708, %parallel_loop3A_709] {strides = array<i32>} : memref<16x1024xf32, #tpu.memory_space<vmem>>, vector<1x16xf32>,
        %parallel_loop3A_711 = vector.shape_cast %parallel_loop3A_710 : vector<1x16xf32> to vector<16xf32>
        %parallel_loop3A_712 = arith.index_cast %parallel_loop3A_189 : i32 to index
        %parallel_loop3A_713 = arith.constant 592 : index
        %parallel_loop3A_714 = tpu.vector_load %arg7[%parallel_loop3A_712, %parallel_loop3A_713] {strides = array<i32>} : memref<16x1024xf32, #tpu.memory_space<vmem>>, vector<1x16xf32>,
        %parallel_loop3A_715 = vector.shape_cast %parallel_loop3A_714 : vector<1x16xf32> to vector<16xf32>
        %parallel_loop3A_716 = arith.addf %parallel_loop3A_711, %parallel_loop3A_715 : vector<16xf32>
        %parallel_loop3A_717 = arith.index_cast %parallel_loop3A_189 : i32 to index
        %parallel_loop3A_718 = arith.constant 592 : index
        %parallel_loop3A_719 = tpu.vector_load %arg9[%parallel_loop3A_717, %parallel_loop3A_718] {strides = array<i32>} : memref<16x1024xf32, #tpu.memory_space<vmem>>, vector<1x16xf32>,
        %parallel_loop3A_720 = vector.shape_cast %parallel_loop3A_719 : vector<1x16xf32> to vector<16xf32>
        %parallel_loop3A_721 = vector.shape_cast %parallel_loop3A_716 : vector<16xf32> to vector<1x16xf32>
        tpu.vector_store %arg9[%parallel_loop3A_717, %parallel_loop3A_718], %parallel_loop3A_721 {strides = array<i32>} : memref<16x1024xf32, #tpu.memory_space<vmem>>, vector<1x16xf32>,
        %parallel_loop3A_722 = arith.index_cast %parallel_loop3A_189 : i32 to index
        %parallel_loop3A_723 = arith.constant 608 : index
        %parallel_loop3A_724 = tpu.vector_load %arg5[%parallel_loop3A_722, %parallel_loop3A_723] {strides = array<i32>} : memref<16x1024xf32, #tpu.memory_space<vmem>>, vector<1x16xf32>,
        %parallel_loop3A_725 = vector.shape_cast %parallel_loop3A_724 : vector<1x16xf32> to vector<16xf32>
        %parallel_loop3A_726 = arith.index_cast %parallel_loop3A_189 : i32 to index
        %parallel_loop3A_727 = arith.constant 608 : index
        %parallel_loop3A_728 = tpu.vector_load %arg7[%parallel_loop3A_726, %parallel_loop3A_727] {strides = array<i32>} : memref<16x1024xf32, #tpu.memory_space<vmem>>, vector<1x16xf32>,
        %parallel_loop3A_729 = vector.shape_cast %parallel_loop3A_728 : vector<1x16xf32> to vector<16xf32>
        %parallel_loop3A_730 = arith.addf %parallel_loop3A_725, %parallel_loop3A_729 : vector<16xf32>
        %parallel_loop3A_731 = arith.index_cast %parallel_loop3A_189 : i32 to index
        %parallel_loop3A_732 = arith.constant 608 : index
        %parallel_loop3A_733 = tpu.vector_load %arg9[%parallel_loop3A_731, %parallel_loop3A_732] {strides = array<i32>} : memref<16x1024xf32, #tpu.memory_space<vmem>>, vector<1x16xf32>,
        %parallel_loop3A_734 = vector.shape_cast %parallel_loop3A_733 : vector<1x16xf32> to vector<16xf32>
        %parallel_loop3A_735 = vector.shape_cast %parallel_loop3A_730 : vector<16xf32> to vector<1x16xf32>
        tpu.vector_store %arg9[%parallel_loop3A_731, %parallel_loop3A_732], %parallel_loop3A_735 {strides = array<i32>} : memref<16x1024xf32, #tpu.memory_space<vmem>>, vector<1x16xf32>,
        %parallel_loop3A_736 = arith.index_cast %parallel_loop3A_189 : i32 to index
        %parallel_loop3A_737 = arith.constant 624 : index
        %parallel_loop3A_738 = tpu.vector_load %arg5[%parallel_loop3A_736, %parallel_loop3A_737] {strides = array<i32>} : memref<16x1024xf32, #tpu.memory_space<vmem>>, vector<1x16xf32>,
        %parallel_loop3A_739 = vector.shape_cast %parallel_loop3A_738 : vector<1x16xf32> to vector<16xf32>
        %parallel_loop3A_740 = arith.index_cast %parallel_loop3A_189 : i32 to index
        %parallel_loop3A_741 = arith.constant 624 : index
        %parallel_loop3A_742 = tpu.vector_load %arg7[%parallel_loop3A_740, %parallel_loop3A_741] {strides = array<i32>} : memref<16x1024xf32, #tpu.memory_space<vmem>>, vector<1x16xf32>,
        %parallel_loop3A_743 = vector.shape_cast %parallel_loop3A_742 : vector<1x16xf32> to vector<16xf32>
        %parallel_loop3A_744 = arith.addf %parallel_loop3A_739, %parallel_loop3A_743 : vector<16xf32>
        %parallel_loop3A_745 = arith.index_cast %parallel_loop3A_189 : i32 to index
        %parallel_loop3A_746 = arith.constant 624 : index
        %parallel_loop3A_747 = tpu.vector_load %arg9[%parallel_loop3A_745, %parallel_loop3A_746] {strides = array<i32>} : memref<16x1024xf32, #tpu.memory_space<vmem>>, vector<1x16xf32>,
        %parallel_loop3A_748 = vector.shape_cast %parallel_loop3A_747 : vector<1x16xf32> to vector<16xf32>
        %parallel_loop3A_749 = vector.shape_cast %parallel_loop3A_744 : vector<16xf32> to vector<1x16xf32>
        tpu.vector_store %arg9[%parallel_loop3A_745, %parallel_loop3A_746], %parallel_loop3A_749 {strides = array<i32>} : memref<16x1024xf32, #tpu.memory_space<vmem>>, vector<1x16xf32>,
        %parallel_loop3A_750 = arith.index_cast %parallel_loop3A_189 : i32 to index
        %parallel_loop3A_751 = arith.constant 640 : index
        %parallel_loop3A_752 = tpu.vector_load %arg5[%parallel_loop3A_750, %parallel_loop3A_751] {strides = array<i32>} : memref<16x1024xf32, #tpu.memory_space<vmem>>, vector<1x16xf32>,
        %parallel_loop3A_753 = vector.shape_cast %parallel_loop3A_752 : vector<1x16xf32> to vector<16xf32>
        %parallel_loop3A_754 = arith.index_cast %parallel_loop3A_189 : i32 to index
        %parallel_loop3A_755 = arith.constant 640 : index
        %parallel_loop3A_756 = tpu.vector_load %arg7[%parallel_loop3A_754, %parallel_loop3A_755] {strides = array<i32>} : memref<16x1024xf32, #tpu.memory_space<vmem>>, vector<1x16xf32>,
        %parallel_loop3A_757 = vector.shape_cast %parallel_loop3A_756 : vector<1x16xf32> to vector<16xf32>
        %parallel_loop3A_758 = arith.addf %parallel_loop3A_753, %parallel_loop3A_757 : vector<16xf32>
        %parallel_loop3A_759 = arith.index_cast %parallel_loop3A_189 : i32 to index
        %parallel_loop3A_760 = arith.constant 640 : index
        %parallel_loop3A_761 = tpu.vector_load %arg9[%parallel_loop3A_759, %parallel_loop3A_760] {strides = array<i32>} : memref<16x1024xf32, #tpu.memory_space<vmem>>, vector<1x16xf32>,
        %parallel_loop3A_762 = vector.shape_cast %parallel_loop3A_761 : vector<1x16xf32> to vector<16xf32>
        %parallel_loop3A_763 = vector.shape_cast %parallel_loop3A_758 : vector<16xf32> to vector<1x16xf32>
        tpu.vector_store %arg9[%parallel_loop3A_759, %parallel_loop3A_760], %parallel_loop3A_763 {strides = array<i32>} : memref<16x1024xf32, #tpu.memory_space<vmem>>, vector<1x16xf32>,
        %parallel_loop3A_764 = arith.index_cast %parallel_loop3A_189 : i32 to index
        %parallel_loop3A_765 = arith.constant 656 : index
        %parallel_loop3A_766 = tpu.vector_load %arg5[%parallel_loop3A_764, %parallel_loop3A_765] {strides = array<i32>} : memref<16x1024xf32, #tpu.memory_space<vmem>>, vector<1x16xf32>,
        %parallel_loop3A_767 = vector.shape_cast %parallel_loop3A_766 : vector<1x16xf32> to vector<16xf32>
        %parallel_loop3A_768 = arith.index_cast %parallel_loop3A_189 : i32 to index
        %parallel_loop3A_769 = arith.constant 656 : index
        %parallel_loop3A_770 = tpu.vector_load %arg7[%parallel_loop3A_768, %parallel_loop3A_769] {strides = array<i32>} : memref<16x1024xf32, #tpu.memory_space<vmem>>, vector<1x16xf32>,
        %parallel_loop3A_771 = vector.shape_cast %parallel_loop3A_770 : vector<1x16xf32> to vector<16xf32>
        %parallel_loop3A_772 = arith.addf %parallel_loop3A_767, %parallel_loop3A_771 : vector<16xf32>
        %parallel_loop3A_773 = arith.index_cast %parallel_loop3A_189 : i32 to index
        %parallel_loop3A_774 = arith.constant 656 : index
        %parallel_loop3A_775 = tpu.vector_load %arg9[%parallel_loop3A_773, %parallel_loop3A_774] {strides = array<i32>} : memref<16x1024xf32, #tpu.memory_space<vmem>>, vector<1x16xf32>,
        %parallel_loop3A_776 = vector.shape_cast %parallel_loop3A_775 : vector<1x16xf32> to vector<16xf32>
        %parallel_loop3A_777 = vector.shape_cast %parallel_loop3A_772 : vector<16xf32> to vector<1x16xf32>
        tpu.vector_store %arg9[%parallel_loop3A_773, %parallel_loop3A_774], %parallel_loop3A_777 {strides = array<i32>} : memref<16x1024xf32, #tpu.memory_space<vmem>>, vector<1x16xf32>,
        %parallel_loop3A_778 = arith.index_cast %parallel_loop3A_189 : i32 to index
        %parallel_loop3A_779 = arith.constant 672 : index
        %parallel_loop3A_780 = tpu.vector_load %arg5[%parallel_loop3A_778, %parallel_loop3A_779] {strides = array<i32>} : memref<16x1024xf32, #tpu.memory_space<vmem>>, vector<1x16xf32>,
        %parallel_loop3A_781 = vector.shape_cast %parallel_loop3A_780 : vector<1x16xf32> to vector<16xf32>
        %parallel_loop3A_782 = arith.index_cast %parallel_loop3A_189 : i32 to index
        %parallel_loop3A_783 = arith.constant 672 : index
        %parallel_loop3A_784 = tpu.vector_load %arg7[%parallel_loop3A_782, %parallel_loop3A_783] {strides = array<i32>} : memref<16x1024xf32, #tpu.memory_space<vmem>>, vector<1x16xf32>,
        %parallel_loop3A_785 = vector.shape_cast %parallel_loop3A_784 : vector<1x16xf32> to vector<16xf32>
        %parallel_loop3A_786 = arith.addf %parallel_loop3A_781, %parallel_loop3A_785 : vector<16xf32>
        %parallel_loop3A_787 = arith.index_cast %parallel_loop3A_189 : i32 to index
        %parallel_loop3A_788 = arith.constant 672 : index
        %parallel_loop3A_789 = tpu.vector_load %arg9[%parallel_loop3A_787, %parallel_loop3A_788] {strides = array<i32>} : memref<16x1024xf32, #tpu.memory_space<vmem>>, vector<1x16xf32>,
        %parallel_loop3A_790 = vector.shape_cast %parallel_loop3A_789 : vector<1x16xf32> to vector<16xf32>
        %parallel_loop3A_791 = vector.shape_cast %parallel_loop3A_786 : vector<16xf32> to vector<1x16xf32>
        tpu.vector_store %arg9[%parallel_loop3A_787, %parallel_loop3A_788], %parallel_loop3A_791 {strides = array<i32>} : memref<16x1024xf32, #tpu.memory_space<vmem>>, vector<1x16xf32>,
        %parallel_loop3A_792 = arith.index_cast %parallel_loop3A_189 : i32 to index
        %parallel_loop3A_793 = arith.constant 688 : index
        %parallel_loop3A_794 = tpu.vector_load %arg5[%parallel_loop3A_792, %parallel_loop3A_793] {strides = array<i32>} : memref<16x1024xf32, #tpu.memory_space<vmem>>, vector<1x16xf32>,
        %parallel_loop3A_795 = vector.shape_cast %parallel_loop3A_794 : vector<1x16xf32> to vector<16xf32>
        %parallel_loop3A_796 = arith.index_cast %parallel_loop3A_189 : i32 to index
        %parallel_loop3A_797 = arith.constant 688 : index
        %parallel_loop3A_798 = tpu.vector_load %arg7[%parallel_loop3A_796, %parallel_loop3A_797] {strides = array<i32>} : memref<16x1024xf32, #tpu.memory_space<vmem>>, vector<1x16xf32>,
        %parallel_loop3A_799 = vector.shape_cast %parallel_loop3A_798 : vector<1x16xf32> to vector<16xf32>
        %parallel_loop3A_800 = arith.addf %parallel_loop3A_795, %parallel_loop3A_799 : vector<16xf32>
        %parallel_loop3A_801 = arith.index_cast %parallel_loop3A_189 : i32 to index
        %parallel_loop3A_802 = arith.constant 688 : index
        %parallel_loop3A_803 = tpu.vector_load %arg9[%parallel_loop3A_801, %parallel_loop3A_802] {strides = array<i32>} : memref<16x1024xf32, #tpu.memory_space<vmem>>, vector<1x16xf32>,
        %parallel_loop3A_804 = vector.shape_cast %parallel_loop3A_803 : vector<1x16xf32> to vector<16xf32>
        %parallel_loop3A_805 = vector.shape_cast %parallel_loop3A_800 : vector<16xf32> to vector<1x16xf32>
        tpu.vector_store %arg9[%parallel_loop3A_801, %parallel_loop3A_802], %parallel_loop3A_805 {strides = array<i32>} : memref<16x1024xf32, #tpu.memory_space<vmem>>, vector<1x16xf32>,
        %parallel_loop3A_806 = arith.index_cast %parallel_loop3A_189 : i32 to index
        %parallel_loop3A_807 = arith.constant 704 : index
        %parallel_loop3A_808 = tpu.vector_load %arg5[%parallel_loop3A_806, %parallel_loop3A_807] {strides = array<i32>} : memref<16x1024xf32, #tpu.memory_space<vmem>>, vector<1x16xf32>,
        %parallel_loop3A_809 = vector.shape_cast %parallel_loop3A_808 : vector<1x16xf32> to vector<16xf32>
        %parallel_loop3A_810 = arith.index_cast %parallel_loop3A_189 : i32 to index
        %parallel_loop3A_811 = arith.constant 704 : index
        %parallel_loop3A_812 = tpu.vector_load %arg7[%parallel_loop3A_810, %parallel_loop3A_811] {strides = array<i32>} : memref<16x1024xf32, #tpu.memory_space<vmem>>, vector<1x16xf32>,
        %parallel_loop3A_813 = vector.shape_cast %parallel_loop3A_812 : vector<1x16xf32> to vector<16xf32>
        %parallel_loop3A_814 = arith.addf %parallel_loop3A_809, %parallel_loop3A_813 : vector<16xf32>
        %parallel_loop3A_815 = arith.index_cast %parallel_loop3A_189 : i32 to index
        %parallel_loop3A_816 = arith.constant 704 : index
        %parallel_loop3A_817 = tpu.vector_load %arg9[%parallel_loop3A_815, %parallel_loop3A_816] {strides = array<i32>} : memref<16x1024xf32, #tpu.memory_space<vmem>>, vector<1x16xf32>,
        %parallel_loop3A_818 = vector.shape_cast %parallel_loop3A_817 : vector<1x16xf32> to vector<16xf32>
        %parallel_loop3A_819 = vector.shape_cast %parallel_loop3A_814 : vector<16xf32> to vector<1x16xf32>
        tpu.vector_store %arg9[%parallel_loop3A_815, %parallel_loop3A_816], %parallel_loop3A_819 {strides = array<i32>} : memref<16x1024xf32, #tpu.memory_space<vmem>>, vector<1x16xf32>,
        %parallel_loop3A_820 = arith.index_cast %parallel_loop3A_189 : i32 to index
        %parallel_loop3A_821 = arith.constant 720 : index
        %parallel_loop3A_822 = tpu.vector_load %arg5[%parallel_loop3A_820, %parallel_loop3A_821] {strides = array<i32>} : memref<16x1024xf32, #tpu.memory_space<vmem>>, vector<1x16xf32>,
        %parallel_loop3A_823 = vector.shape_cast %parallel_loop3A_822 : vector<1x16xf32> to vector<16xf32>
        %parallel_loop3A_824 = arith.index_cast %parallel_loop3A_189 : i32 to index
        %parallel_loop3A_825 = arith.constant 720 : index
        %parallel_loop3A_826 = tpu.vector_load %arg7[%parallel_loop3A_824, %parallel_loop3A_825] {strides = array<i32>} : memref<16x1024xf32, #tpu.memory_space<vmem>>, vector<1x16xf32>,
        %parallel_loop3A_827 = vector.shape_cast %parallel_loop3A_826 : vector<1x16xf32> to vector<16xf32>
        %parallel_loop3A_828 = arith.addf %parallel_loop3A_823, %parallel_loop3A_827 : vector<16xf32>
        %parallel_loop3A_829 = arith.index_cast %parallel_loop3A_189 : i32 to index
        %parallel_loop3A_830 = arith.constant 720 : index
        %parallel_loop3A_831 = tpu.vector_load %arg9[%parallel_loop3A_829, %parallel_loop3A_830] {strides = array<i32>} : memref<16x1024xf32, #tpu.memory_space<vmem>>, vector<1x16xf32>,
        %parallel_loop3A_832 = vector.shape_cast %parallel_loop3A_831 : vector<1x16xf32> to vector<16xf32>
        %parallel_loop3A_833 = vector.shape_cast %parallel_loop3A_828 : vector<16xf32> to vector<1x16xf32>
        tpu.vector_store %arg9[%parallel_loop3A_829, %parallel_loop3A_830], %parallel_loop3A_833 {strides = array<i32>} : memref<16x1024xf32, #tpu.memory_space<vmem>>, vector<1x16xf32>,
        %parallel_loop3A_834 = arith.index_cast %parallel_loop3A_189 : i32 to index
        %parallel_loop3A_835 = arith.constant 736 : index
        %parallel_loop3A_836 = tpu.vector_load %arg5[%parallel_loop3A_834, %parallel_loop3A_835] {strides = array<i32>} : memref<16x1024xf32, #tpu.memory_space<vmem>>, vector<1x16xf32>,
        %parallel_loop3A_837 = vector.shape_cast %parallel_loop3A_836 : vector<1x16xf32> to vector<16xf32>
        %parallel_loop3A_838 = arith.index_cast %parallel_loop3A_189 : i32 to index
        %parallel_loop3A_839 = arith.constant 736 : index
        %parallel_loop3A_840 = tpu.vector_load %arg7[%parallel_loop3A_838, %parallel_loop3A_839] {strides = array<i32>} : memref<16x1024xf32, #tpu.memory_space<vmem>>, vector<1x16xf32>,
        %parallel_loop3A_841 = vector.shape_cast %parallel_loop3A_840 : vector<1x16xf32> to vector<16xf32>
        %parallel_loop3A_842 = arith.addf %parallel_loop3A_837, %parallel_loop3A_841 : vector<16xf32>
        %parallel_loop3A_843 = arith.index_cast %parallel_loop3A_189 : i32 to index
        %parallel_loop3A_844 = arith.constant 736 : index
        %parallel_loop3A_845 = tpu.vector_load %arg9[%parallel_loop3A_843, %parallel_loop3A_844] {strides = array<i32>} : memref<16x1024xf32, #tpu.memory_space<vmem>>, vector<1x16xf32>,
        %parallel_loop3A_846 = vector.shape_cast %parallel_loop3A_845 : vector<1x16xf32> to vector<16xf32>
        %parallel_loop3A_847 = vector.shape_cast %parallel_loop3A_842 : vector<16xf32> to vector<1x16xf32>
        tpu.vector_store %arg9[%parallel_loop3A_843, %parallel_loop3A_844], %parallel_loop3A_847 {strides = array<i32>} : memref<16x1024xf32, #tpu.memory_space<vmem>>, vector<1x16xf32>,
        %parallel_loop3A_848 = arith.index_cast %parallel_loop3A_189 : i32 to index
        %parallel_loop3A_849 = arith.constant 752 : index
        %parallel_loop3A_850 = tpu.vector_load %arg5[%parallel_loop3A_848, %parallel_loop3A_849] {strides = array<i32>} : memref<16x1024xf32, #tpu.memory_space<vmem>>, vector<1x16xf32>,
        %parallel_loop3A_851 = vector.shape_cast %parallel_loop3A_850 : vector<1x16xf32> to vector<16xf32>
        %parallel_loop3A_852 = arith.index_cast %parallel_loop3A_189 : i32 to index
        %parallel_loop3A_853 = arith.constant 752 : index
        %parallel_loop3A_854 = tpu.vector_load %arg7[%parallel_loop3A_852, %parallel_loop3A_853] {strides = array<i32>} : memref<16x1024xf32, #tpu.memory_space<vmem>>, vector<1x16xf32>,
        %parallel_loop3A_855 = vector.shape_cast %parallel_loop3A_854 : vector<1x16xf32> to vector<16xf32>
        %parallel_loop3A_856 = arith.addf %parallel_loop3A_851, %parallel_loop3A_855 : vector<16xf32>
        %parallel_loop3A_857 = arith.index_cast %parallel_loop3A_189 : i32 to index
        %parallel_loop3A_858 = arith.constant 752 : index
        %parallel_loop3A_859 = tpu.vector_load %arg9[%parallel_loop3A_857, %parallel_loop3A_858] {strides = array<i32>} : memref<16x1024xf32, #tpu.memory_space<vmem>>, vector<1x16xf32>,
        %parallel_loop3A_860 = vector.shape_cast %parallel_loop3A_859 : vector<1x16xf32> to vector<16xf32>
        %parallel_loop3A_861 = vector.shape_cast %parallel_loop3A_856 : vector<16xf32> to vector<1x16xf32>
        tpu.vector_store %arg9[%parallel_loop3A_857, %parallel_loop3A_858], %parallel_loop3A_861 {strides = array<i32>} : memref<16x1024xf32, #tpu.memory_space<vmem>>, vector<1x16xf32>,
        %parallel_loop3A_862 = arith.index_cast %parallel_loop3A_189 : i32 to index
        %parallel_loop3A_863 = arith.constant 768 : index
        %parallel_loop3A_864 = tpu.vector_load %arg5[%parallel_loop3A_862, %parallel_loop3A_863] {strides = array<i32>} : memref<16x1024xf32, #tpu.memory_space<vmem>>, vector<1x16xf32>,
        %parallel_loop3A_865 = vector.shape_cast %parallel_loop3A_864 : vector<1x16xf32> to vector<16xf32>
        %parallel_loop3A_866 = arith.index_cast %parallel_loop3A_189 : i32 to index
        %parallel_loop3A_867 = arith.constant 768 : index
        %parallel_loop3A_868 = tpu.vector_load %arg7[%parallel_loop3A_866, %parallel_loop3A_867] {strides = array<i32>} : memref<16x1024xf32, #tpu.memory_space<vmem>>, vector<1x16xf32>,
        %parallel_loop3A_869 = vector.shape_cast %parallel_loop3A_868 : vector<1x16xf32> to vector<16xf32>
        %parallel_loop3A_870 = arith.addf %parallel_loop3A_865, %parallel_loop3A_869 : vector<16xf32>
        %parallel_loop3A_871 = arith.index_cast %parallel_loop3A_189 : i32 to index
        %parallel_loop3A_872 = arith.constant 768 : index
        %parallel_loop3A_873 = tpu.vector_load %arg9[%parallel_loop3A_871, %parallel_loop3A_872] {strides = array<i32>} : memref<16x1024xf32, #tpu.memory_space<vmem>>, vector<1x16xf32>,
        %parallel_loop3A_874 = vector.shape_cast %parallel_loop3A_873 : vector<1x16xf32> to vector<16xf32>
        %parallel_loop3A_875 = vector.shape_cast %parallel_loop3A_870 : vector<16xf32> to vector<1x16xf32>
        tpu.vector_store %arg9[%parallel_loop3A_871, %parallel_loop3A_872], %parallel_loop3A_875 {strides = array<i32>} : memref<16x1024xf32, #tpu.memory_space<vmem>>, vector<1x16xf32>,
        %parallel_loop3A_876 = arith.index_cast %parallel_loop3A_189 : i32 to index
        %parallel_loop3A_877 = arith.constant 784 : index
        %parallel_loop3A_878 = tpu.vector_load %arg5[%parallel_loop3A_876, %parallel_loop3A_877] {strides = array<i32>} : memref<16x1024xf32, #tpu.memory_space<vmem>>, vector<1x16xf32>,
        %parallel_loop3A_879 = vector.shape_cast %parallel_loop3A_878 : vector<1x16xf32> to vector<16xf32>
        %parallel_loop3A_880 = arith.index_cast %parallel_loop3A_189 : i32 to index
        %parallel_loop3A_881 = arith.constant 784 : index
        %parallel_loop3A_882 = tpu.vector_load %arg7[%parallel_loop3A_880, %parallel_loop3A_881] {strides = array<i32>} : memref<16x1024xf32, #tpu.memory_space<vmem>>, vector<1x16xf32>,
        %parallel_loop3A_883 = vector.shape_cast %parallel_loop3A_882 : vector<1x16xf32> to vector<16xf32>
        %parallel_loop3A_884 = arith.addf %parallel_loop3A_879, %parallel_loop3A_883 : vector<16xf32>
        %parallel_loop3A_885 = arith.index_cast %parallel_loop3A_189 : i32 to index
        %parallel_loop3A_886 = arith.constant 784 : index
        %parallel_loop3A_887 = tpu.vector_load %arg9[%parallel_loop3A_885, %parallel_loop3A_886] {strides = array<i32>} : memref<16x1024xf32, #tpu.memory_space<vmem>>, vector<1x16xf32>,
        %parallel_loop3A_888 = vector.shape_cast %parallel_loop3A_887 : vector<1x16xf32> to vector<16xf32>
        %parallel_loop3A_889 = vector.shape_cast %parallel_loop3A_884 : vector<16xf32> to vector<1x16xf32>
        tpu.vector_store %arg9[%parallel_loop3A_885, %parallel_loop3A_886], %parallel_loop3A_889 {strides = array<i32>} : memref<16x1024xf32, #tpu.memory_space<vmem>>, vector<1x16xf32>,
        %parallel_loop3A_890 = arith.index_cast %parallel_loop3A_189 : i32 to index
        %parallel_loop3A_891 = arith.constant 800 : index
        %parallel_loop3A_892 = tpu.vector_load %arg5[%parallel_loop3A_890, %parallel_loop3A_891] {strides = array<i32>} : memref<16x1024xf32, #tpu.memory_space<vmem>>, vector<1x16xf32>,
        %parallel_loop3A_893 = vector.shape_cast %parallel_loop3A_892 : vector<1x16xf32> to vector<16xf32>
        %parallel_loop3A_894 = arith.index_cast %parallel_loop3A_189 : i32 to index
        %parallel_loop3A_895 = arith.constant 800 : index
        %parallel_loop3A_896 = tpu.vector_load %arg7[%parallel_loop3A_894, %parallel_loop3A_895] {strides = array<i32>} : memref<16x1024xf32, #tpu.memory_space<vmem>>, vector<1x16xf32>,
        %parallel_loop3A_897 = vector.shape_cast %parallel_loop3A_896 : vector<1x16xf32> to vector<16xf32>
        %parallel_loop3A_898 = arith.addf %parallel_loop3A_893, %parallel_loop3A_897 : vector<16xf32>
        %parallel_loop3A_899 = arith.index_cast %parallel_loop3A_189 : i32 to index
        %parallel_loop3A_900 = arith.constant 800 : index
        %parallel_loop3A_901 = tpu.vector_load %arg9[%parallel_loop3A_899, %parallel_loop3A_900] {strides = array<i32>} : memref<16x1024xf32, #tpu.memory_space<vmem>>, vector<1x16xf32>,
        %parallel_loop3A_902 = vector.shape_cast %parallel_loop3A_901 : vector<1x16xf32> to vector<16xf32>
        %parallel_loop3A_903 = vector.shape_cast %parallel_loop3A_898 : vector<16xf32> to vector<1x16xf32>
        tpu.vector_store %arg9[%parallel_loop3A_899, %parallel_loop3A_900], %parallel_loop3A_903 {strides = array<i32>} : memref<16x1024xf32, #tpu.memory_space<vmem>>, vector<1x16xf32>,
        %parallel_loop3A_904 = arith.index_cast %parallel_loop3A_189 : i32 to index
        %parallel_loop3A_905 = arith.constant 816 : index
        %parallel_loop3A_906 = tpu.vector_load %arg5[%parallel_loop3A_904, %parallel_loop3A_905] {strides = array<i32>} : memref<16x1024xf32, #tpu.memory_space<vmem>>, vector<1x16xf32>,
        %parallel_loop3A_907 = vector.shape_cast %parallel_loop3A_906 : vector<1x16xf32> to vector<16xf32>
        %parallel_loop3A_908 = arith.index_cast %parallel_loop3A_189 : i32 to index
        %parallel_loop3A_909 = arith.constant 816 : index
        %parallel_loop3A_910 = tpu.vector_load %arg7[%parallel_loop3A_908, %parallel_loop3A_909] {strides = array<i32>} : memref<16x1024xf32, #tpu.memory_space<vmem>>, vector<1x16xf32>,
        %parallel_loop3A_911 = vector.shape_cast %parallel_loop3A_910 : vector<1x16xf32> to vector<16xf32>
        %parallel_loop3A_912 = arith.addf %parallel_loop3A_907, %parallel_loop3A_911 : vector<16xf32>
        %parallel_loop3A_913 = arith.index_cast %parallel_loop3A_189 : i32 to index
        %parallel_loop3A_914 = arith.constant 816 : index
        %parallel_loop3A_915 = tpu.vector_load %arg9[%parallel_loop3A_913, %parallel_loop3A_914] {strides = array<i32>} : memref<16x1024xf32, #tpu.memory_space<vmem>>, vector<1x16xf32>,
        %parallel_loop3A_916 = vector.shape_cast %parallel_loop3A_915 : vector<1x16xf32> to vector<16xf32>
        %parallel_loop3A_917 = vector.shape_cast %parallel_loop3A_912 : vector<16xf32> to vector<1x16xf32>
        tpu.vector_store %arg9[%parallel_loop3A_913, %parallel_loop3A_914], %parallel_loop3A_917 {strides = array<i32>} : memref<16x1024xf32, #tpu.memory_space<vmem>>, vector<1x16xf32>,
        %parallel_loop3A_918 = arith.index_cast %parallel_loop3A_189 : i32 to index
        %parallel_loop3A_919 = arith.constant 832 : index
        %parallel_loop3A_920 = tpu.vector_load %arg5[%parallel_loop3A_918, %parallel_loop3A_919] {strides = array<i32>} : memref<16x1024xf32, #tpu.memory_space<vmem>>, vector<1x16xf32>,
        %parallel_loop3A_921 = vector.shape_cast %parallel_loop3A_920 : vector<1x16xf32> to vector<16xf32>
        %parallel_loop3A_922 = arith.index_cast %parallel_loop3A_189 : i32 to index
        %parallel_loop3A_923 = arith.constant 832 : index
        %parallel_loop3A_924 = tpu.vector_load %arg7[%parallel_loop3A_922, %parallel_loop3A_923] {strides = array<i32>} : memref<16x1024xf32, #tpu.memory_space<vmem>>, vector<1x16xf32>,
        %parallel_loop3A_925 = vector.shape_cast %parallel_loop3A_924 : vector<1x16xf32> to vector<16xf32>
        %parallel_loop3A_926 = arith.addf %parallel_loop3A_921, %parallel_loop3A_925 : vector<16xf32>
        %parallel_loop3A_927 = arith.index_cast %parallel_loop3A_189 : i32 to index
        %parallel_loop3A_928 = arith.constant 832 : index
        %parallel_loop3A_929 = tpu.vector_load %arg9[%parallel_loop3A_927, %parallel_loop3A_928] {strides = array<i32>} : memref<16x1024xf32, #tpu.memory_space<vmem>>, vector<1x16xf32>,
        %parallel_loop3A_930 = vector.shape_cast %parallel_loop3A_929 : vector<1x16xf32> to vector<16xf32>
        %parallel_loop3A_931 = vector.shape_cast %parallel_loop3A_926 : vector<16xf32> to vector<1x16xf32>
        tpu.vector_store %arg9[%parallel_loop3A_927, %parallel_loop3A_928], %parallel_loop3A_931 {strides = array<i32>} : memref<16x1024xf32, #tpu.memory_space<vmem>>, vector<1x16xf32>,
        %parallel_loop3A_932 = arith.index_cast %parallel_loop3A_189 : i32 to index
        %parallel_loop3A_933 = arith.constant 848 : index
        %parallel_loop3A_934 = tpu.vector_load %arg5[%parallel_loop3A_932, %parallel_loop3A_933] {strides = array<i32>} : memref<16x1024xf32, #tpu.memory_space<vmem>>, vector<1x16xf32>,
        %parallel_loop3A_935 = vector.shape_cast %parallel_loop3A_934 : vector<1x16xf32> to vector<16xf32>
        %parallel_loop3A_936 = arith.index_cast %parallel_loop3A_189 : i32 to index
        %parallel_loop3A_937 = arith.constant 848 : index
        %parallel_loop3A_938 = tpu.vector_load %arg7[%parallel_loop3A_936, %parallel_loop3A_937] {strides = array<i32>} : memref<16x1024xf32, #tpu.memory_space<vmem>>, vector<1x16xf32>,
        %parallel_loop3A_939 = vector.shape_cast %parallel_loop3A_938 : vector<1x16xf32> to vector<16xf32>
        %parallel_loop3A_940 = arith.addf %parallel_loop3A_935, %parallel_loop3A_939 : vector<16xf32>
        %parallel_loop3A_941 = arith.index_cast %parallel_loop3A_189 : i32 to index
        %parallel_loop3A_942 = arith.constant 848 : index
        %parallel_loop3A_943 = tpu.vector_load %arg9[%parallel_loop3A_941, %parallel_loop3A_942] {strides = array<i32>} : memref<16x1024xf32, #tpu.memory_space<vmem>>, vector<1x16xf32>,
        %parallel_loop3A_944 = vector.shape_cast %parallel_loop3A_943 : vector<1x16xf32> to vector<16xf32>
        %parallel_loop3A_945 = vector.shape_cast %parallel_loop3A_940 : vector<16xf32> to vector<1x16xf32>
        tpu.vector_store %arg9[%parallel_loop3A_941, %parallel_loop3A_942], %parallel_loop3A_945 {strides = array<i32>} : memref<16x1024xf32, #tpu.memory_space<vmem>>, vector<1x16xf32>,
        %parallel_loop3A_946 = arith.index_cast %parallel_loop3A_189 : i32 to index
        %parallel_loop3A_947 = arith.constant 864 : index
        %parallel_loop3A_948 = tpu.vector_load %arg5[%parallel_loop3A_946, %parallel_loop3A_947] {strides = array<i32>} : memref<16x1024xf32, #tpu.memory_space<vmem>>, vector<1x16xf32>,
        %parallel_loop3A_949 = vector.shape_cast %parallel_loop3A_948 : vector<1x16xf32> to vector<16xf32>
        %parallel_loop3A_950 = arith.index_cast %parallel_loop3A_189 : i32 to index
        %parallel_loop3A_951 = arith.constant 864 : index
        %parallel_loop3A_952 = tpu.vector_load %arg7[%parallel_loop3A_950, %parallel_loop3A_951] {strides = array<i32>} : memref<16x1024xf32, #tpu.memory_space<vmem>>, vector<1x16xf32>,
        %parallel_loop3A_953 = vector.shape_cast %parallel_loop3A_952 : vector<1x16xf32> to vector<16xf32>
        %parallel_loop3A_954 = arith.addf %parallel_loop3A_949, %parallel_loop3A_953 : vector<16xf32>
        %parallel_loop3A_955 = arith.index_cast %parallel_loop3A_189 : i32 to index
        %parallel_loop3A_956 = arith.constant 864 : index
        %parallel_loop3A_957 = tpu.vector_load %arg9[%parallel_loop3A_955, %parallel_loop3A_956] {strides = array<i32>} : memref<16x1024xf32, #tpu.memory_space<vmem>>, vector<1x16xf32>,
        %parallel_loop3A_958 = vector.shape_cast %parallel_loop3A_957 : vector<1x16xf32> to vector<16xf32>
        %parallel_loop3A_959 = vector.shape_cast %parallel_loop3A_954 : vector<16xf32> to vector<1x16xf32>
        tpu.vector_store %arg9[%parallel_loop3A_955, %parallel_loop3A_956], %parallel_loop3A_959 {strides = array<i32>} : memref<16x1024xf32, #tpu.memory_space<vmem>>, vector<1x16xf32>,
        %parallel_loop3A_960 = arith.index_cast %parallel_loop3A_189 : i32 to index
        %parallel_loop3A_961 = arith.constant 880 : index
        %parallel_loop3A_962 = tpu.vector_load %arg5[%parallel_loop3A_960, %parallel_loop3A_961] {strides = array<i32>} : memref<16x1024xf32, #tpu.memory_space<vmem>>, vector<1x16xf32>,
        %parallel_loop3A_963 = vector.shape_cast %parallel_loop3A_962 : vector<1x16xf32> to vector<16xf32>
        %parallel_loop3A_964 = arith.index_cast %parallel_loop3A_189 : i32 to index
        %parallel_loop3A_965 = arith.constant 880 : index
        %parallel_loop3A_966 = tpu.vector_load %arg7[%parallel_loop3A_964, %parallel_loop3A_965] {strides = array<i32>} : memref<16x1024xf32, #tpu.memory_space<vmem>>, vector<1x16xf32>,
        %parallel_loop3A_967 = vector.shape_cast %parallel_loop3A_966 : vector<1x16xf32> to vector<16xf32>
        %parallel_loop3A_968 = arith.addf %parallel_loop3A_963, %parallel_loop3A_967 : vector<16xf32>
        %parallel_loop3A_969 = arith.index_cast %parallel_loop3A_189 : i32 to index
        %parallel_loop3A_970 = arith.constant 880 : index
        %parallel_loop3A_971 = tpu.vector_load %arg9[%parallel_loop3A_969, %parallel_loop3A_970] {strides = array<i32>} : memref<16x1024xf32, #tpu.memory_space<vmem>>, vector<1x16xf32>,
        %parallel_loop3A_972 = vector.shape_cast %parallel_loop3A_971 : vector<1x16xf32> to vector<16xf32>
        %parallel_loop3A_973 = vector.shape_cast %parallel_loop3A_968 : vector<16xf32> to vector<1x16xf32>
        tpu.vector_store %arg9[%parallel_loop3A_969, %parallel_loop3A_970], %parallel_loop3A_973 {strides = array<i32>} : memref<16x1024xf32, #tpu.memory_space<vmem>>, vector<1x16xf32>,
        %parallel_loop3A_974 = arith.index_cast %parallel_loop3A_189 : i32 to index
        %parallel_loop3A_975 = arith.constant 896 : index
        %parallel_loop3A_976 = tpu.vector_load %arg5[%parallel_loop3A_974, %parallel_loop3A_975] {strides = array<i32>} : memref<16x1024xf32, #tpu.memory_space<vmem>>, vector<1x16xf32>,
        %parallel_loop3A_977 = vector.shape_cast %parallel_loop3A_976 : vector<1x16xf32> to vector<16xf32>
        %parallel_loop3A_978 = arith.index_cast %parallel_loop3A_189 : i32 to index
        %parallel_loop3A_979 = arith.constant 896 : index
        %parallel_loop3A_980 = tpu.vector_load %arg7[%parallel_loop3A_978, %parallel_loop3A_979] {strides = array<i32>} : memref<16x1024xf32, #tpu.memory_space<vmem>>, vector<1x16xf32>,
        %parallel_loop3A_981 = vector.shape_cast %parallel_loop3A_980 : vector<1x16xf32> to vector<16xf32>
        %parallel_loop3A_982 = arith.addf %parallel_loop3A_977, %parallel_loop3A_981 : vector<16xf32>
        %parallel_loop3A_983 = arith.index_cast %parallel_loop3A_189 : i32 to index
        %parallel_loop3A_984 = arith.constant 896 : index
        %parallel_loop3A_985 = tpu.vector_load %arg9[%parallel_loop3A_983, %parallel_loop3A_984] {strides = array<i32>} : memref<16x1024xf32, #tpu.memory_space<vmem>>, vector<1x16xf32>,
        %parallel_loop3A_986 = vector.shape_cast %parallel_loop3A_985 : vector<1x16xf32> to vector<16xf32>
        %parallel_loop3A_987 = vector.shape_cast %parallel_loop3A_982 : vector<16xf32> to vector<1x16xf32>
        tpu.vector_store %arg9[%parallel_loop3A_983, %parallel_loop3A_984], %parallel_loop3A_987 {strides = array<i32>} : memref<16x1024xf32, #tpu.memory_space<vmem>>, vector<1x16xf32>,
        %parallel_loop3A_988 = arith.index_cast %parallel_loop3A_189 : i32 to index
        %parallel_loop3A_989 = arith.constant 912 : index
        %parallel_loop3A_990 = tpu.vector_load %arg5[%parallel_loop3A_988, %parallel_loop3A_989] {strides = array<i32>} : memref<16x1024xf32, #tpu.memory_space<vmem>>, vector<1x16xf32>,
        %parallel_loop3A_991 = vector.shape_cast %parallel_loop3A_990 : vector<1x16xf32> to vector<16xf32>
        %parallel_loop3A_992 = arith.index_cast %parallel_loop3A_189 : i32 to index
        %parallel_loop3A_993 = arith.constant 912 : index
        %parallel_loop3A_994 = tpu.vector_load %arg7[%parallel_loop3A_992, %parallel_loop3A_993] {strides = array<i32>} : memref<16x1024xf32, #tpu.memory_space<vmem>>, vector<1x16xf32>,
        %parallel_loop3A_995 = vector.shape_cast %parallel_loop3A_994 : vector<1x16xf32> to vector<16xf32>
        %parallel_loop3A_996 = arith.addf %parallel_loop3A_991, %parallel_loop3A_995 : vector<16xf32>
        %parallel_loop3A_997 = arith.index_cast %parallel_loop3A_189 : i32 to index
        %parallel_loop3A_998 = arith.constant 912 : index
        %parallel_loop3A_999 = tpu.vector_load %arg9[%parallel_loop3A_997, %parallel_loop3A_998] {strides = array<i32>} : memref<16x1024xf32, #tpu.memory_space<vmem>>, vector<1x16xf32>,
        %parallel_loop3A_1000 = vector.shape_cast %parallel_loop3A_999 : vector<1x16xf32> to vector<16xf32>
        %parallel_loop3A_1001 = vector.shape_cast %parallel_loop3A_996 : vector<16xf32> to vector<1x16xf32>
        tpu.vector_store %arg9[%parallel_loop3A_997, %parallel_loop3A_998], %parallel_loop3A_1001 {strides = array<i32>} : memref<16x1024xf32, #tpu.memory_space<vmem>>, vector<1x16xf32>,
        %parallel_loop3A_1002 = arith.index_cast %parallel_loop3A_189 : i32 to index
        %parallel_loop3A_1003 = arith.constant 928 : index
        %parallel_loop3A_1004 = tpu.vector_load %arg5[%parallel_loop3A_1002, %parallel_loop3A_1003] {strides = array<i32>} : memref<16x1024xf32, #tpu.memory_space<vmem>>, vector<1x16xf32>,
        %parallel_loop3A_1005 = vector.shape_cast %parallel_loop3A_1004 : vector<1x16xf32> to vector<16xf32>
        %parallel_loop3A_1006 = arith.index_cast %parallel_loop3A_189 : i32 to index
        %parallel_loop3A_1007 = arith.constant 928 : index
        %parallel_loop3A_1008 = tpu.vector_load %arg7[%parallel_loop3A_1006, %parallel_loop3A_1007] {strides = array<i32>} : memref<16x1024xf32, #tpu.memory_space<vmem>>, vector<1x16xf32>,
        %parallel_loop3A_1009 = vector.shape_cast %parallel_loop3A_1008 : vector<1x16xf32> to vector<16xf32>
        %parallel_loop3A_1010 = arith.addf %parallel_loop3A_1005, %parallel_loop3A_1009 : vector<16xf32>
        %parallel_loop3A_1011 = arith.index_cast %parallel_loop3A_189 : i32 to index
        %parallel_loop3A_1012 = arith.constant 928 : index
        %parallel_loop3A_1013 = tpu.vector_load %arg9[%parallel_loop3A_1011, %parallel_loop3A_1012] {strides = array<i32>} : memref<16x1024xf32, #tpu.memory_space<vmem>>, vector<1x16xf32>,
        %parallel_loop3A_1014 = vector.shape_cast %parallel_loop3A_1013 : vector<1x16xf32> to vector<16xf32>
        %parallel_loop3A_1015 = vector.shape_cast %parallel_loop3A_1010 : vector<16xf32> to vector<1x16xf32>
        tpu.vector_store %arg9[%parallel_loop3A_1011, %parallel_loop3A_1012], %parallel_loop3A_1015 {strides = array<i32>} : memref<16x1024xf32, #tpu.memory_space<vmem>>, vector<1x16xf32>,
        %parallel_loop3A_1016 = arith.index_cast %parallel_loop3A_189 : i32 to index
        %parallel_loop3A_1017 = arith.constant 944 : index
        %parallel_loop3A_1018 = tpu.vector_load %arg5[%parallel_loop3A_1016, %parallel_loop3A_1017] {strides = array<i32>} : memref<16x1024xf32, #tpu.memory_space<vmem>>, vector<1x16xf32>,
        %parallel_loop3A_1019 = vector.shape_cast %parallel_loop3A_1018 : vector<1x16xf32> to vector<16xf32>
        %parallel_loop3A_1020 = arith.index_cast %parallel_loop3A_189 : i32 to index
        %parallel_loop3A_1021 = arith.constant 944 : index
        %parallel_loop3A_1022 = tpu.vector_load %arg7[%parallel_loop3A_1020, %parallel_loop3A_1021] {strides = array<i32>} : memref<16x1024xf32, #tpu.memory_space<vmem>>, vector<1x16xf32>,
        %parallel_loop3A_1023 = vector.shape_cast %parallel_loop3A_1022 : vector<1x16xf32> to vector<16xf32>
        %parallel_loop3A_1024 = arith.addf %parallel_loop3A_1019, %parallel_loop3A_1023 : vector<16xf32>
        %parallel_loop3A_1025 = arith.index_cast %parallel_loop3A_189 : i32 to index
        %parallel_loop3A_1026 = arith.constant 944 : index
        %parallel_loop3A_1027 = tpu.vector_load %arg9[%parallel_loop3A_1025, %parallel_loop3A_1026] {strides = array<i32>} : memref<16x1024xf32, #tpu.memory_space<vmem>>, vector<1x16xf32>,
        %parallel_loop3A_1028 = vector.shape_cast %parallel_loop3A_1027 : vector<1x16xf32> to vector<16xf32>
        %parallel_loop3A_1029 = vector.shape_cast %parallel_loop3A_1024 : vector<16xf32> to vector<1x16xf32>
        tpu.vector_store %arg9[%parallel_loop3A_1025, %parallel_loop3A_1026], %parallel_loop3A_1029 {strides = array<i32>} : memref<16x1024xf32, #tpu.memory_space<vmem>>, vector<1x16xf32>,
        %parallel_loop3A_1030 = arith.index_cast %parallel_loop3A_189 : i32 to index
        %parallel_loop3A_1031 = arith.constant 960 : index
        %parallel_loop3A_1032 = tpu.vector_load %arg5[%parallel_loop3A_1030, %parallel_loop3A_1031] {strides = array<i32>} : memref<16x1024xf32, #tpu.memory_space<vmem>>, vector<1x16xf32>,
        %parallel_loop3A_1033 = vector.shape_cast %parallel_loop3A_1032 : vector<1x16xf32> to vector<16xf32>
        %parallel_loop3A_1034 = arith.index_cast %parallel_loop3A_189 : i32 to index
        %parallel_loop3A_1035 = arith.constant 960 : index
        %parallel_loop3A_1036 = tpu.vector_load %arg7[%parallel_loop3A_1034, %parallel_loop3A_1035] {strides = array<i32>} : memref<16x1024xf32, #tpu.memory_space<vmem>>, vector<1x16xf32>,
        %parallel_loop3A_1037 = vector.shape_cast %parallel_loop3A_1036 : vector<1x16xf32> to vector<16xf32>
        %parallel_loop3A_1038 = arith.addf %parallel_loop3A_1033, %parallel_loop3A_1037 : vector<16xf32>
        %parallel_loop3A_1039 = arith.index_cast %parallel_loop3A_189 : i32 to index
        %parallel_loop3A_1040 = arith.constant 960 : index
        %parallel_loop3A_1041 = tpu.vector_load %arg9[%parallel_loop3A_1039, %parallel_loop3A_1040] {strides = array<i32>} : memref<16x1024xf32, #tpu.memory_space<vmem>>, vector<1x16xf32>,
        %parallel_loop3A_1042 = vector.shape_cast %parallel_loop3A_1041 : vector<1x16xf32> to vector<16xf32>
        %parallel_loop3A_1043 = vector.shape_cast %parallel_loop3A_1038 : vector<16xf32> to vector<1x16xf32>
        tpu.vector_store %arg9[%parallel_loop3A_1039, %parallel_loop3A_1040], %parallel_loop3A_1043 {strides = array<i32>} : memref<16x1024xf32, #tpu.memory_space<vmem>>, vector<1x16xf32>,
        %parallel_loop3A_1044 = arith.index_cast %parallel_loop3A_189 : i32 to index
        %parallel_loop3A_1045 = arith.constant 976 : index
        %parallel_loop3A_1046 = tpu.vector_load %arg5[%parallel_loop3A_1044, %parallel_loop3A_1045] {strides = array<i32>} : memref<16x1024xf32, #tpu.memory_space<vmem>>, vector<1x16xf32>,
        %parallel_loop3A_1047 = vector.shape_cast %parallel_loop3A_1046 : vector<1x16xf32> to vector<16xf32>
        %parallel_loop3A_1048 = arith.index_cast %parallel_loop3A_189 : i32 to index
        %parallel_loop3A_1049 = arith.constant 976 : index
        %parallel_loop3A_1050 = tpu.vector_load %arg7[%parallel_loop3A_1048, %parallel_loop3A_1049] {strides = array<i32>} : memref<16x1024xf32, #tpu.memory_space<vmem>>, vector<1x16xf32>,
        %parallel_loop3A_1051 = vector.shape_cast %parallel_loop3A_1050 : vector<1x16xf32> to vector<16xf32>
        %parallel_loop3A_1052 = arith.addf %parallel_loop3A_1047, %parallel_loop3A_1051 : vector<16xf32>
        %parallel_loop3A_1053 = arith.index_cast %parallel_loop3A_189 : i32 to index
        %parallel_loop3A_1054 = arith.constant 976 : index
        %parallel_loop3A_1055 = tpu.vector_load %arg9[%parallel_loop3A_1053, %parallel_loop3A_1054] {strides = array<i32>} : memref<16x1024xf32, #tpu.memory_space<vmem>>, vector<1x16xf32>,
        %parallel_loop3A_1056 = vector.shape_cast %parallel_loop3A_1055 : vector<1x16xf32> to vector<16xf32>
        %parallel_loop3A_1057 = vector.shape_cast %parallel_loop3A_1052 : vector<16xf32> to vector<1x16xf32>
        tpu.vector_store %arg9[%parallel_loop3A_1053, %parallel_loop3A_1054], %parallel_loop3A_1057 {strides = array<i32>} : memref<16x1024xf32, #tpu.memory_space<vmem>>, vector<1x16xf32>,
        %parallel_loop3A_1058 = arith.index_cast %parallel_loop3A_189 : i32 to index
        %parallel_loop3A_1059 = arith.constant 992 : index
        %parallel_loop3A_1060 = tpu.vector_load %arg5[%parallel_loop3A_1058, %parallel_loop3A_1059] {strides = array<i32>} : memref<16x1024xf32, #tpu.memory_space<vmem>>, vector<1x16xf32>,
        %parallel_loop3A_1061 = vector.shape_cast %parallel_loop3A_1060 : vector<1x16xf32> to vector<16xf32>
        %parallel_loop3A_1062 = arith.index_cast %parallel_loop3A_189 : i32 to index
        %parallel_loop3A_1063 = arith.constant 992 : index
        %parallel_loop3A_1064 = tpu.vector_load %arg7[%parallel_loop3A_1062, %parallel_loop3A_1063] {strides = array<i32>} : memref<16x1024xf32, #tpu.memory_space<vmem>>, vector<1x16xf32>,
        %parallel_loop3A_1065 = vector.shape_cast %parallel_loop3A_1064 : vector<1x16xf32> to vector<16xf32>
        %parallel_loop3A_1066 = arith.addf %parallel_loop3A_1061, %parallel_loop3A_1065 : vector<16xf32>
        %parallel_loop3A_1067 = arith.index_cast %parallel_loop3A_189 : i32 to index
        %parallel_loop3A_1068 = arith.constant 992 : index
        %parallel_loop3A_1069 = tpu.vector_load %arg9[%parallel_loop3A_1067, %parallel_loop3A_1068] {strides = array<i32>} : memref<16x1024xf32, #tpu.memory_space<vmem>>, vector<1x16xf32>,
        %parallel_loop3A_1070 = vector.shape_cast %parallel_loop3A_1069 : vector<1x16xf32> to vector<16xf32>
        %parallel_loop3A_1071 = vector.shape_cast %parallel_loop3A_1066 : vector<16xf32> to vector<1x16xf32>
        tpu.vector_store %arg9[%parallel_loop3A_1067, %parallel_loop3A_1068], %parallel_loop3A_1071 {strides = array<i32>} : memref<16x1024xf32, #tpu.memory_space<vmem>>, vector<1x16xf32>,
        %parallel_loop3A_1072 = arith.index_cast %parallel_loop3A_189 : i32 to index
        %parallel_loop3A_1073 = arith.constant 1008 : index
        %parallel_loop3A_1074 = tpu.vector_load %arg5[%parallel_loop3A_1072, %parallel_loop3A_1073] {strides = array<i32>} : memref<16x1024xf32, #tpu.memory_space<vmem>>, vector<1x16xf32>,
        %parallel_loop3A_1075 = vector.shape_cast %parallel_loop3A_1074 : vector<1x16xf32> to vector<16xf32>
        %parallel_loop3A_1076 = arith.index_cast %parallel_loop3A_189 : i32 to index
        %parallel_loop3A_1077 = arith.constant 1008 : index
        %parallel_loop3A_1078 = tpu.vector_load %arg7[%parallel_loop3A_1076, %parallel_loop3A_1077] {strides = array<i32>} : memref<16x1024xf32, #tpu.memory_space<vmem>>, vector<1x16xf32>,
        %parallel_loop3A_1079 = vector.shape_cast %parallel_loop3A_1078 : vector<1x16xf32> to vector<16xf32>
        %parallel_loop3A_1080 = arith.addf %parallel_loop3A_1075, %parallel_loop3A_1079 : vector<16xf32>
        %parallel_loop3A_1081 = arith.index_cast %parallel_loop3A_189 : i32 to index
        %parallel_loop3A_1082 = arith.constant 1008 : index
        %parallel_loop3A_1083 = tpu.vector_load %arg9[%parallel_loop3A_1081, %parallel_loop3A_1082] {strides = array<i32>} : memref<16x1024xf32, #tpu.memory_space<vmem>>, vector<1x16xf32>,
        %parallel_loop3A_1084 = vector.shape_cast %parallel_loop3A_1083 : vector<1x16xf32> to vector<16xf32>
        %parallel_loop3A_1085 = vector.shape_cast %parallel_loop3A_1080 : vector<16xf32> to vector<1x16xf32>
        tpu.vector_store %arg9[%parallel_loop3A_1081, %parallel_loop3A_1082], %parallel_loop3A_1085 {strides = array<i32>} : memref<16x1024xf32, #tpu.memory_space<vmem>>, vector<1x16xf32>,
      } {sc.loop_unroll_factor = 1 : i64, sc.parallel_access}
      %jit3A = arith.constant 4 : i32
      %div3A = arith.divsi %mul3A_48, %jit3A : i32
      %sign3A = arith.constant 0 : i32
      %sign3A_64 = arith.cmpi sgt, %mul3A_48, %sign3A : i32
      %sign3A_65 = arith.extui %sign3A_64 : i1 to i32
      %sign3A_66 = arith.constant 0 : i32
      %sign3A_67 = arith.cmpi slt, %mul3A_48, %sign3A_66 : i32
      %sign3A_68 = arith.extui %sign3A_67 : i1 to i32
      %sign3A_69 = arith.subi %sign3A_65, %sign3A_68 : i32
      %sign3A_70 = arith.constant 0 : i32
      %sign3A_71 = arith.cmpi sgt, %jit3A, %sign3A_70 : i32
      %sign3A_72 = arith.extui %sign3A_71 : i1 to i32
      %sign3A_73 = arith.constant 0 : i32
      %sign3A_74 = arith.cmpi slt, %jit3A, %sign3A_73 : i32
      %sign3A_75 = arith.extui %sign3A_74 : i1 to i32
      %sign3A_76 = arith.subi %sign3A_72, %sign3A_75 : i32
      %ne3A = arith.cmpi ne, %sign3A_69, %sign3A_76 : i32
      %rem3A = arith.remsi %mul3A_48, %jit3A : i32
      %ne3A_77 = arith.constant 0 : i32
      %ne3A_78 = arith.cmpi ne, %rem3A, %ne3A_77 : i32
      %and3A = arith.andi %ne3A, %ne3A_78 : i1
      %sub3A = arith.constant 1 : i32
      %sub3A_79 = arith.subi %div3A, %sub3A : i32
      %select_n3A = arith.select %and3A, %sub3A_79, %div3A : i32
      %jit3A_80 = arith.constant 4 : i32
      %eq3A = arith.constant 0 : i32
      %eq3A_81 = arith.cmpi eq, %jit3A_80, %eq3A : i32
      %jit3A_82 = arith.constant 1 : i32
      %select_n3A_83 = arith.select %eq3A_81, %jit3A_82, %jit3A_80 : i32
      %rem3A_84 = arith.remsi %mul3A_48, %select_n3A_83 : i32
      %ne3A_85 = arith.constant 0 : i32
      %ne3A_86 = arith.cmpi ne, %rem3A_84, %ne3A_85 : i32
      %lt3A = arith.constant 0 : i32
      %lt3A_87 = arith.cmpi slt, %rem3A_84, %lt3A : i32
      %lt3A_88 = arith.constant 0 : i32
      %lt3A_89 = arith.cmpi slt, %select_n3A_83, %lt3A_88 : i32
      %ne3A_90 = arith.xori %lt3A_87, %lt3A_89 : i1
      %and3A_91 = arith.andi %ne3A_90, %ne3A_86 : i1
      %add3A_92 = arith.addi %rem3A_84, %select_n3A_83 : i32
      %select_n3A_93 = arith.select %and3A_91, %add3A_92, %rem3A_84 : i32
      %mul3A_94 = arith.constant 16 : i32
      %mul3A_95 = arith.muli %select_n3A, %mul3A_94 : i32
      %add3A_96 = arith.addi %mul3A_2, %mul3A_95 : i32
      %dma_start3A_97 = arith.constant 0 : i32
      %dma_start3A_98 = tpu.memref_slice %arg4[%select_n3A_93, %add3A_96, %dma_start3A_97] : memref<4x8192x1024xf32, #tpu.memory_space<hbm>> -> memref<1x16x1024xf32, #tpu.memory_space<hbm>>
      %dma_start3A_99 = tpu.memref_squeeze %dma_start3A_98 : memref<1x16x1024xf32, #tpu.memory_space<hbm>> -> memref<16x1024xf32, #tpu.memory_space<hbm>>
      %dma_start3A_100 = arith.constant 0 : i32
      %dma_start3A_101 = tpu.memref_slice %arg4[%select_n3A_93, %add3A_96, %dma_start3A_100] : memref<4x8192x1024xf32, #tpu.memory_space<hbm>> -> memref<1x16x1024xf32, #tpu.memory_space<hbm>>
      %dma_start3A_102 = tpu.memref_squeeze %dma_start3A_101 : memref<1x16x1024xf32, #tpu.memory_space<hbm>> -> memref<16x1024xf32, #tpu.memory_space<hbm>>
      tpu.enqueue_dma source(%arg9 : memref<16x1024xf32, #tpu.memory_space<vmem>>) target(%dma_start3A_102 : memref<16x1024xf32, #tpu.memory_space<hbm>>) target_semaphore(%arg15 : memref<!tpu.dma_semaphore, #tpu.memory_space<semaphore_mem>>)
      %add3A_103 = arith.constant 2 : i32
      %add3A_104 = arith.addi %mul3A_48, %add3A_103 : i32
      %lt3A_105 = arith.constant 64 : i32
      %lt3A_106 = arith.cmpi slt, %add3A_104, %lt3A_105 : i32
      %convert_element_type3A_107 = arith.extui %lt3A_106 : i1 to i32
      %cond3A_108 = arith.constant 0 : i32
      %cond3A_109 = arith.cmpi ne, %convert_element_type3A_107, %cond3A_108 : i32
      scf.if %cond3A_109 {
        %add3A_189 = arith.constant 2 : i32
        %add3A_190 = arith.addi %mul3A_48, %add3A_189 : i32
        %jit3A_191 = arith.constant 4 : i32
        %div3A_192 = arith.divsi %add3A_190, %jit3A_191 : i32
        %sign3A_193 = arith.constant 0 : i32
        %sign3A_194 = arith.cmpi sgt, %add3A_190, %sign3A_193 : i32
        %sign3A_195 = arith.extui %sign3A_194 : i1 to i32
        %sign3A_196 = arith.constant 0 : i32
        %sign3A_197 = arith.cmpi slt, %add3A_190, %sign3A_196 : i32
        %sign3A_198 = arith.extui %sign3A_197 : i1 to i32
        %sign3A_199 = arith.subi %sign3A_195, %sign3A_198 : i32
        %sign3A_200 = arith.constant 0 : i32
        %sign3A_201 = arith.cmpi sgt, %jit3A_191, %sign3A_200 : i32
        %sign3A_202 = arith.extui %sign3A_201 : i1 to i32
        %sign3A_203 = arith.constant 0 : i32
        %sign3A_204 = arith.cmpi slt, %jit3A_191, %sign3A_203 : i32
        %sign3A_205 = arith.extui %sign3A_204 : i1 to i32
        %sign3A_206 = arith.subi %sign3A_202, %sign3A_205 : i32
        %ne3A_207 = arith.cmpi ne, %sign3A_199, %sign3A_206 : i32
        %rem3A_208 = arith.remsi %add3A_190, %jit3A_191 : i32
        %ne3A_209 = arith.constant 0 : i32
        %ne3A_210 = arith.cmpi ne, %rem3A_208, %ne3A_209 : i32
        %and3A_211 = arith.andi %ne3A_207, %ne3A_210 : i1
        %sub3A_212 = arith.constant 1 : i32
        %sub3A_213 = arith.subi %div3A_192, %sub3A_212 : i32
        %select_n3A_214 = arith.select %and3A_211, %sub3A_213, %div3A_192 : i32
        %jit3A_215 = arith.constant 4 : i32
        %eq3A_216 = arith.constant 0 : i32
        %eq3A_217 = arith.cmpi eq, %jit3A_215, %eq3A_216 : i32
        %jit3A_218 = arith.constant 1 : i32
        %select_n3A_219 = arith.select %eq3A_217, %jit3A_218, %jit3A_215 : i32
        %rem3A_220 = arith.remsi %add3A_190, %select_n3A_219 : i32
        %ne3A_221 = arith.constant 0 : i32
        %ne3A_222 = arith.cmpi ne, %rem3A_220, %ne3A_221 : i32
        %lt3A_223 = arith.constant 0 : i32
        %lt3A_224 = arith.cmpi slt, %rem3A_220, %lt3A_223 : i32
        %lt3A_225 = arith.constant 0 : i32
        %lt3A_226 = arith.cmpi slt, %select_n3A_219, %lt3A_225 : i32
        %ne3A_227 = arith.xori %lt3A_224, %lt3A_226 : i1
        %and3A_228 = arith.andi %ne3A_227, %ne3A_222 : i1
        %add3A_229 = arith.addi %rem3A_220, %select_n3A_219 : i32
        %select_n3A_230 = arith.select %and3A_228, %add3A_229, %rem3A_220 : i32
        %mul3A_231 = arith.constant 16 : i32
        %mul3A_232 = arith.muli %select_n3A_214, %mul3A_231 : i32
        %add3A_233 = arith.addi %mul3A_2, %mul3A_232 : i32
        %dma_start3A_234 = arith.constant 0 : i32
        %dma_start3A_235 = tpu.memref_slice %arg2[%select_n3A_230, %add3A_233, %dma_start3A_234] : memref<4x8192x1024xf32, #tpu.memory_space<hbm>> -> memref<1x16x1024xf32, #tpu.memory_space<hbm>>
        %dma_start3A_236 = tpu.memref_squeeze %dma_start3A_235 : memref<1x16x1024xf32, #tpu.memory_space<hbm>> -> memref<16x1024xf32, #tpu.memory_space<hbm>>
        %dma_start3A_237 = arith.constant 0 : i32
        %dma_start3A_238 = tpu.memref_slice %arg2[%select_n3A_230, %add3A_233, %dma_start3A_237] : memref<4x8192x1024xf32, #tpu.memory_space<hbm>> -> memref<1x16x1024xf32, #tpu.memory_space<hbm>>
        %dma_start3A_239 = tpu.memref_squeeze %dma_start3A_238 : memref<1x16x1024xf32, #tpu.memory_space<hbm>> -> memref<16x1024xf32, #tpu.memory_space<hbm>>
        tpu.enqueue_dma source(%dma_start3A_239 : memref<16x1024xf32, #tpu.memory_space<hbm>>) target(%arg5 : memref<16x1024xf32, #tpu.memory_space<vmem>>) target_semaphore(%arg11 : memref<!tpu.dma_semaphore, #tpu.memory_space<semaphore_mem>>)
        %dma_start3A_240 = arith.constant 0 : i32
        %dma_start3A_241 = tpu.memref_slice %arg3[%add3A_233, %dma_start3A_240] : memref<8192x1024xf32, #tpu.memory_space<hbm>> -> memref<16x1024xf32, #tpu.memory_space<hbm>>
        %dma_start3A_242 = arith.constant 0 : i32
        %dma_start3A_243 = tpu.memref_slice %arg3[%add3A_233, %dma_start3A_242] : memref<8192x1024xf32, #tpu.memory_space<hbm>> -> memref<16x1024xf32, #tpu.memory_space<hbm>>
        tpu.enqueue_dma source(%dma_start3A_243 : memref<16x1024xf32, #tpu.memory_space<hbm>>) target(%arg7 : memref<16x1024xf32, #tpu.memory_space<vmem>>) target_semaphore(%arg13 : memref<!tpu.dma_semaphore, #tpu.memory_space<semaphore_mem>>)
      } else {
      }
      %mul3A_110 = arith.constant 2 : i32
      %mul3A_111 = arith.muli %mul3A_110, %scan3A_46 : i32
      %add3A_112 = arith.constant 1 : i32
      %add3A_113 = arith.addi %mul3A_111, %add3A_112 : i32
      %dma_wait3A_114 = arith.constant 0 : i32
      %dma_wait3A_115 = arith.constant 0 : i32
      %dma_wait3A_116 = tpu.memref_slice %arg2[%dma_wait3A_114, %mul3A_2, %dma_wait3A_115] : memref<4x8192x1024xf32, #tpu.memory_space<hbm>> -> memref<1x16x1024xf32, #tpu.memory_space<hbm>>
      %dma_wait3A_117 = tpu.memref_squeeze %dma_wait3A_116 : memref<1x16x1024xf32, #tpu.memory_space<hbm>> -> memref<16x1024xf32, #tpu.memory_space<hbm>>
      %dma_wait3A_118 = arith.constant 0 : i32
      %dma_wait3A_119 = tpu.memref_slice %arg2[%dma_wait3A_114, %mul3A_2, %dma_wait3A_118] : memref<4x8192x1024xf32, #tpu.memory_space<hbm>> -> memref<1x16x1024xf32, #tpu.memory_space<hbm>>
      %dma_wait3A_120 = tpu.memref_squeeze %dma_wait3A_119 : memref<1x16x1024xf32, #tpu.memory_space<hbm>> -> memref<16x1024xf32, #tpu.memory_space<hbm>>
      tpu.wait_dma2 semaphore(%arg12 : memref<!tpu.dma_semaphore, #tpu.memory_space<semaphore_mem>>) src(%dma_wait3A_120 : memref<16x1024xf32, #tpu.memory_space<hbm>>) dst(%arg6 : memref<16x1024xf32, #tpu.memory_space<vmem>>)
      %dma_wait3A_121 = arith.constant 0 : i32
      %dma_wait3A_122 = tpu.memref_slice %arg3[%mul3A_2, %dma_wait3A_121] : memref<8192x1024xf32, #tpu.memory_space<hbm>> -> memref<16x1024xf32, #tpu.memory_space<hbm>>
      %dma_wait3A_123 = arith.constant 0 : i32
      %dma_wait3A_124 = tpu.memref_slice %arg3[%mul3A_2, %dma_wait3A_123] : memref<8192x1024xf32, #tpu.memory_space<hbm>> -> memref<16x1024xf32, #tpu.memory_space<hbm>>
      tpu.wait_dma2 semaphore(%arg14 : memref<!tpu.dma_semaphore, #tpu.memory_space<semaphore_mem>>) src(%dma_wait3A_124 : memref<16x1024xf32, #tpu.memory_space<hbm>>) dst(%arg8 : memref<16x1024xf32, #tpu.memory_space<vmem>>)
      %gt3A_125 = arith.constant 0 : i32
      %gt3A_126 = arith.cmpi sgt, %scan3A_46, %gt3A_125 : i32
      %convert_element_type3A_127 = arith.extui %gt3A_126 : i1 to i32
      %cond3A_128 = arith.constant 0 : i32
      %cond3A_129 = arith.cmpi ne, %convert_element_type3A_127, %cond3A_128 : i32
      scf.if %cond3A_129 {
        %dma_wait3A_189 = arith.constant 0 : i32
        %dma_wait3A_190 = arith.constant 0 : i32
        %dma_wait3A_191 = tpu.memref_slice %arg4[%dma_wait3A_189, %mul3A_2, %dma_wait3A_190] : memref<4x8192x1024xf32, #tpu.memory_space<hbm>> -> memref<1x16x1024xf32, #tpu.memory_space<hbm>>
        %dma_wait3A_192 = tpu.memref_squeeze %dma_wait3A_191 : memref<1x16x1024xf32, #tpu.memory_space<hbm>> -> memref<16x1024xf32, #tpu.memory_space<hbm>>
        %dma_wait3A_193 = arith.constant 0 : i32
        %dma_wait3A_194 = tpu.memref_slice %arg4[%dma_wait3A_189, %mul3A_2, %dma_wait3A_193] : memref<4x8192x1024xf32, #tpu.memory_space<hbm>> -> memref<1x16x1024xf32, #tpu.memory_space<hbm>>
        %dma_wait3A_195 = tpu.memref_squeeze %dma_wait3A_194 : memref<1x16x1024xf32, #tpu.memory_space<hbm>> -> memref<16x1024xf32, #tpu.memory_space<hbm>>
        tpu.wait_dma2 semaphore(%arg16 : memref<!tpu.dma_semaphore, #tpu.memory_space<semaphore_mem>>) src(%arg10 : memref<16x1024xf32, #tpu.memory_space<vmem>>) dst(%dma_wait3A_195 : memref<16x1024xf32, #tpu.memory_space<hbm>>)
      } else {
      }
      %parallel_loop3A_130 = arith.constant 0 : i32
      %parallel_loop3A_131 = arith.constant 16 : i32
      %parallel_loop3A_132 = arith.constant 1 : i32
      scf.for %parallel_loop3A_189 = %parallel_loop3A_130 to %parallel_loop3A_131 step %parallel_loop3A_132  : i32 {
        %parallel_loop3A_190 = arith.index_cast %parallel_loop3A_189 : i32 to index
        %parallel_loop3A_191 = arith.constant 0 : index
        %parallel_loop3A_192 = tpu.vector_load %arg6[%parallel_loop3A_190, %parallel_loop3A_191] {strides = array<i32>} : memref<16x1024xf32, #tpu.memory_space<vmem>>, vector<1x16xf32>,
        %parallel_loop3A_193 = vector.shape_cast %parallel_loop3A_192 : vector<1x16xf32> to vector<16xf32>
        %parallel_loop3A_194 = arith.index_cast %parallel_loop3A_189 : i32 to index
        %parallel_loop3A_195 = arith.constant 0 : index
        %parallel_loop3A_196 = tpu.vector_load %arg8[%parallel_loop3A_194, %parallel_loop3A_195] {strides = array<i32>} : memref<16x1024xf32, #tpu.memory_space<vmem>>, vector<1x16xf32>,
        %parallel_loop3A_197 = vector.shape_cast %parallel_loop3A_196 : vector<1x16xf32> to vector<16xf32>
        %parallel_loop3A_198 = arith.addf %parallel_loop3A_193, %parallel_loop3A_197 : vector<16xf32>
        %parallel_loop3A_199 = arith.index_cast %parallel_loop3A_189 : i32 to index
        %parallel_loop3A_200 = arith.constant 0 : index
        %parallel_loop3A_201 = tpu.vector_load %arg10[%parallel_loop3A_199, %parallel_loop3A_200] {strides = array<i32>} : memref<16x1024xf32, #tpu.memory_space<vmem>>, vector<1x16xf32>,
        %parallel_loop3A_202 = vector.shape_cast %parallel_loop3A_201 : vector<1x16xf32> to vector<16xf32>
        %parallel_loop3A_203 = vector.shape_cast %parallel_loop3A_198 : vector<16xf32> to vector<1x16xf32>
        tpu.vector_store %arg10[%parallel_loop3A_199, %parallel_loop3A_200], %parallel_loop3A_203 {strides = array<i32>} : memref<16x1024xf32, #tpu.memory_space<vmem>>, vector<1x16xf32>,
        %parallel_loop3A_204 = arith.index_cast %parallel_loop3A_189 : i32 to index
        %parallel_loop3A_205 = arith.constant 16 : index
        %parallel_loop3A_206 = tpu.vector_load %arg6[%parallel_loop3A_204, %parallel_loop3A_205] {strides = array<i32>} : memref<16x1024xf32, #tpu.memory_space<vmem>>, vector<1x16xf32>,
        %parallel_loop3A_207 = vector.shape_cast %parallel_loop3A_206 : vector<1x16xf32> to vector<16xf32>
        %parallel_loop3A_208 = arith.index_cast %parallel_loop3A_189 : i32 to index
        %parallel_loop3A_209 = arith.constant 16 : index
        %parallel_loop3A_210 = tpu.vector_load %arg8[%parallel_loop3A_208, %parallel_loop3A_209] {strides = array<i32>} : memref<16x1024xf32, #tpu.memory_space<vmem>>, vector<1x16xf32>,
        %parallel_loop3A_211 = vector.shape_cast %parallel_loop3A_210 : vector<1x16xf32> to vector<16xf32>
        %parallel_loop3A_212 = arith.addf %parallel_loop3A_207, %parallel_loop3A_211 : vector<16xf32>
        %parallel_loop3A_213 = arith.index_cast %parallel_loop3A_189 : i32 to index
        %parallel_loop3A_214 = arith.constant 16 : index
        %parallel_loop3A_215 = tpu.vector_load %arg10[%parallel_loop3A_213, %parallel_loop3A_214] {strides = array<i32>} : memref<16x1024xf32, #tpu.memory_space<vmem>>, vector<1x16xf32>,
        %parallel_loop3A_216 = vector.shape_cast %parallel_loop3A_215 : vector<1x16xf32> to vector<16xf32>
        %parallel_loop3A_217 = vector.shape_cast %parallel_loop3A_212 : vector<16xf32> to vector<1x16xf32>
        tpu.vector_store %arg10[%parallel_loop3A_213, %parallel_loop3A_214], %parallel_loop3A_217 {strides = array<i32>} : memref<16x1024xf32, #tpu.memory_space<vmem>>, vector<1x16xf32>,
        %parallel_loop3A_218 = arith.index_cast %parallel_loop3A_189 : i32 to index
        %parallel_loop3A_219 = arith.constant 32 : index
        %parallel_loop3A_220 = tpu.vector_load %arg6[%parallel_loop3A_218, %parallel_loop3A_219] {strides = array<i32>} : memref<16x1024xf32, #tpu.memory_space<vmem>>, vector<1x16xf32>,
        %parallel_loop3A_221 = vector.shape_cast %parallel_loop3A_220 : vector<1x16xf32> to vector<16xf32>
        %parallel_loop3A_222 = arith.index_cast %parallel_loop3A_189 : i32 to index
        %parallel_loop3A_223 = arith.constant 32 : index
        %parallel_loop3A_224 = tpu.vector_load %arg8[%parallel_loop3A_222, %parallel_loop3A_223] {strides = array<i32>} : memref<16x1024xf32, #tpu.memory_space<vmem>>, vector<1x16xf32>,
        %parallel_loop3A_225 = vector.shape_cast %parallel_loop3A_224 : vector<1x16xf32> to vector<16xf32>
        %parallel_loop3A_226 = arith.addf %parallel_loop3A_221, %parallel_loop3A_225 : vector<16xf32>
        %parallel_loop3A_227 = arith.index_cast %parallel_loop3A_189 : i32 to index
        %parallel_loop3A_228 = arith.constant 32 : index
        %parallel_loop3A_229 = tpu.vector_load %arg10[%parallel_loop3A_227, %parallel_loop3A_228] {strides = array<i32>} : memref<16x1024xf32, #tpu.memory_space<vmem>>, vector<1x16xf32>,
        %parallel_loop3A_230 = vector.shape_cast %parallel_loop3A_229 : vector<1x16xf32> to vector<16xf32>
        %parallel_loop3A_231 = vector.shape_cast %parallel_loop3A_226 : vector<16xf32> to vector<1x16xf32>
        tpu.vector_store %arg10[%parallel_loop3A_227, %parallel_loop3A_228], %parallel_loop3A_231 {strides = array<i32>} : memref<16x1024xf32, #tpu.memory_space<vmem>>, vector<1x16xf32>,
        %parallel_loop3A_232 = arith.index_cast %parallel_loop3A_189 : i32 to index
        %parallel_loop3A_233 = arith.constant 48 : index
        %parallel_loop3A_234 = tpu.vector_load %arg6[%parallel_loop3A_232, %parallel_loop3A_233] {strides = array<i32>} : memref<16x1024xf32, #tpu.memory_space<vmem>>, vector<1x16xf32>,
        %parallel_loop3A_235 = vector.shape_cast %parallel_loop3A_234 : vector<1x16xf32> to vector<16xf32>
        %parallel_loop3A_236 = arith.index_cast %parallel_loop3A_189 : i32 to index
        %parallel_loop3A_237 = arith.constant 48 : index
        %parallel_loop3A_238 = tpu.vector_load %arg8[%parallel_loop3A_236, %parallel_loop3A_237] {strides = array<i32>} : memref<16x1024xf32, #tpu.memory_space<vmem>>, vector<1x16xf32>,
        %parallel_loop3A_239 = vector.shape_cast %parallel_loop3A_238 : vector<1x16xf32> to vector<16xf32>
        %parallel_loop3A_240 = arith.addf %parallel_loop3A_235, %parallel_loop3A_239 : vector<16xf32>
        %parallel_loop3A_241 = arith.index_cast %parallel_loop3A_189 : i32 to index
        %parallel_loop3A_242 = arith.constant 48 : index
        %parallel_loop3A_243 = tpu.vector_load %arg10[%parallel_loop3A_241, %parallel_loop3A_242] {strides = array<i32>} : memref<16x1024xf32, #tpu.memory_space<vmem>>, vector<1x16xf32>,
        %parallel_loop3A_244 = vector.shape_cast %parallel_loop3A_243 : vector<1x16xf32> to vector<16xf32>
        %parallel_loop3A_245 = vector.shape_cast %parallel_loop3A_240 : vector<16xf32> to vector<1x16xf32>
        tpu.vector_store %arg10[%parallel_loop3A_241, %parallel_loop3A_242], %parallel_loop3A_245 {strides = array<i32>} : memref<16x1024xf32, #tpu.memory_space<vmem>>, vector<1x16xf32>,
        %parallel_loop3A_246 = arith.index_cast %parallel_loop3A_189 : i32 to index
        %parallel_loop3A_247 = arith.constant 64 : index
        %parallel_loop3A_248 = tpu.vector_load %arg6[%parallel_loop3A_246, %parallel_loop3A_247] {strides = array<i32>} : memref<16x1024xf32, #tpu.memory_space<vmem>>, vector<1x16xf32>,
        %parallel_loop3A_249 = vector.shape_cast %parallel_loop3A_248 : vector<1x16xf32> to vector<16xf32>
        %parallel_loop3A_250 = arith.index_cast %parallel_loop3A_189 : i32 to index
        %parallel_loop3A_251 = arith.constant 64 : index
        %parallel_loop3A_252 = tpu.vector_load %arg8[%parallel_loop3A_250, %parallel_loop3A_251] {strides = array<i32>} : memref<16x1024xf32, #tpu.memory_space<vmem>>, vector<1x16xf32>,
        %parallel_loop3A_253 = vector.shape_cast %parallel_loop3A_252 : vector<1x16xf32> to vector<16xf32>
        %parallel_loop3A_254 = arith.addf %parallel_loop3A_249, %parallel_loop3A_253 : vector<16xf32>
        %parallel_loop3A_255 = arith.index_cast %parallel_loop3A_189 : i32 to index
        %parallel_loop3A_256 = arith.constant 64 : index
        %parallel_loop3A_257 = tpu.vector_load %arg10[%parallel_loop3A_255, %parallel_loop3A_256] {strides = array<i32>} : memref<16x1024xf32, #tpu.memory_space<vmem>>, vector<1x16xf32>,
        %parallel_loop3A_258 = vector.shape_cast %parallel_loop3A_257 : vector<1x16xf32> to vector<16xf32>
        %parallel_loop3A_259 = vector.shape_cast %parallel_loop3A_254 : vector<16xf32> to vector<1x16xf32>
        tpu.vector_store %arg10[%parallel_loop3A_255, %parallel_loop3A_256], %parallel_loop3A_259 {strides = array<i32>} : memref<16x1024xf32, #tpu.memory_space<vmem>>, vector<1x16xf32>,
        %parallel_loop3A_260 = arith.index_cast %parallel_loop3A_189 : i32 to index
        %parallel_loop3A_261 = arith.constant 80 : index
        %parallel_loop3A_262 = tpu.vector_load %arg6[%parallel_loop3A_260, %parallel_loop3A_261] {strides = array<i32>} : memref<16x1024xf32, #tpu.memory_space<vmem>>, vector<1x16xf32>,
        %parallel_loop3A_263 = vector.shape_cast %parallel_loop3A_262 : vector<1x16xf32> to vector<16xf32>
        %parallel_loop3A_264 = arith.index_cast %parallel_loop3A_189 : i32 to index
        %parallel_loop3A_265 = arith.constant 80 : index
        %parallel_loop3A_266 = tpu.vector_load %arg8[%parallel_loop3A_264, %parallel_loop3A_265] {strides = array<i32>} : memref<16x1024xf32, #tpu.memory_space<vmem>>, vector<1x16xf32>,
        %parallel_loop3A_267 = vector.shape_cast %parallel_loop3A_266 : vector<1x16xf32> to vector<16xf32>
        %parallel_loop3A_268 = arith.addf %parallel_loop3A_263, %parallel_loop3A_267 : vector<16xf32>
        %parallel_loop3A_269 = arith.index_cast %parallel_loop3A_189 : i32 to index
        %parallel_loop3A_270 = arith.constant 80 : index
        %parallel_loop3A_271 = tpu.vector_load %arg10[%parallel_loop3A_269, %parallel_loop3A_270] {strides = array<i32>} : memref<16x1024xf32, #tpu.memory_space<vmem>>, vector<1x16xf32>,
        %parallel_loop3A_272 = vector.shape_cast %parallel_loop3A_271 : vector<1x16xf32> to vector<16xf32>
        %parallel_loop3A_273 = vector.shape_cast %parallel_loop3A_268 : vector<16xf32> to vector<1x16xf32>
        tpu.vector_store %arg10[%parallel_loop3A_269, %parallel_loop3A_270], %parallel_loop3A_273 {strides = array<i32>} : memref<16x1024xf32, #tpu.memory_space<vmem>>, vector<1x16xf32>,
        %parallel_loop3A_274 = arith.index_cast %parallel_loop3A_189 : i32 to index
        %parallel_loop3A_275 = arith.constant 96 : index
        %parallel_loop3A_276 = tpu.vector_load %arg6[%parallel_loop3A_274, %parallel_loop3A_275] {strides = array<i32>} : memref<16x1024xf32, #tpu.memory_space<vmem>>, vector<1x16xf32>,
        %parallel_loop3A_277 = vector.shape_cast %parallel_loop3A_276 : vector<1x16xf32> to vector<16xf32>
        %parallel_loop3A_278 = arith.index_cast %parallel_loop3A_189 : i32 to index
        %parallel_loop3A_279 = arith.constant 96 : index
        %parallel_loop3A_280 = tpu.vector_load %arg8[%parallel_loop3A_278, %parallel_loop3A_279] {strides = array<i32>} : memref<16x1024xf32, #tpu.memory_space<vmem>>, vector<1x16xf32>,
        %parallel_loop3A_281 = vector.shape_cast %parallel_loop3A_280 : vector<1x16xf32> to vector<16xf32>
        %parallel_loop3A_282 = arith.addf %parallel_loop3A_277, %parallel_loop3A_281 : vector<16xf32>
        %parallel_loop3A_283 = arith.index_cast %parallel_loop3A_189 : i32 to index
        %parallel_loop3A_284 = arith.constant 96 : index
        %parallel_loop3A_285 = tpu.vector_load %arg10[%parallel_loop3A_283, %parallel_loop3A_284] {strides = array<i32>} : memref<16x1024xf32, #tpu.memory_space<vmem>>, vector<1x16xf32>,
        %parallel_loop3A_286 = vector.shape_cast %parallel_loop3A_285 : vector<1x16xf32> to vector<16xf32>
        %parallel_loop3A_287 = vector.shape_cast %parallel_loop3A_282 : vector<16xf32> to vector<1x16xf32>
        tpu.vector_store %arg10[%parallel_loop3A_283, %parallel_loop3A_284], %parallel_loop3A_287 {strides = array<i32>} : memref<16x1024xf32, #tpu.memory_space<vmem>>, vector<1x16xf32>,
        %parallel_loop3A_288 = arith.index_cast %parallel_loop3A_189 : i32 to index
        %parallel_loop3A_289 = arith.constant 112 : index
        %parallel_loop3A_290 = tpu.vector_load %arg6[%parallel_loop3A_288, %parallel_loop3A_289] {strides = array<i32>} : memref<16x1024xf32, #tpu.memory_space<vmem>>, vector<1x16xf32>,
        %parallel_loop3A_291 = vector.shape_cast %parallel_loop3A_290 : vector<1x16xf32> to vector<16xf32>
        %parallel_loop3A_292 = arith.index_cast %parallel_loop3A_189 : i32 to index
        %parallel_loop3A_293 = arith.constant 112 : index
        %parallel_loop3A_294 = tpu.vector_load %arg8[%parallel_loop3A_292, %parallel_loop3A_293] {strides = array<i32>} : memref<16x1024xf32, #tpu.memory_space<vmem>>, vector<1x16xf32>,
        %parallel_loop3A_295 = vector.shape_cast %parallel_loop3A_294 : vector<1x16xf32> to vector<16xf32>
        %parallel_loop3A_296 = arith.addf %parallel_loop3A_291, %parallel_loop3A_295 : vector<16xf32>
        %parallel_loop3A_297 = arith.index_cast %parallel_loop3A_189 : i32 to index
        %parallel_loop3A_298 = arith.constant 112 : index
        %parallel_loop3A_299 = tpu.vector_load %arg10[%parallel_loop3A_297, %parallel_loop3A_298] {strides = array<i32>} : memref<16x1024xf32, #tpu.memory_space<vmem>>, vector<1x16xf32>,
        %parallel_loop3A_300 = vector.shape_cast %parallel_loop3A_299 : vector<1x16xf32> to vector<16xf32>
        %parallel_loop3A_301 = vector.shape_cast %parallel_loop3A_296 : vector<16xf32> to vector<1x16xf32>
        tpu.vector_store %arg10[%parallel_loop3A_297, %parallel_loop3A_298], %parallel_loop3A_301 {strides = array<i32>} : memref<16x1024xf32, #tpu.memory_space<vmem>>, vector<1x16xf32>,
        %parallel_loop3A_302 = arith.index_cast %parallel_loop3A_189 : i32 to index
        %parallel_loop3A_303 = arith.constant 128 : index
        %parallel_loop3A_304 = tpu.vector_load %arg6[%parallel_loop3A_302, %parallel_loop3A_303] {strides = array<i32>} : memref<16x1024xf32, #tpu.memory_space<vmem>>, vector<1x16xf32>,
        %parallel_loop3A_305 = vector.shape_cast %parallel_loop3A_304 : vector<1x16xf32> to vector<16xf32>
        %parallel_loop3A_306 = arith.index_cast %parallel_loop3A_189 : i32 to index
        %parallel_loop3A_307 = arith.constant 128 : index
        %parallel_loop3A_308 = tpu.vector_load %arg8[%parallel_loop3A_306, %parallel_loop3A_307] {strides = array<i32>} : memref<16x1024xf32, #tpu.memory_space<vmem>>, vector<1x16xf32>,
        %parallel_loop3A_309 = vector.shape_cast %parallel_loop3A_308 : vector<1x16xf32> to vector<16xf32>
        %parallel_loop3A_310 = arith.addf %parallel_loop3A_305, %parallel_loop3A_309 : vector<16xf32>
        %parallel_loop3A_311 = arith.index_cast %parallel_loop3A_189 : i32 to index
        %parallel_loop3A_312 = arith.constant 128 : index
        %parallel_loop3A_313 = tpu.vector_load %arg10[%parallel_loop3A_311, %parallel_loop3A_312] {strides = array<i32>} : memref<16x1024xf32, #tpu.memory_space<vmem>>, vector<1x16xf32>,
        %parallel_loop3A_314 = vector.shape_cast %parallel_loop3A_313 : vector<1x16xf32> to vector<16xf32>
        %parallel_loop3A_315 = vector.shape_cast %parallel_loop3A_310 : vector<16xf32> to vector<1x16xf32>
        tpu.vector_store %arg10[%parallel_loop3A_311, %parallel_loop3A_312], %parallel_loop3A_315 {strides = array<i32>} : memref<16x1024xf32, #tpu.memory_space<vmem>>, vector<1x16xf32>,
        %parallel_loop3A_316 = arith.index_cast %parallel_loop3A_189 : i32 to index
        %parallel_loop3A_317 = arith.constant 144 : index
        %parallel_loop3A_318 = tpu.vector_load %arg6[%parallel_loop3A_316, %parallel_loop3A_317] {strides = array<i32>} : memref<16x1024xf32, #tpu.memory_space<vmem>>, vector<1x16xf32>,
        %parallel_loop3A_319 = vector.shape_cast %parallel_loop3A_318 : vector<1x16xf32> to vector<16xf32>
        %parallel_loop3A_320 = arith.index_cast %parallel_loop3A_189 : i32 to index
        %parallel_loop3A_321 = arith.constant 144 : index
        %parallel_loop3A_322 = tpu.vector_load %arg8[%parallel_loop3A_320, %parallel_loop3A_321] {strides = array<i32>} : memref<16x1024xf32, #tpu.memory_space<vmem>>, vector<1x16xf32>,
        %parallel_loop3A_323 = vector.shape_cast %parallel_loop3A_322 : vector<1x16xf32> to vector<16xf32>
        %parallel_loop3A_324 = arith.addf %parallel_loop3A_319, %parallel_loop3A_323 : vector<16xf32>
        %parallel_loop3A_325 = arith.index_cast %parallel_loop3A_189 : i32 to index
        %parallel_loop3A_326 = arith.constant 144 : index
        %parallel_loop3A_327 = tpu.vector_load %arg10[%parallel_loop3A_325, %parallel_loop3A_326] {strides = array<i32>} : memref<16x1024xf32, #tpu.memory_space<vmem>>, vector<1x16xf32>,
        %parallel_loop3A_328 = vector.shape_cast %parallel_loop3A_327 : vector<1x16xf32> to vector<16xf32>
        %parallel_loop3A_329 = vector.shape_cast %parallel_loop3A_324 : vector<16xf32> to vector<1x16xf32>
        tpu.vector_store %arg10[%parallel_loop3A_325, %parallel_loop3A_326], %parallel_loop3A_329 {strides = array<i32>} : memref<16x1024xf32, #tpu.memory_space<vmem>>, vector<1x16xf32>,
        %parallel_loop3A_330 = arith.index_cast %parallel_loop3A_189 : i32 to index
        %parallel_loop3A_331 = arith.constant 160 : index
        %parallel_loop3A_332 = tpu.vector_load %arg6[%parallel_loop3A_330, %parallel_loop3A_331] {strides = array<i32>} : memref<16x1024xf32, #tpu.memory_space<vmem>>, vector<1x16xf32>,
        %parallel_loop3A_333 = vector.shape_cast %parallel_loop3A_332 : vector<1x16xf32> to vector<16xf32>
        %parallel_loop3A_334 = arith.index_cast %parallel_loop3A_189 : i32 to index
        %parallel_loop3A_335 = arith.constant 160 : index
        %parallel_loop3A_336 = tpu.vector_load %arg8[%parallel_loop3A_334, %parallel_loop3A_335] {strides = array<i32>} : memref<16x1024xf32, #tpu.memory_space<vmem>>, vector<1x16xf32>,
        %parallel_loop3A_337 = vector.shape_cast %parallel_loop3A_336 : vector<1x16xf32> to vector<16xf32>
        %parallel_loop3A_338 = arith.addf %parallel_loop3A_333, %parallel_loop3A_337 : vector<16xf32>
        %parallel_loop3A_339 = arith.index_cast %parallel_loop3A_189 : i32 to index
        %parallel_loop3A_340 = arith.constant 160 : index
        %parallel_loop3A_341 = tpu.vector_load %arg10[%parallel_loop3A_339, %parallel_loop3A_340] {strides = array<i32>} : memref<16x1024xf32, #tpu.memory_space<vmem>>, vector<1x16xf32>,
        %parallel_loop3A_342 = vector.shape_cast %parallel_loop3A_341 : vector<1x16xf32> to vector<16xf32>
        %parallel_loop3A_343 = vector.shape_cast %parallel_loop3A_338 : vector<16xf32> to vector<1x16xf32>
        tpu.vector_store %arg10[%parallel_loop3A_339, %parallel_loop3A_340], %parallel_loop3A_343 {strides = array<i32>} : memref<16x1024xf32, #tpu.memory_space<vmem>>, vector<1x16xf32>,
        %parallel_loop3A_344 = arith.index_cast %parallel_loop3A_189 : i32 to index
        %parallel_loop3A_345 = arith.constant 176 : index
        %parallel_loop3A_346 = tpu.vector_load %arg6[%parallel_loop3A_344, %parallel_loop3A_345] {strides = array<i32>} : memref<16x1024xf32, #tpu.memory_space<vmem>>, vector<1x16xf32>,
        %parallel_loop3A_347 = vector.shape_cast %parallel_loop3A_346 : vector<1x16xf32> to vector<16xf32>
        %parallel_loop3A_348 = arith.index_cast %parallel_loop3A_189 : i32 to index
        %parallel_loop3A_349 = arith.constant 176 : index
        %parallel_loop3A_350 = tpu.vector_load %arg8[%parallel_loop3A_348, %parallel_loop3A_349] {strides = array<i32>} : memref<16x1024xf32, #tpu.memory_space<vmem>>, vector<1x16xf32>,
        %parallel_loop3A_351 = vector.shape_cast %parallel_loop3A_350 : vector<1x16xf32> to vector<16xf32>
        %parallel_loop3A_352 = arith.addf %parallel_loop3A_347, %parallel_loop3A_351 : vector<16xf32>
        %parallel_loop3A_353 = arith.index_cast %parallel_loop3A_189 : i32 to index
        %parallel_loop3A_354 = arith.constant 176 : index
        %parallel_loop3A_355 = tpu.vector_load %arg10[%parallel_loop3A_353, %parallel_loop3A_354] {strides = array<i32>} : memref<16x1024xf32, #tpu.memory_space<vmem>>, vector<1x16xf32>,
        %parallel_loop3A_356 = vector.shape_cast %parallel_loop3A_355 : vector<1x16xf32> to vector<16xf32>
        %parallel_loop3A_357 = vector.shape_cast %parallel_loop3A_352 : vector<16xf32> to vector<1x16xf32>
        tpu.vector_store %arg10[%parallel_loop3A_353, %parallel_loop3A_354], %parallel_loop3A_357 {strides = array<i32>} : memref<16x1024xf32, #tpu.memory_space<vmem>>, vector<1x16xf32>,
        %parallel_loop3A_358 = arith.index_cast %parallel_loop3A_189 : i32 to index
        %parallel_loop3A_359 = arith.constant 192 : index
        %parallel_loop3A_360 = tpu.vector_load %arg6[%parallel_loop3A_358, %parallel_loop3A_359] {strides = array<i32>} : memref<16x1024xf32, #tpu.memory_space<vmem>>, vector<1x16xf32>,
        %parallel_loop3A_361 = vector.shape_cast %parallel_loop3A_360 : vector<1x16xf32> to vector<16xf32>
        %parallel_loop3A_362 = arith.index_cast %parallel_loop3A_189 : i32 to index
        %parallel_loop3A_363 = arith.constant 192 : index
        %parallel_loop3A_364 = tpu.vector_load %arg8[%parallel_loop3A_362, %parallel_loop3A_363] {strides = array<i32>} : memref<16x1024xf32, #tpu.memory_space<vmem>>, vector<1x16xf32>,
        %parallel_loop3A_365 = vector.shape_cast %parallel_loop3A_364 : vector<1x16xf32> to vector<16xf32>
        %parallel_loop3A_366 = arith.addf %parallel_loop3A_361, %parallel_loop3A_365 : vector<16xf32>
        %parallel_loop3A_367 = arith.index_cast %parallel_loop3A_189 : i32 to index
        %parallel_loop3A_368 = arith.constant 192 : index
        %parallel_loop3A_369 = tpu.vector_load %arg10[%parallel_loop3A_367, %parallel_loop3A_368] {strides = array<i32>} : memref<16x1024xf32, #tpu.memory_space<vmem>>, vector<1x16xf32>,
        %parallel_loop3A_370 = vector.shape_cast %parallel_loop3A_369 : vector<1x16xf32> to vector<16xf32>
        %parallel_loop3A_371 = vector.shape_cast %parallel_loop3A_366 : vector<16xf32> to vector<1x16xf32>
        tpu.vector_store %arg10[%parallel_loop3A_367, %parallel_loop3A_368], %parallel_loop3A_371 {strides = array<i32>} : memref<16x1024xf32, #tpu.memory_space<vmem>>, vector<1x16xf32>,
        %parallel_loop3A_372 = arith.index_cast %parallel_loop3A_189 : i32 to index
        %parallel_loop3A_373 = arith.constant 208 : index
        %parallel_loop3A_374 = tpu.vector_load %arg6[%parallel_loop3A_372, %parallel_loop3A_373] {strides = array<i32>} : memref<16x1024xf32, #tpu.memory_space<vmem>>, vector<1x16xf32>,
        %parallel_loop3A_375 = vector.shape_cast %parallel_loop3A_374 : vector<1x16xf32> to vector<16xf32>
        %parallel_loop3A_376 = arith.index_cast %parallel_loop3A_189 : i32 to index
        %parallel_loop3A_377 = arith.constant 208 : index
        %parallel_loop3A_378 = tpu.vector_load %arg8[%parallel_loop3A_376, %parallel_loop3A_377] {strides = array<i32>} : memref<16x1024xf32, #tpu.memory_space<vmem>>, vector<1x16xf32>,
        %parallel_loop3A_379 = vector.shape_cast %parallel_loop3A_378 : vector<1x16xf32> to vector<16xf32>
        %parallel_loop3A_380 = arith.addf %parallel_loop3A_375, %parallel_loop3A_379 : vector<16xf32>
        %parallel_loop3A_381 = arith.index_cast %parallel_loop3A_189 : i32 to index
        %parallel_loop3A_382 = arith.constant 208 : index
        %parallel_loop3A_383 = tpu.vector_load %arg10[%parallel_loop3A_381, %parallel_loop3A_382] {strides = array<i32>} : memref<16x1024xf32, #tpu.memory_space<vmem>>, vector<1x16xf32>,
        %parallel_loop3A_384 = vector.shape_cast %parallel_loop3A_383 : vector<1x16xf32> to vector<16xf32>
        %parallel_loop3A_385 = vector.shape_cast %parallel_loop3A_380 : vector<16xf32> to vector<1x16xf32>
        tpu.vector_store %arg10[%parallel_loop3A_381, %parallel_loop3A_382], %parallel_loop3A_385 {strides = array<i32>} : memref<16x1024xf32, #tpu.memory_space<vmem>>, vector<1x16xf32>,
        %parallel_loop3A_386 = arith.index_cast %parallel_loop3A_189 : i32 to index
        %parallel_loop3A_387 = arith.constant 224 : index
        %parallel_loop3A_388 = tpu.vector_load %arg6[%parallel_loop3A_386, %parallel_loop3A_387] {strides = array<i32>} : memref<16x1024xf32, #tpu.memory_space<vmem>>, vector<1x16xf32>,
        %parallel_loop3A_389 = vector.shape_cast %parallel_loop3A_388 : vector<1x16xf32> to vector<16xf32>
        %parallel_loop3A_390 = arith.index_cast %parallel_loop3A_189 : i32 to index
        %parallel_loop3A_391 = arith.constant 224 : index
        %parallel_loop3A_392 = tpu.vector_load %arg8[%parallel_loop3A_390, %parallel_loop3A_391] {strides = array<i32>} : memref<16x1024xf32, #tpu.memory_space<vmem>>, vector<1x16xf32>,
        %parallel_loop3A_393 = vector.shape_cast %parallel_loop3A_392 : vector<1x16xf32> to vector<16xf32>
        %parallel_loop3A_394 = arith.addf %parallel_loop3A_389, %parallel_loop3A_393 : vector<16xf32>
        %parallel_loop3A_395 = arith.index_cast %parallel_loop3A_189 : i32 to index
        %parallel_loop3A_396 = arith.constant 224 : index
        %parallel_loop3A_397 = tpu.vector_load %arg10[%parallel_loop3A_395, %parallel_loop3A_396] {strides = array<i32>} : memref<16x1024xf32, #tpu.memory_space<vmem>>, vector<1x16xf32>,
        %parallel_loop3A_398 = vector.shape_cast %parallel_loop3A_397 : vector<1x16xf32> to vector<16xf32>
        %parallel_loop3A_399 = vector.shape_cast %parallel_loop3A_394 : vector<16xf32> to vector<1x16xf32>
        tpu.vector_store %arg10[%parallel_loop3A_395, %parallel_loop3A_396], %parallel_loop3A_399 {strides = array<i32>} : memref<16x1024xf32, #tpu.memory_space<vmem>>, vector<1x16xf32>,
        %parallel_loop3A_400 = arith.index_cast %parallel_loop3A_189 : i32 to index
        %parallel_loop3A_401 = arith.constant 240 : index
        %parallel_loop3A_402 = tpu.vector_load %arg6[%parallel_loop3A_400, %parallel_loop3A_401] {strides = array<i32>} : memref<16x1024xf32, #tpu.memory_space<vmem>>, vector<1x16xf32>,
        %parallel_loop3A_403 = vector.shape_cast %parallel_loop3A_402 : vector<1x16xf32> to vector<16xf32>
        %parallel_loop3A_404 = arith.index_cast %parallel_loop3A_189 : i32 to index
        %parallel_loop3A_405 = arith.constant 240 : index
        %parallel_loop3A_406 = tpu.vector_load %arg8[%parallel_loop3A_404, %parallel_loop3A_405] {strides = array<i32>} : memref<16x1024xf32, #tpu.memory_space<vmem>>, vector<1x16xf32>,
        %parallel_loop3A_407 = vector.shape_cast %parallel_loop3A_406 : vector<1x16xf32> to vector<16xf32>
        %parallel_loop3A_408 = arith.addf %parallel_loop3A_403, %parallel_loop3A_407 : vector<16xf32>
        %parallel_loop3A_409 = arith.index_cast %parallel_loop3A_189 : i32 to index
        %parallel_loop3A_410 = arith.constant 240 : index
        %parallel_loop3A_411 = tpu.vector_load %arg10[%parallel_loop3A_409, %parallel_loop3A_410] {strides = array<i32>} : memref<16x1024xf32, #tpu.memory_space<vmem>>, vector<1x16xf32>,
        %parallel_loop3A_412 = vector.shape_cast %parallel_loop3A_411 : vector<1x16xf32> to vector<16xf32>
        %parallel_loop3A_413 = vector.shape_cast %parallel_loop3A_408 : vector<16xf32> to vector<1x16xf32>
        tpu.vector_store %arg10[%parallel_loop3A_409, %parallel_loop3A_410], %parallel_loop3A_413 {strides = array<i32>} : memref<16x1024xf32, #tpu.memory_space<vmem>>, vector<1x16xf32>,
        %parallel_loop3A_414 = arith.index_cast %parallel_loop3A_189 : i32 to index
        %parallel_loop3A_415 = arith.constant 256 : index
        %parallel_loop3A_416 = tpu.vector_load %arg6[%parallel_loop3A_414, %parallel_loop3A_415] {strides = array<i32>} : memref<16x1024xf32, #tpu.memory_space<vmem>>, vector<1x16xf32>,
        %parallel_loop3A_417 = vector.shape_cast %parallel_loop3A_416 : vector<1x16xf32> to vector<16xf32>
        %parallel_loop3A_418 = arith.index_cast %parallel_loop3A_189 : i32 to index
        %parallel_loop3A_419 = arith.constant 256 : index
        %parallel_loop3A_420 = tpu.vector_load %arg8[%parallel_loop3A_418, %parallel_loop3A_419] {strides = array<i32>} : memref<16x1024xf32, #tpu.memory_space<vmem>>, vector<1x16xf32>,
        %parallel_loop3A_421 = vector.shape_cast %parallel_loop3A_420 : vector<1x16xf32> to vector<16xf32>
        %parallel_loop3A_422 = arith.addf %parallel_loop3A_417, %parallel_loop3A_421 : vector<16xf32>
        %parallel_loop3A_423 = arith.index_cast %parallel_loop3A_189 : i32 to index
        %parallel_loop3A_424 = arith.constant 256 : index
        %parallel_loop3A_425 = tpu.vector_load %arg10[%parallel_loop3A_423, %parallel_loop3A_424] {strides = array<i32>} : memref<16x1024xf32, #tpu.memory_space<vmem>>, vector<1x16xf32>,
        %parallel_loop3A_426 = vector.shape_cast %parallel_loop3A_425 : vector<1x16xf32> to vector<16xf32>
        %parallel_loop3A_427 = vector.shape_cast %parallel_loop3A_422 : vector<16xf32> to vector<1x16xf32>
        tpu.vector_store %arg10[%parallel_loop3A_423, %parallel_loop3A_424], %parallel_loop3A_427 {strides = array<i32>} : memref<16x1024xf32, #tpu.memory_space<vmem>>, vector<1x16xf32>,
        %parallel_loop3A_428 = arith.index_cast %parallel_loop3A_189 : i32 to index
        %parallel_loop3A_429 = arith.constant 272 : index
        %parallel_loop3A_430 = tpu.vector_load %arg6[%parallel_loop3A_428, %parallel_loop3A_429] {strides = array<i32>} : memref<16x1024xf32, #tpu.memory_space<vmem>>, vector<1x16xf32>,
        %parallel_loop3A_431 = vector.shape_cast %parallel_loop3A_430 : vector<1x16xf32> to vector<16xf32>
        %parallel_loop3A_432 = arith.index_cast %parallel_loop3A_189 : i32 to index
        %parallel_loop3A_433 = arith.constant 272 : index
        %parallel_loop3A_434 = tpu.vector_load %arg8[%parallel_loop3A_432, %parallel_loop3A_433] {strides = array<i32>} : memref<16x1024xf32, #tpu.memory_space<vmem>>, vector<1x16xf32>,
        %parallel_loop3A_435 = vector.shape_cast %parallel_loop3A_434 : vector<1x16xf32> to vector<16xf32>
        %parallel_loop3A_436 = arith.addf %parallel_loop3A_431, %parallel_loop3A_435 : vector<16xf32>
        %parallel_loop3A_437 = arith.index_cast %parallel_loop3A_189 : i32 to index
        %parallel_loop3A_438 = arith.constant 272 : index
        %parallel_loop3A_439 = tpu.vector_load %arg10[%parallel_loop3A_437, %parallel_loop3A_438] {strides = array<i32>} : memref<16x1024xf32, #tpu.memory_space<vmem>>, vector<1x16xf32>,
        %parallel_loop3A_440 = vector.shape_cast %parallel_loop3A_439 : vector<1x16xf32> to vector<16xf32>
        %parallel_loop3A_441 = vector.shape_cast %parallel_loop3A_436 : vector<16xf32> to vector<1x16xf32>
        tpu.vector_store %arg10[%parallel_loop3A_437, %parallel_loop3A_438], %parallel_loop3A_441 {strides = array<i32>} : memref<16x1024xf32, #tpu.memory_space<vmem>>, vector<1x16xf32>,
        %parallel_loop3A_442 = arith.index_cast %parallel_loop3A_189 : i32 to index
        %parallel_loop3A_443 = arith.constant 288 : index
        %parallel_loop3A_444 = tpu.vector_load %arg6[%parallel_loop3A_442, %parallel_loop3A_443] {strides = array<i32>} : memref<16x1024xf32, #tpu.memory_space<vmem>>, vector<1x16xf32>,
        %parallel_loop3A_445 = vector.shape_cast %parallel_loop3A_444 : vector<1x16xf32> to vector<16xf32>
        %parallel_loop3A_446 = arith.index_cast %parallel_loop3A_189 : i32 to index
        %parallel_loop3A_447 = arith.constant 288 : index
        %parallel_loop3A_448 = tpu.vector_load %arg8[%parallel_loop3A_446, %parallel_loop3A_447] {strides = array<i32>} : memref<16x1024xf32, #tpu.memory_space<vmem>>, vector<1x16xf32>,
        %parallel_loop3A_449 = vector.shape_cast %parallel_loop3A_448 : vector<1x16xf32> to vector<16xf32>
        %parallel_loop3A_450 = arith.addf %parallel_loop3A_445, %parallel_loop3A_449 : vector<16xf32>
        %parallel_loop3A_451 = arith.index_cast %parallel_loop3A_189 : i32 to index
        %parallel_loop3A_452 = arith.constant 288 : index
        %parallel_loop3A_453 = tpu.vector_load %arg10[%parallel_loop3A_451, %parallel_loop3A_452] {strides = array<i32>} : memref<16x1024xf32, #tpu.memory_space<vmem>>, vector<1x16xf32>,
        %parallel_loop3A_454 = vector.shape_cast %parallel_loop3A_453 : vector<1x16xf32> to vector<16xf32>
        %parallel_loop3A_455 = vector.shape_cast %parallel_loop3A_450 : vector<16xf32> to vector<1x16xf32>
        tpu.vector_store %arg10[%parallel_loop3A_451, %parallel_loop3A_452], %parallel_loop3A_455 {strides = array<i32>} : memref<16x1024xf32, #tpu.memory_space<vmem>>, vector<1x16xf32>,
        %parallel_loop3A_456 = arith.index_cast %parallel_loop3A_189 : i32 to index
        %parallel_loop3A_457 = arith.constant 304 : index
        %parallel_loop3A_458 = tpu.vector_load %arg6[%parallel_loop3A_456, %parallel_loop3A_457] {strides = array<i32>} : memref<16x1024xf32, #tpu.memory_space<vmem>>, vector<1x16xf32>,
        %parallel_loop3A_459 = vector.shape_cast %parallel_loop3A_458 : vector<1x16xf32> to vector<16xf32>
        %parallel_loop3A_460 = arith.index_cast %parallel_loop3A_189 : i32 to index
        %parallel_loop3A_461 = arith.constant 304 : index
        %parallel_loop3A_462 = tpu.vector_load %arg8[%parallel_loop3A_460, %parallel_loop3A_461] {strides = array<i32>} : memref<16x1024xf32, #tpu.memory_space<vmem>>, vector<1x16xf32>,
        %parallel_loop3A_463 = vector.shape_cast %parallel_loop3A_462 : vector<1x16xf32> to vector<16xf32>
        %parallel_loop3A_464 = arith.addf %parallel_loop3A_459, %parallel_loop3A_463 : vector<16xf32>
        %parallel_loop3A_465 = arith.index_cast %parallel_loop3A_189 : i32 to index
        %parallel_loop3A_466 = arith.constant 304 : index
        %parallel_loop3A_467 = tpu.vector_load %arg10[%parallel_loop3A_465, %parallel_loop3A_466] {strides = array<i32>} : memref<16x1024xf32, #tpu.memory_space<vmem>>, vector<1x16xf32>,
        %parallel_loop3A_468 = vector.shape_cast %parallel_loop3A_467 : vector<1x16xf32> to vector<16xf32>
        %parallel_loop3A_469 = vector.shape_cast %parallel_loop3A_464 : vector<16xf32> to vector<1x16xf32>
        tpu.vector_store %arg10[%parallel_loop3A_465, %parallel_loop3A_466], %parallel_loop3A_469 {strides = array<i32>} : memref<16x1024xf32, #tpu.memory_space<vmem>>, vector<1x16xf32>,
        %parallel_loop3A_470 = arith.index_cast %parallel_loop3A_189 : i32 to index
        %parallel_loop3A_471 = arith.constant 320 : index
        %parallel_loop3A_472 = tpu.vector_load %arg6[%parallel_loop3A_470, %parallel_loop3A_471] {strides = array<i32>} : memref<16x1024xf32, #tpu.memory_space<vmem>>, vector<1x16xf32>,
        %parallel_loop3A_473 = vector.shape_cast %parallel_loop3A_472 : vector<1x16xf32> to vector<16xf32>
        %parallel_loop3A_474 = arith.index_cast %parallel_loop3A_189 : i32 to index
        %parallel_loop3A_475 = arith.constant 320 : index
        %parallel_loop3A_476 = tpu.vector_load %arg8[%parallel_loop3A_474, %parallel_loop3A_475] {strides = array<i32>} : memref<16x1024xf32, #tpu.memory_space<vmem>>, vector<1x16xf32>,
        %parallel_loop3A_477 = vector.shape_cast %parallel_loop3A_476 : vector<1x16xf32> to vector<16xf32>
        %parallel_loop3A_478 = arith.addf %parallel_loop3A_473, %parallel_loop3A_477 : vector<16xf32>
        %parallel_loop3A_479 = arith.index_cast %parallel_loop3A_189 : i32 to index
        %parallel_loop3A_480 = arith.constant 320 : index
        %parallel_loop3A_481 = tpu.vector_load %arg10[%parallel_loop3A_479, %parallel_loop3A_480] {strides = array<i32>} : memref<16x1024xf32, #tpu.memory_space<vmem>>, vector<1x16xf32>,
        %parallel_loop3A_482 = vector.shape_cast %parallel_loop3A_481 : vector<1x16xf32> to vector<16xf32>
        %parallel_loop3A_483 = vector.shape_cast %parallel_loop3A_478 : vector<16xf32> to vector<1x16xf32>
        tpu.vector_store %arg10[%parallel_loop3A_479, %parallel_loop3A_480], %parallel_loop3A_483 {strides = array<i32>} : memref<16x1024xf32, #tpu.memory_space<vmem>>, vector<1x16xf32>,
        %parallel_loop3A_484 = arith.index_cast %parallel_loop3A_189 : i32 to index
        %parallel_loop3A_485 = arith.constant 336 : index
        %parallel_loop3A_486 = tpu.vector_load %arg6[%parallel_loop3A_484, %parallel_loop3A_485] {strides = array<i32>} : memref<16x1024xf32, #tpu.memory_space<vmem>>, vector<1x16xf32>,
        %parallel_loop3A_487 = vector.shape_cast %parallel_loop3A_486 : vector<1x16xf32> to vector<16xf32>
        %parallel_loop3A_488 = arith.index_cast %parallel_loop3A_189 : i32 to index
        %parallel_loop3A_489 = arith.constant 336 : index
        %parallel_loop3A_490 = tpu.vector_load %arg8[%parallel_loop3A_488, %parallel_loop3A_489] {strides = array<i32>} : memref<16x1024xf32, #tpu.memory_space<vmem>>, vector<1x16xf32>,
        %parallel_loop3A_491 = vector.shape_cast %parallel_loop3A_490 : vector<1x16xf32> to vector<16xf32>
        %parallel_loop3A_492 = arith.addf %parallel_loop3A_487, %parallel_loop3A_491 : vector<16xf32>
        %parallel_loop3A_493 = arith.index_cast %parallel_loop3A_189 : i32 to index
        %parallel_loop3A_494 = arith.constant 336 : index
        %parallel_loop3A_495 = tpu.vector_load %arg10[%parallel_loop3A_493, %parallel_loop3A_494] {strides = array<i32>} : memref<16x1024xf32, #tpu.memory_space<vmem>>, vector<1x16xf32>,
        %parallel_loop3A_496 = vector.shape_cast %parallel_loop3A_495 : vector<1x16xf32> to vector<16xf32>
        %parallel_loop3A_497 = vector.shape_cast %parallel_loop3A_492 : vector<16xf32> to vector<1x16xf32>
        tpu.vector_store %arg10[%parallel_loop3A_493, %parallel_loop3A_494], %parallel_loop3A_497 {strides = array<i32>} : memref<16x1024xf32, #tpu.memory_space<vmem>>, vector<1x16xf32>,
        %parallel_loop3A_498 = arith.index_cast %parallel_loop3A_189 : i32 to index
        %parallel_loop3A_499 = arith.constant 352 : index
        %parallel_loop3A_500 = tpu.vector_load %arg6[%parallel_loop3A_498, %parallel_loop3A_499] {strides = array<i32>} : memref<16x1024xf32, #tpu.memory_space<vmem>>, vector<1x16xf32>,
        %parallel_loop3A_501 = vector.shape_cast %parallel_loop3A_500 : vector<1x16xf32> to vector<16xf32>
        %parallel_loop3A_502 = arith.index_cast %parallel_loop3A_189 : i32 to index
        %parallel_loop3A_503 = arith.constant 352 : index
        %parallel_loop3A_504 = tpu.vector_load %arg8[%parallel_loop3A_502, %parallel_loop3A_503] {strides = array<i32>} : memref<16x1024xf32, #tpu.memory_space<vmem>>, vector<1x16xf32>,
        %parallel_loop3A_505 = vector.shape_cast %parallel_loop3A_504 : vector<1x16xf32> to vector<16xf32>
        %parallel_loop3A_506 = arith.addf %parallel_loop3A_501, %parallel_loop3A_505 : vector<16xf32>
        %parallel_loop3A_507 = arith.index_cast %parallel_loop3A_189 : i32 to index
        %parallel_loop3A_508 = arith.constant 352 : index
        %parallel_loop3A_509 = tpu.vector_load %arg10[%parallel_loop3A_507, %parallel_loop3A_508] {strides = array<i32>} : memref<16x1024xf32, #tpu.memory_space<vmem>>, vector<1x16xf32>,
        %parallel_loop3A_510 = vector.shape_cast %parallel_loop3A_509 : vector<1x16xf32> to vector<16xf32>
        %parallel_loop3A_511 = vector.shape_cast %parallel_loop3A_506 : vector<16xf32> to vector<1x16xf32>
        tpu.vector_store %arg10[%parallel_loop3A_507, %parallel_loop3A_508], %parallel_loop3A_511 {strides = array<i32>} : memref<16x1024xf32, #tpu.memory_space<vmem>>, vector<1x16xf32>,
        %parallel_loop3A_512 = arith.index_cast %parallel_loop3A_189 : i32 to index
        %parallel_loop3A_513 = arith.constant 368 : index
        %parallel_loop3A_514 = tpu.vector_load %arg6[%parallel_loop3A_512, %parallel_loop3A_513] {strides = array<i32>} : memref<16x1024xf32, #tpu.memory_space<vmem>>, vector<1x16xf32>,
        %parallel_loop3A_515 = vector.shape_cast %parallel_loop3A_514 : vector<1x16xf32> to vector<16xf32>
        %parallel_loop3A_516 = arith.index_cast %parallel_loop3A_189 : i32 to index
        %parallel_loop3A_517 = arith.constant 368 : index
        %parallel_loop3A_518 = tpu.vector_load %arg8[%parallel_loop3A_516, %parallel_loop3A_517] {strides = array<i32>} : memref<16x1024xf32, #tpu.memory_space<vmem>>, vector<1x16xf32>,
        %parallel_loop3A_519 = vector.shape_cast %parallel_loop3A_518 : vector<1x16xf32> to vector<16xf32>
        %parallel_loop3A_520 = arith.addf %parallel_loop3A_515, %parallel_loop3A_519 : vector<16xf32>
        %parallel_loop3A_521 = arith.index_cast %parallel_loop3A_189 : i32 to index
        %parallel_loop3A_522 = arith.constant 368 : index
        %parallel_loop3A_523 = tpu.vector_load %arg10[%parallel_loop3A_521, %parallel_loop3A_522] {strides = array<i32>} : memref<16x1024xf32, #tpu.memory_space<vmem>>, vector<1x16xf32>,
        %parallel_loop3A_524 = vector.shape_cast %parallel_loop3A_523 : vector<1x16xf32> to vector<16xf32>
        %parallel_loop3A_525 = vector.shape_cast %parallel_loop3A_520 : vector<16xf32> to vector<1x16xf32>
        tpu.vector_store %arg10[%parallel_loop3A_521, %parallel_loop3A_522], %parallel_loop3A_525 {strides = array<i32>} : memref<16x1024xf32, #tpu.memory_space<vmem>>, vector<1x16xf32>,
        %parallel_loop3A_526 = arith.index_cast %parallel_loop3A_189 : i32 to index
        %parallel_loop3A_527 = arith.constant 384 : index
        %parallel_loop3A_528 = tpu.vector_load %arg6[%parallel_loop3A_526, %parallel_loop3A_527] {strides = array<i32>} : memref<16x1024xf32, #tpu.memory_space<vmem>>, vector<1x16xf32>,
        %parallel_loop3A_529 = vector.shape_cast %parallel_loop3A_528 : vector<1x16xf32> to vector<16xf32>
        %parallel_loop3A_530 = arith.index_cast %parallel_loop3A_189 : i32 to index
        %parallel_loop3A_531 = arith.constant 384 : index
        %parallel_loop3A_532 = tpu.vector_load %arg8[%parallel_loop3A_530, %parallel_loop3A_531] {strides = array<i32>} : memref<16x1024xf32, #tpu.memory_space<vmem>>, vector<1x16xf32>,
        %parallel_loop3A_533 = vector.shape_cast %parallel_loop3A_532 : vector<1x16xf32> to vector<16xf32>
        %parallel_loop3A_534 = arith.addf %parallel_loop3A_529, %parallel_loop3A_533 : vector<16xf32>
        %parallel_loop3A_535 = arith.index_cast %parallel_loop3A_189 : i32 to index
        %parallel_loop3A_536 = arith.constant 384 : index
        %parallel_loop3A_537 = tpu.vector_load %arg10[%parallel_loop3A_535, %parallel_loop3A_536] {strides = array<i32>} : memref<16x1024xf32, #tpu.memory_space<vmem>>, vector<1x16xf32>,
        %parallel_loop3A_538 = vector.shape_cast %parallel_loop3A_537 : vector<1x16xf32> to vector<16xf32>
        %parallel_loop3A_539 = vector.shape_cast %parallel_loop3A_534 : vector<16xf32> to vector<1x16xf32>
        tpu.vector_store %arg10[%parallel_loop3A_535, %parallel_loop3A_536], %parallel_loop3A_539 {strides = array<i32>} : memref<16x1024xf32, #tpu.memory_space<vmem>>, vector<1x16xf32>,
        %parallel_loop3A_540 = arith.index_cast %parallel_loop3A_189 : i32 to index
        %parallel_loop3A_541 = arith.constant 400 : index
        %parallel_loop3A_542 = tpu.vector_load %arg6[%parallel_loop3A_540, %parallel_loop3A_541] {strides = array<i32>} : memref<16x1024xf32, #tpu.memory_space<vmem>>, vector<1x16xf32>,
        %parallel_loop3A_543 = vector.shape_cast %parallel_loop3A_542 : vector<1x16xf32> to vector<16xf32>
        %parallel_loop3A_544 = arith.index_cast %parallel_loop3A_189 : i32 to index
        %parallel_loop3A_545 = arith.constant 400 : index
        %parallel_loop3A_546 = tpu.vector_load %arg8[%parallel_loop3A_544, %parallel_loop3A_545] {strides = array<i32>} : memref<16x1024xf32, #tpu.memory_space<vmem>>, vector<1x16xf32>,
        %parallel_loop3A_547 = vector.shape_cast %parallel_loop3A_546 : vector<1x16xf32> to vector<16xf32>
        %parallel_loop3A_548 = arith.addf %parallel_loop3A_543, %parallel_loop3A_547 : vector<16xf32>
        %parallel_loop3A_549 = arith.index_cast %parallel_loop3A_189 : i32 to index
        %parallel_loop3A_550 = arith.constant 400 : index
        %parallel_loop3A_551 = tpu.vector_load %arg10[%parallel_loop3A_549, %parallel_loop3A_550] {strides = array<i32>} : memref<16x1024xf32, #tpu.memory_space<vmem>>, vector<1x16xf32>,
        %parallel_loop3A_552 = vector.shape_cast %parallel_loop3A_551 : vector<1x16xf32> to vector<16xf32>
        %parallel_loop3A_553 = vector.shape_cast %parallel_loop3A_548 : vector<16xf32> to vector<1x16xf32>
        tpu.vector_store %arg10[%parallel_loop3A_549, %parallel_loop3A_550], %parallel_loop3A_553 {strides = array<i32>} : memref<16x1024xf32, #tpu.memory_space<vmem>>, vector<1x16xf32>,
        %parallel_loop3A_554 = arith.index_cast %parallel_loop3A_189 : i32 to index
        %parallel_loop3A_555 = arith.constant 416 : index
        %parallel_loop3A_556 = tpu.vector_load %arg6[%parallel_loop3A_554, %parallel_loop3A_555] {strides = array<i32>} : memref<16x1024xf32, #tpu.memory_space<vmem>>, vector<1x16xf32>,
        %parallel_loop3A_557 = vector.shape_cast %parallel_loop3A_556 : vector<1x16xf32> to vector<16xf32>
        %parallel_loop3A_558 = arith.index_cast %parallel_loop3A_189 : i32 to index
        %parallel_loop3A_559 = arith.constant 416 : index
        %parallel_loop3A_560 = tpu.vector_load %arg8[%parallel_loop3A_558, %parallel_loop3A_559] {strides = array<i32>} : memref<16x1024xf32, #tpu.memory_space<vmem>>, vector<1x16xf32>,
        %parallel_loop3A_561 = vector.shape_cast %parallel_loop3A_560 : vector<1x16xf32> to vector<16xf32>
        %parallel_loop3A_562 = arith.addf %parallel_loop3A_557, %parallel_loop3A_561 : vector<16xf32>
        %parallel_loop3A_563 = arith.index_cast %parallel_loop3A_189 : i32 to index
        %parallel_loop3A_564 = arith.constant 416 : index
        %parallel_loop3A_565 = tpu.vector_load %arg10[%parallel_loop3A_563, %parallel_loop3A_564] {strides = array<i32>} : memref<16x1024xf32, #tpu.memory_space<vmem>>, vector<1x16xf32>,
        %parallel_loop3A_566 = vector.shape_cast %parallel_loop3A_565 : vector<1x16xf32> to vector<16xf32>
        %parallel_loop3A_567 = vector.shape_cast %parallel_loop3A_562 : vector<16xf32> to vector<1x16xf32>
        tpu.vector_store %arg10[%parallel_loop3A_563, %parallel_loop3A_564], %parallel_loop3A_567 {strides = array<i32>} : memref<16x1024xf32, #tpu.memory_space<vmem>>, vector<1x16xf32>,
        %parallel_loop3A_568 = arith.index_cast %parallel_loop3A_189 : i32 to index
        %parallel_loop3A_569 = arith.constant 432 : index
        %parallel_loop3A_570 = tpu.vector_load %arg6[%parallel_loop3A_568, %parallel_loop3A_569] {strides = array<i32>} : memref<16x1024xf32, #tpu.memory_space<vmem>>, vector<1x16xf32>,
        %parallel_loop3A_571 = vector.shape_cast %parallel_loop3A_570 : vector<1x16xf32> to vector<16xf32>
        %parallel_loop3A_572 = arith.index_cast %parallel_loop3A_189 : i32 to index
        %parallel_loop3A_573 = arith.constant 432 : index
        %parallel_loop3A_574 = tpu.vector_load %arg8[%parallel_loop3A_572, %parallel_loop3A_573] {strides = array<i32>} : memref<16x1024xf32, #tpu.memory_space<vmem>>, vector<1x16xf32>,
        %parallel_loop3A_575 = vector.shape_cast %parallel_loop3A_574 : vector<1x16xf32> to vector<16xf32>
        %parallel_loop3A_576 = arith.addf %parallel_loop3A_571, %parallel_loop3A_575 : vector<16xf32>
        %parallel_loop3A_577 = arith.index_cast %parallel_loop3A_189 : i32 to index
        %parallel_loop3A_578 = arith.constant 432 : index
        %parallel_loop3A_579 = tpu.vector_load %arg10[%parallel_loop3A_577, %parallel_loop3A_578] {strides = array<i32>} : memref<16x1024xf32, #tpu.memory_space<vmem>>, vector<1x16xf32>,
        %parallel_loop3A_580 = vector.shape_cast %parallel_loop3A_579 : vector<1x16xf32> to vector<16xf32>
        %parallel_loop3A_581 = vector.shape_cast %parallel_loop3A_576 : vector<16xf32> to vector<1x16xf32>
        tpu.vector_store %arg10[%parallel_loop3A_577, %parallel_loop3A_578], %parallel_loop3A_581 {strides = array<i32>} : memref<16x1024xf32, #tpu.memory_space<vmem>>, vector<1x16xf32>,
        %parallel_loop3A_582 = arith.index_cast %parallel_loop3A_189 : i32 to index
        %parallel_loop3A_583 = arith.constant 448 : index
        %parallel_loop3A_584 = tpu.vector_load %arg6[%parallel_loop3A_582, %parallel_loop3A_583] {strides = array<i32>} : memref<16x1024xf32, #tpu.memory_space<vmem>>, vector<1x16xf32>,
        %parallel_loop3A_585 = vector.shape_cast %parallel_loop3A_584 : vector<1x16xf32> to vector<16xf32>
        %parallel_loop3A_586 = arith.index_cast %parallel_loop3A_189 : i32 to index
        %parallel_loop3A_587 = arith.constant 448 : index
        %parallel_loop3A_588 = tpu.vector_load %arg8[%parallel_loop3A_586, %parallel_loop3A_587] {strides = array<i32>} : memref<16x1024xf32, #tpu.memory_space<vmem>>, vector<1x16xf32>,
        %parallel_loop3A_589 = vector.shape_cast %parallel_loop3A_588 : vector<1x16xf32> to vector<16xf32>
        %parallel_loop3A_590 = arith.addf %parallel_loop3A_585, %parallel_loop3A_589 : vector<16xf32>
        %parallel_loop3A_591 = arith.index_cast %parallel_loop3A_189 : i32 to index
        %parallel_loop3A_592 = arith.constant 448 : index
        %parallel_loop3A_593 = tpu.vector_load %arg10[%parallel_loop3A_591, %parallel_loop3A_592] {strides = array<i32>} : memref<16x1024xf32, #tpu.memory_space<vmem>>, vector<1x16xf32>,
        %parallel_loop3A_594 = vector.shape_cast %parallel_loop3A_593 : vector<1x16xf32> to vector<16xf32>
        %parallel_loop3A_595 = vector.shape_cast %parallel_loop3A_590 : vector<16xf32> to vector<1x16xf32>
        tpu.vector_store %arg10[%parallel_loop3A_591, %parallel_loop3A_592], %parallel_loop3A_595 {strides = array<i32>} : memref<16x1024xf32, #tpu.memory_space<vmem>>, vector<1x16xf32>,
        %parallel_loop3A_596 = arith.index_cast %parallel_loop3A_189 : i32 to index
        %parallel_loop3A_597 = arith.constant 464 : index
        %parallel_loop3A_598 = tpu.vector_load %arg6[%parallel_loop3A_596, %parallel_loop3A_597] {strides = array<i32>} : memref<16x1024xf32, #tpu.memory_space<vmem>>, vector<1x16xf32>,
        %parallel_loop3A_599 = vector.shape_cast %parallel_loop3A_598 : vector<1x16xf32> to vector<16xf32>
        %parallel_loop3A_600 = arith.index_cast %parallel_loop3A_189 : i32 to index
        %parallel_loop3A_601 = arith.constant 464 : index
        %parallel_loop3A_602 = tpu.vector_load %arg8[%parallel_loop3A_600, %parallel_loop3A_601] {strides = array<i32>} : memref<16x1024xf32, #tpu.memory_space<vmem>>, vector<1x16xf32>,
        %parallel_loop3A_603 = vector.shape_cast %parallel_loop3A_602 : vector<1x16xf32> to vector<16xf32>
        %parallel_loop3A_604 = arith.addf %parallel_loop3A_599, %parallel_loop3A_603 : vector<16xf32>
        %parallel_loop3A_605 = arith.index_cast %parallel_loop3A_189 : i32 to index
        %parallel_loop3A_606 = arith.constant 464 : index
        %parallel_loop3A_607 = tpu.vector_load %arg10[%parallel_loop3A_605, %parallel_loop3A_606] {strides = array<i32>} : memref<16x1024xf32, #tpu.memory_space<vmem>>, vector<1x16xf32>,
        %parallel_loop3A_608 = vector.shape_cast %parallel_loop3A_607 : vector<1x16xf32> to vector<16xf32>
        %parallel_loop3A_609 = vector.shape_cast %parallel_loop3A_604 : vector<16xf32> to vector<1x16xf32>
        tpu.vector_store %arg10[%parallel_loop3A_605, %parallel_loop3A_606], %parallel_loop3A_609 {strides = array<i32>} : memref<16x1024xf32, #tpu.memory_space<vmem>>, vector<1x16xf32>,
        %parallel_loop3A_610 = arith.index_cast %parallel_loop3A_189 : i32 to index
        %parallel_loop3A_611 = arith.constant 480 : index
        %parallel_loop3A_612 = tpu.vector_load %arg6[%parallel_loop3A_610, %parallel_loop3A_611] {strides = array<i32>} : memref<16x1024xf32, #tpu.memory_space<vmem>>, vector<1x16xf32>,
        %parallel_loop3A_613 = vector.shape_cast %parallel_loop3A_612 : vector<1x16xf32> to vector<16xf32>
        %parallel_loop3A_614 = arith.index_cast %parallel_loop3A_189 : i32 to index
        %parallel_loop3A_615 = arith.constant 480 : index
        %parallel_loop3A_616 = tpu.vector_load %arg8[%parallel_loop3A_614, %parallel_loop3A_615] {strides = array<i32>} : memref<16x1024xf32, #tpu.memory_space<vmem>>, vector<1x16xf32>,
        %parallel_loop3A_617 = vector.shape_cast %parallel_loop3A_616 : vector<1x16xf32> to vector<16xf32>
        %parallel_loop3A_618 = arith.addf %parallel_loop3A_613, %parallel_loop3A_617 : vector<16xf32>
        %parallel_loop3A_619 = arith.index_cast %parallel_loop3A_189 : i32 to index
        %parallel_loop3A_620 = arith.constant 480 : index
        %parallel_loop3A_621 = tpu.vector_load %arg10[%parallel_loop3A_619, %parallel_loop3A_620] {strides = array<i32>} : memref<16x1024xf32, #tpu.memory_space<vmem>>, vector<1x16xf32>,
        %parallel_loop3A_622 = vector.shape_cast %parallel_loop3A_621 : vector<1x16xf32> to vector<16xf32>
        %parallel_loop3A_623 = vector.shape_cast %parallel_loop3A_618 : vector<16xf32> to vector<1x16xf32>
        tpu.vector_store %arg10[%parallel_loop3A_619, %parallel_loop3A_620], %parallel_loop3A_623 {strides = array<i32>} : memref<16x1024xf32, #tpu.memory_space<vmem>>, vector<1x16xf32>,
        %parallel_loop3A_624 = arith.index_cast %parallel_loop3A_189 : i32 to index
        %parallel_loop3A_625 = arith.constant 496 : index
        %parallel_loop3A_626 = tpu.vector_load %arg6[%parallel_loop3A_624, %parallel_loop3A_625] {strides = array<i32>} : memref<16x1024xf32, #tpu.memory_space<vmem>>, vector<1x16xf32>,
        %parallel_loop3A_627 = vector.shape_cast %parallel_loop3A_626 : vector<1x16xf32> to vector<16xf32>
        %parallel_loop3A_628 = arith.index_cast %parallel_loop3A_189 : i32 to index
        %parallel_loop3A_629 = arith.constant 496 : index
        %parallel_loop3A_630 = tpu.vector_load %arg8[%parallel_loop3A_628, %parallel_loop3A_629] {strides = array<i32>} : memref<16x1024xf32, #tpu.memory_space<vmem>>, vector<1x16xf32>,
        %parallel_loop3A_631 = vector.shape_cast %parallel_loop3A_630 : vector<1x16xf32> to vector<16xf32>
        %parallel_loop3A_632 = arith.addf %parallel_loop3A_627, %parallel_loop3A_631 : vector<16xf32>
        %parallel_loop3A_633 = arith.index_cast %parallel_loop3A_189 : i32 to index
        %parallel_loop3A_634 = arith.constant 496 : index
        %parallel_loop3A_635 = tpu.vector_load %arg10[%parallel_loop3A_633, %parallel_loop3A_634] {strides = array<i32>} : memref<16x1024xf32, #tpu.memory_space<vmem>>, vector<1x16xf32>,
        %parallel_loop3A_636 = vector.shape_cast %parallel_loop3A_635 : vector<1x16xf32> to vector<16xf32>
        %parallel_loop3A_637 = vector.shape_cast %parallel_loop3A_632 : vector<16xf32> to vector<1x16xf32>
        tpu.vector_store %arg10[%parallel_loop3A_633, %parallel_loop3A_634], %parallel_loop3A_637 {strides = array<i32>} : memref<16x1024xf32, #tpu.memory_space<vmem>>, vector<1x16xf32>,
        %parallel_loop3A_638 = arith.index_cast %parallel_loop3A_189 : i32 to index
        %parallel_loop3A_639 = arith.constant 512 : index
        %parallel_loop3A_640 = tpu.vector_load %arg6[%parallel_loop3A_638, %parallel_loop3A_639] {strides = array<i32>} : memref<16x1024xf32, #tpu.memory_space<vmem>>, vector<1x16xf32>,
        %parallel_loop3A_641 = vector.shape_cast %parallel_loop3A_640 : vector<1x16xf32> to vector<16xf32>
        %parallel_loop3A_642 = arith.index_cast %parallel_loop3A_189 : i32 to index
        %parallel_loop3A_643 = arith.constant 512 : index
        %parallel_loop3A_644 = tpu.vector_load %arg8[%parallel_loop3A_642, %parallel_loop3A_643] {strides = array<i32>} : memref<16x1024xf32, #tpu.memory_space<vmem>>, vector<1x16xf32>,
        %parallel_loop3A_645 = vector.shape_cast %parallel_loop3A_644 : vector<1x16xf32> to vector<16xf32>
        %parallel_loop3A_646 = arith.addf %parallel_loop3A_641, %parallel_loop3A_645 : vector<16xf32>
        %parallel_loop3A_647 = arith.index_cast %parallel_loop3A_189 : i32 to index
        %parallel_loop3A_648 = arith.constant 512 : index
        %parallel_loop3A_649 = tpu.vector_load %arg10[%parallel_loop3A_647, %parallel_loop3A_648] {strides = array<i32>} : memref<16x1024xf32, #tpu.memory_space<vmem>>, vector<1x16xf32>,
        %parallel_loop3A_650 = vector.shape_cast %parallel_loop3A_649 : vector<1x16xf32> to vector<16xf32>
        %parallel_loop3A_651 = vector.shape_cast %parallel_loop3A_646 : vector<16xf32> to vector<1x16xf32>
        tpu.vector_store %arg10[%parallel_loop3A_647, %parallel_loop3A_648], %parallel_loop3A_651 {strides = array<i32>} : memref<16x1024xf32, #tpu.memory_space<vmem>>, vector<1x16xf32>,
        %parallel_loop3A_652 = arith.index_cast %parallel_loop3A_189 : i32 to index
        %parallel_loop3A_653 = arith.constant 528 : index
        %parallel_loop3A_654 = tpu.vector_load %arg6[%parallel_loop3A_652, %parallel_loop3A_653] {strides = array<i32>} : memref<16x1024xf32, #tpu.memory_space<vmem>>, vector<1x16xf32>,
        %parallel_loop3A_655 = vector.shape_cast %parallel_loop3A_654 : vector<1x16xf32> to vector<16xf32>
        %parallel_loop3A_656 = arith.index_cast %parallel_loop3A_189 : i32 to index
        %parallel_loop3A_657 = arith.constant 528 : index
        %parallel_loop3A_658 = tpu.vector_load %arg8[%parallel_loop3A_656, %parallel_loop3A_657] {strides = array<i32>} : memref<16x1024xf32, #tpu.memory_space<vmem>>, vector<1x16xf32>,
        %parallel_loop3A_659 = vector.shape_cast %parallel_loop3A_658 : vector<1x16xf32> to vector<16xf32>
        %parallel_loop3A_660 = arith.addf %parallel_loop3A_655, %parallel_loop3A_659 : vector<16xf32>
        %parallel_loop3A_661 = arith.index_cast %parallel_loop3A_189 : i32 to index
        %parallel_loop3A_662 = arith.constant 528 : index
        %parallel_loop3A_663 = tpu.vector_load %arg10[%parallel_loop3A_661, %parallel_loop3A_662] {strides = array<i32>} : memref<16x1024xf32, #tpu.memory_space<vmem>>, vector<1x16xf32>,
        %parallel_loop3A_664 = vector.shape_cast %parallel_loop3A_663 : vector<1x16xf32> to vector<16xf32>
        %parallel_loop3A_665 = vector.shape_cast %parallel_loop3A_660 : vector<16xf32> to vector<1x16xf32>
        tpu.vector_store %arg10[%parallel_loop3A_661, %parallel_loop3A_662], %parallel_loop3A_665 {strides = array<i32>} : memref<16x1024xf32, #tpu.memory_space<vmem>>, vector<1x16xf32>,
        %parallel_loop3A_666 = arith.index_cast %parallel_loop3A_189 : i32 to index
        %parallel_loop3A_667 = arith.constant 544 : index
        %parallel_loop3A_668 = tpu.vector_load %arg6[%parallel_loop3A_666, %parallel_loop3A_667] {strides = array<i32>} : memref<16x1024xf32, #tpu.memory_space<vmem>>, vector<1x16xf32>,
        %parallel_loop3A_669 = vector.shape_cast %parallel_loop3A_668 : vector<1x16xf32> to vector<16xf32>
        %parallel_loop3A_670 = arith.index_cast %parallel_loop3A_189 : i32 to index
        %parallel_loop3A_671 = arith.constant 544 : index
        %parallel_loop3A_672 = tpu.vector_load %arg8[%parallel_loop3A_670, %parallel_loop3A_671] {strides = array<i32>} : memref<16x1024xf32, #tpu.memory_space<vmem>>, vector<1x16xf32>,
        %parallel_loop3A_673 = vector.shape_cast %parallel_loop3A_672 : vector<1x16xf32> to vector<16xf32>
        %parallel_loop3A_674 = arith.addf %parallel_loop3A_669, %parallel_loop3A_673 : vector<16xf32>
        %parallel_loop3A_675 = arith.index_cast %parallel_loop3A_189 : i32 to index
        %parallel_loop3A_676 = arith.constant 544 : index
        %parallel_loop3A_677 = tpu.vector_load %arg10[%parallel_loop3A_675, %parallel_loop3A_676] {strides = array<i32>} : memref<16x1024xf32, #tpu.memory_space<vmem>>, vector<1x16xf32>,
        %parallel_loop3A_678 = vector.shape_cast %parallel_loop3A_677 : vector<1x16xf32> to vector<16xf32>
        %parallel_loop3A_679 = vector.shape_cast %parallel_loop3A_674 : vector<16xf32> to vector<1x16xf32>
        tpu.vector_store %arg10[%parallel_loop3A_675, %parallel_loop3A_676], %parallel_loop3A_679 {strides = array<i32>} : memref<16x1024xf32, #tpu.memory_space<vmem>>, vector<1x16xf32>,
        %parallel_loop3A_680 = arith.index_cast %parallel_loop3A_189 : i32 to index
        %parallel_loop3A_681 = arith.constant 560 : index
        %parallel_loop3A_682 = tpu.vector_load %arg6[%parallel_loop3A_680, %parallel_loop3A_681] {strides = array<i32>} : memref<16x1024xf32, #tpu.memory_space<vmem>>, vector<1x16xf32>,
        %parallel_loop3A_683 = vector.shape_cast %parallel_loop3A_682 : vector<1x16xf32> to vector<16xf32>
        %parallel_loop3A_684 = arith.index_cast %parallel_loop3A_189 : i32 to index
        %parallel_loop3A_685 = arith.constant 560 : index
        %parallel_loop3A_686 = tpu.vector_load %arg8[%parallel_loop3A_684, %parallel_loop3A_685] {strides = array<i32>} : memref<16x1024xf32, #tpu.memory_space<vmem>>, vector<1x16xf32>,
        %parallel_loop3A_687 = vector.shape_cast %parallel_loop3A_686 : vector<1x16xf32> to vector<16xf32>
        %parallel_loop3A_688 = arith.addf %parallel_loop3A_683, %parallel_loop3A_687 : vector<16xf32>
        %parallel_loop3A_689 = arith.index_cast %parallel_loop3A_189 : i32 to index
        %parallel_loop3A_690 = arith.constant 560 : index
        %parallel_loop3A_691 = tpu.vector_load %arg10[%parallel_loop3A_689, %parallel_loop3A_690] {strides = array<i32>} : memref<16x1024xf32, #tpu.memory_space<vmem>>, vector<1x16xf32>,
        %parallel_loop3A_692 = vector.shape_cast %parallel_loop3A_691 : vector<1x16xf32> to vector<16xf32>
        %parallel_loop3A_693 = vector.shape_cast %parallel_loop3A_688 : vector<16xf32> to vector<1x16xf32>
        tpu.vector_store %arg10[%parallel_loop3A_689, %parallel_loop3A_690], %parallel_loop3A_693 {strides = array<i32>} : memref<16x1024xf32, #tpu.memory_space<vmem>>, vector<1x16xf32>,
        %parallel_loop3A_694 = arith.index_cast %parallel_loop3A_189 : i32 to index
        %parallel_loop3A_695 = arith.constant 576 : index
        %parallel_loop3A_696 = tpu.vector_load %arg6[%parallel_loop3A_694, %parallel_loop3A_695] {strides = array<i32>} : memref<16x1024xf32, #tpu.memory_space<vmem>>, vector<1x16xf32>,
        %parallel_loop3A_697 = vector.shape_cast %parallel_loop3A_696 : vector<1x16xf32> to vector<16xf32>
        %parallel_loop3A_698 = arith.index_cast %parallel_loop3A_189 : i32 to index
        %parallel_loop3A_699 = arith.constant 576 : index
        %parallel_loop3A_700 = tpu.vector_load %arg8[%parallel_loop3A_698, %parallel_loop3A_699] {strides = array<i32>} : memref<16x1024xf32, #tpu.memory_space<vmem>>, vector<1x16xf32>,
        %parallel_loop3A_701 = vector.shape_cast %parallel_loop3A_700 : vector<1x16xf32> to vector<16xf32>
        %parallel_loop3A_702 = arith.addf %parallel_loop3A_697, %parallel_loop3A_701 : vector<16xf32>
        %parallel_loop3A_703 = arith.index_cast %parallel_loop3A_189 : i32 to index
        %parallel_loop3A_704 = arith.constant 576 : index
        %parallel_loop3A_705 = tpu.vector_load %arg10[%parallel_loop3A_703, %parallel_loop3A_704] {strides = array<i32>} : memref<16x1024xf32, #tpu.memory_space<vmem>>, vector<1x16xf32>,
        %parallel_loop3A_706 = vector.shape_cast %parallel_loop3A_705 : vector<1x16xf32> to vector<16xf32>
        %parallel_loop3A_707 = vector.shape_cast %parallel_loop3A_702 : vector<16xf32> to vector<1x16xf32>
        tpu.vector_store %arg10[%parallel_loop3A_703, %parallel_loop3A_704], %parallel_loop3A_707 {strides = array<i32>} : memref<16x1024xf32, #tpu.memory_space<vmem>>, vector<1x16xf32>,
        %parallel_loop3A_708 = arith.index_cast %parallel_loop3A_189 : i32 to index
        %parallel_loop3A_709 = arith.constant 592 : index
        %parallel_loop3A_710 = tpu.vector_load %arg6[%parallel_loop3A_708, %parallel_loop3A_709] {strides = array<i32>} : memref<16x1024xf32, #tpu.memory_space<vmem>>, vector<1x16xf32>,
        %parallel_loop3A_711 = vector.shape_cast %parallel_loop3A_710 : vector<1x16xf32> to vector<16xf32>
        %parallel_loop3A_712 = arith.index_cast %parallel_loop3A_189 : i32 to index
        %parallel_loop3A_713 = arith.constant 592 : index
        %parallel_loop3A_714 = tpu.vector_load %arg8[%parallel_loop3A_712, %parallel_loop3A_713] {strides = array<i32>} : memref<16x1024xf32, #tpu.memory_space<vmem>>, vector<1x16xf32>,
        %parallel_loop3A_715 = vector.shape_cast %parallel_loop3A_714 : vector<1x16xf32> to vector<16xf32>
        %parallel_loop3A_716 = arith.addf %parallel_loop3A_711, %parallel_loop3A_715 : vector<16xf32>
        %parallel_loop3A_717 = arith.index_cast %parallel_loop3A_189 : i32 to index
        %parallel_loop3A_718 = arith.constant 592 : index
        %parallel_loop3A_719 = tpu.vector_load %arg10[%parallel_loop3A_717, %parallel_loop3A_718] {strides = array<i32>} : memref<16x1024xf32, #tpu.memory_space<vmem>>, vector<1x16xf32>,
        %parallel_loop3A_720 = vector.shape_cast %parallel_loop3A_719 : vector<1x16xf32> to vector<16xf32>
        %parallel_loop3A_721 = vector.shape_cast %parallel_loop3A_716 : vector<16xf32> to vector<1x16xf32>
        tpu.vector_store %arg10[%parallel_loop3A_717, %parallel_loop3A_718], %parallel_loop3A_721 {strides = array<i32>} : memref<16x1024xf32, #tpu.memory_space<vmem>>, vector<1x16xf32>,
        %parallel_loop3A_722 = arith.index_cast %parallel_loop3A_189 : i32 to index
        %parallel_loop3A_723 = arith.constant 608 : index
        %parallel_loop3A_724 = tpu.vector_load %arg6[%parallel_loop3A_722, %parallel_loop3A_723] {strides = array<i32>} : memref<16x1024xf32, #tpu.memory_space<vmem>>, vector<1x16xf32>,
        %parallel_loop3A_725 = vector.shape_cast %parallel_loop3A_724 : vector<1x16xf32> to vector<16xf32>
        %parallel_loop3A_726 = arith.index_cast %parallel_loop3A_189 : i32 to index
        %parallel_loop3A_727 = arith.constant 608 : index
        %parallel_loop3A_728 = tpu.vector_load %arg8[%parallel_loop3A_726, %parallel_loop3A_727] {strides = array<i32>} : memref<16x1024xf32, #tpu.memory_space<vmem>>, vector<1x16xf32>,
        %parallel_loop3A_729 = vector.shape_cast %parallel_loop3A_728 : vector<1x16xf32> to vector<16xf32>
        %parallel_loop3A_730 = arith.addf %parallel_loop3A_725, %parallel_loop3A_729 : vector<16xf32>
        %parallel_loop3A_731 = arith.index_cast %parallel_loop3A_189 : i32 to index
        %parallel_loop3A_732 = arith.constant 608 : index
        %parallel_loop3A_733 = tpu.vector_load %arg10[%parallel_loop3A_731, %parallel_loop3A_732] {strides = array<i32>} : memref<16x1024xf32, #tpu.memory_space<vmem>>, vector<1x16xf32>,
        %parallel_loop3A_734 = vector.shape_cast %parallel_loop3A_733 : vector<1x16xf32> to vector<16xf32>
        %parallel_loop3A_735 = vector.shape_cast %parallel_loop3A_730 : vector<16xf32> to vector<1x16xf32>
        tpu.vector_store %arg10[%parallel_loop3A_731, %parallel_loop3A_732], %parallel_loop3A_735 {strides = array<i32>} : memref<16x1024xf32, #tpu.memory_space<vmem>>, vector<1x16xf32>,
        %parallel_loop3A_736 = arith.index_cast %parallel_loop3A_189 : i32 to index
        %parallel_loop3A_737 = arith.constant 624 : index
        %parallel_loop3A_738 = tpu.vector_load %arg6[%parallel_loop3A_736, %parallel_loop3A_737] {strides = array<i32>} : memref<16x1024xf32, #tpu.memory_space<vmem>>, vector<1x16xf32>,
        %parallel_loop3A_739 = vector.shape_cast %parallel_loop3A_738 : vector<1x16xf32> to vector<16xf32>
        %parallel_loop3A_740 = arith.index_cast %parallel_loop3A_189 : i32 to index
        %parallel_loop3A_741 = arith.constant 624 : index
        %parallel_loop3A_742 = tpu.vector_load %arg8[%parallel_loop3A_740, %parallel_loop3A_741] {strides = array<i32>} : memref<16x1024xf32, #tpu.memory_space<vmem>>, vector<1x16xf32>,
        %parallel_loop3A_743 = vector.shape_cast %parallel_loop3A_742 : vector<1x16xf32> to vector<16xf32>
        %parallel_loop3A_744 = arith.addf %parallel_loop3A_739, %parallel_loop3A_743 : vector<16xf32>
        %parallel_loop3A_745 = arith.index_cast %parallel_loop3A_189 : i32 to index
        %parallel_loop3A_746 = arith.constant 624 : index
        %parallel_loop3A_747 = tpu.vector_load %arg10[%parallel_loop3A_745, %parallel_loop3A_746] {strides = array<i32>} : memref<16x1024xf32, #tpu.memory_space<vmem>>, vector<1x16xf32>,
        %parallel_loop3A_748 = vector.shape_cast %parallel_loop3A_747 : vector<1x16xf32> to vector<16xf32>
        %parallel_loop3A_749 = vector.shape_cast %parallel_loop3A_744 : vector<16xf32> to vector<1x16xf32>
        tpu.vector_store %arg10[%parallel_loop3A_745, %parallel_loop3A_746], %parallel_loop3A_749 {strides = array<i32>} : memref<16x1024xf32, #tpu.memory_space<vmem>>, vector<1x16xf32>,
        %parallel_loop3A_750 = arith.index_cast %parallel_loop3A_189 : i32 to index
        %parallel_loop3A_751 = arith.constant 640 : index
        %parallel_loop3A_752 = tpu.vector_load %arg6[%parallel_loop3A_750, %parallel_loop3A_751] {strides = array<i32>} : memref<16x1024xf32, #tpu.memory_space<vmem>>, vector<1x16xf32>,
        %parallel_loop3A_753 = vector.shape_cast %parallel_loop3A_752 : vector<1x16xf32> to vector<16xf32>
        %parallel_loop3A_754 = arith.index_cast %parallel_loop3A_189 : i32 to index
        %parallel_loop3A_755 = arith.constant 640 : index
        %parallel_loop3A_756 = tpu.vector_load %arg8[%parallel_loop3A_754, %parallel_loop3A_755] {strides = array<i32>} : memref<16x1024xf32, #tpu.memory_space<vmem>>, vector<1x16xf32>,
        %parallel_loop3A_757 = vector.shape_cast %parallel_loop3A_756 : vector<1x16xf32> to vector<16xf32>
        %parallel_loop3A_758 = arith.addf %parallel_loop3A_753, %parallel_loop3A_757 : vector<16xf32>
        %parallel_loop3A_759 = arith.index_cast %parallel_loop3A_189 : i32 to index
        %parallel_loop3A_760 = arith.constant 640 : index
        %parallel_loop3A_761 = tpu.vector_load %arg10[%parallel_loop3A_759, %parallel_loop3A_760] {strides = array<i32>} : memref<16x1024xf32, #tpu.memory_space<vmem>>, vector<1x16xf32>,
        %parallel_loop3A_762 = vector.shape_cast %parallel_loop3A_761 : vector<1x16xf32> to vector<16xf32>
        %parallel_loop3A_763 = vector.shape_cast %parallel_loop3A_758 : vector<16xf32> to vector<1x16xf32>
        tpu.vector_store %arg10[%parallel_loop3A_759, %parallel_loop3A_760], %parallel_loop3A_763 {strides = array<i32>} : memref<16x1024xf32, #tpu.memory_space<vmem>>, vector<1x16xf32>,
        %parallel_loop3A_764 = arith.index_cast %parallel_loop3A_189 : i32 to index
        %parallel_loop3A_765 = arith.constant 656 : index
        %parallel_loop3A_766 = tpu.vector_load %arg6[%parallel_loop3A_764, %parallel_loop3A_765] {strides = array<i32>} : memref<16x1024xf32, #tpu.memory_space<vmem>>, vector<1x16xf32>,
        %parallel_loop3A_767 = vector.shape_cast %parallel_loop3A_766 : vector<1x16xf32> to vector<16xf32>
        %parallel_loop3A_768 = arith.index_cast %parallel_loop3A_189 : i32 to index
        %parallel_loop3A_769 = arith.constant 656 : index
        %parallel_loop3A_770 = tpu.vector_load %arg8[%parallel_loop3A_768, %parallel_loop3A_769] {strides = array<i32>} : memref<16x1024xf32, #tpu.memory_space<vmem>>, vector<1x16xf32>,
        %parallel_loop3A_771 = vector.shape_cast %parallel_loop3A_770 : vector<1x16xf32> to vector<16xf32>
        %parallel_loop3A_772 = arith.addf %parallel_loop3A_767, %parallel_loop3A_771 : vector<16xf32>
        %parallel_loop3A_773 = arith.index_cast %parallel_loop3A_189 : i32 to index
        %parallel_loop3A_774 = arith.constant 656 : index
        %parallel_loop3A_775 = tpu.vector_load %arg10[%parallel_loop3A_773, %parallel_loop3A_774] {strides = array<i32>} : memref<16x1024xf32, #tpu.memory_space<vmem>>, vector<1x16xf32>,
        %parallel_loop3A_776 = vector.shape_cast %parallel_loop3A_775 : vector<1x16xf32> to vector<16xf32>
        %parallel_loop3A_777 = vector.shape_cast %parallel_loop3A_772 : vector<16xf32> to vector<1x16xf32>
        tpu.vector_store %arg10[%parallel_loop3A_773, %parallel_loop3A_774], %parallel_loop3A_777 {strides = array<i32>} : memref<16x1024xf32, #tpu.memory_space<vmem>>, vector<1x16xf32>,
        %parallel_loop3A_778 = arith.index_cast %parallel_loop3A_189 : i32 to index
        %parallel_loop3A_779 = arith.constant 672 : index
        %parallel_loop3A_780 = tpu.vector_load %arg6[%parallel_loop3A_778, %parallel_loop3A_779] {strides = array<i32>} : memref<16x1024xf32, #tpu.memory_space<vmem>>, vector<1x16xf32>,
        %parallel_loop3A_781 = vector.shape_cast %parallel_loop3A_780 : vector<1x16xf32> to vector<16xf32>
        %parallel_loop3A_782 = arith.index_cast %parallel_loop3A_189 : i32 to index
        %parallel_loop3A_783 = arith.constant 672 : index
        %parallel_loop3A_784 = tpu.vector_load %arg8[%parallel_loop3A_782, %parallel_loop3A_783] {strides = array<i32>} : memref<16x1024xf32, #tpu.memory_space<vmem>>, vector<1x16xf32>,
        %parallel_loop3A_785 = vector.shape_cast %parallel_loop3A_784 : vector<1x16xf32> to vector<16xf32>
        %parallel_loop3A_786 = arith.addf %parallel_loop3A_781, %parallel_loop3A_785 : vector<16xf32>
        %parallel_loop3A_787 = arith.index_cast %parallel_loop3A_189 : i32 to index
        %parallel_loop3A_788 = arith.constant 672 : index
        %parallel_loop3A_789 = tpu.vector_load %arg10[%parallel_loop3A_787, %parallel_loop3A_788] {strides = array<i32>} : memref<16x1024xf32, #tpu.memory_space<vmem>>, vector<1x16xf32>,
        %parallel_loop3A_790 = vector.shape_cast %parallel_loop3A_789 : vector<1x16xf32> to vector<16xf32>
        %parallel_loop3A_791 = vector.shape_cast %parallel_loop3A_786 : vector<16xf32> to vector<1x16xf32>
        tpu.vector_store %arg10[%parallel_loop3A_787, %parallel_loop3A_788], %parallel_loop3A_791 {strides = array<i32>} : memref<16x1024xf32, #tpu.memory_space<vmem>>, vector<1x16xf32>,
        %parallel_loop3A_792 = arith.index_cast %parallel_loop3A_189 : i32 to index
        %parallel_loop3A_793 = arith.constant 688 : index
        %parallel_loop3A_794 = tpu.vector_load %arg6[%parallel_loop3A_792, %parallel_loop3A_793] {strides = array<i32>} : memref<16x1024xf32, #tpu.memory_space<vmem>>, vector<1x16xf32>,
        %parallel_loop3A_795 = vector.shape_cast %parallel_loop3A_794 : vector<1x16xf32> to vector<16xf32>
        %parallel_loop3A_796 = arith.index_cast %parallel_loop3A_189 : i32 to index
        %parallel_loop3A_797 = arith.constant 688 : index
        %parallel_loop3A_798 = tpu.vector_load %arg8[%parallel_loop3A_796, %parallel_loop3A_797] {strides = array<i32>} : memref<16x1024xf32, #tpu.memory_space<vmem>>, vector<1x16xf32>,
        %parallel_loop3A_799 = vector.shape_cast %parallel_loop3A_798 : vector<1x16xf32> to vector<16xf32>
        %parallel_loop3A_800 = arith.addf %parallel_loop3A_795, %parallel_loop3A_799 : vector<16xf32>
        %parallel_loop3A_801 = arith.index_cast %parallel_loop3A_189 : i32 to index
        %parallel_loop3A_802 = arith.constant 688 : index
        %parallel_loop3A_803 = tpu.vector_load %arg10[%parallel_loop3A_801, %parallel_loop3A_802] {strides = array<i32>} : memref<16x1024xf32, #tpu.memory_space<vmem>>, vector<1x16xf32>,
        %parallel_loop3A_804 = vector.shape_cast %parallel_loop3A_803 : vector<1x16xf32> to vector<16xf32>
        %parallel_loop3A_805 = vector.shape_cast %parallel_loop3A_800 : vector<16xf32> to vector<1x16xf32>
        tpu.vector_store %arg10[%parallel_loop3A_801, %parallel_loop3A_802], %parallel_loop3A_805 {strides = array<i32>} : memref<16x1024xf32, #tpu.memory_space<vmem>>, vector<1x16xf32>,
        %parallel_loop3A_806 = arith.index_cast %parallel_loop3A_189 : i32 to index
        %parallel_loop3A_807 = arith.constant 704 : index
        %parallel_loop3A_808 = tpu.vector_load %arg6[%parallel_loop3A_806, %parallel_loop3A_807] {strides = array<i32>} : memref<16x1024xf32, #tpu.memory_space<vmem>>, vector<1x16xf32>,
        %parallel_loop3A_809 = vector.shape_cast %parallel_loop3A_808 : vector<1x16xf32> to vector<16xf32>
        %parallel_loop3A_810 = arith.index_cast %parallel_loop3A_189 : i32 to index
        %parallel_loop3A_811 = arith.constant 704 : index
        %parallel_loop3A_812 = tpu.vector_load %arg8[%parallel_loop3A_810, %parallel_loop3A_811] {strides = array<i32>} : memref<16x1024xf32, #tpu.memory_space<vmem>>, vector<1x16xf32>,
        %parallel_loop3A_813 = vector.shape_cast %parallel_loop3A_812 : vector<1x16xf32> to vector<16xf32>
        %parallel_loop3A_814 = arith.addf %parallel_loop3A_809, %parallel_loop3A_813 : vector<16xf32>
        %parallel_loop3A_815 = arith.index_cast %parallel_loop3A_189 : i32 to index
        %parallel_loop3A_816 = arith.constant 704 : index
        %parallel_loop3A_817 = tpu.vector_load %arg10[%parallel_loop3A_815, %parallel_loop3A_816] {strides = array<i32>} : memref<16x1024xf32, #tpu.memory_space<vmem>>, vector<1x16xf32>,
        %parallel_loop3A_818 = vector.shape_cast %parallel_loop3A_817 : vector<1x16xf32> to vector<16xf32>
        %parallel_loop3A_819 = vector.shape_cast %parallel_loop3A_814 : vector<16xf32> to vector<1x16xf32>
        tpu.vector_store %arg10[%parallel_loop3A_815, %parallel_loop3A_816], %parallel_loop3A_819 {strides = array<i32>} : memref<16x1024xf32, #tpu.memory_space<vmem>>, vector<1x16xf32>,
        %parallel_loop3A_820 = arith.index_cast %parallel_loop3A_189 : i32 to index
        %parallel_loop3A_821 = arith.constant 720 : index
        %parallel_loop3A_822 = tpu.vector_load %arg6[%parallel_loop3A_820, %parallel_loop3A_821] {strides = array<i32>} : memref<16x1024xf32, #tpu.memory_space<vmem>>, vector<1x16xf32>,
        %parallel_loop3A_823 = vector.shape_cast %parallel_loop3A_822 : vector<1x16xf32> to vector<16xf32>
        %parallel_loop3A_824 = arith.index_cast %parallel_loop3A_189 : i32 to index
        %parallel_loop3A_825 = arith.constant 720 : index
        %parallel_loop3A_826 = tpu.vector_load %arg8[%parallel_loop3A_824, %parallel_loop3A_825] {strides = array<i32>} : memref<16x1024xf32, #tpu.memory_space<vmem>>, vector<1x16xf32>,
        %parallel_loop3A_827 = vector.shape_cast %parallel_loop3A_826 : vector<1x16xf32> to vector<16xf32>
        %parallel_loop3A_828 = arith.addf %parallel_loop3A_823, %parallel_loop3A_827 : vector<16xf32>
        %parallel_loop3A_829 = arith.index_cast %parallel_loop3A_189 : i32 to index
        %parallel_loop3A_830 = arith.constant 720 : index
        %parallel_loop3A_831 = tpu.vector_load %arg10[%parallel_loop3A_829, %parallel_loop3A_830] {strides = array<i32>} : memref<16x1024xf32, #tpu.memory_space<vmem>>, vector<1x16xf32>,
        %parallel_loop3A_832 = vector.shape_cast %parallel_loop3A_831 : vector<1x16xf32> to vector<16xf32>
        %parallel_loop3A_833 = vector.shape_cast %parallel_loop3A_828 : vector<16xf32> to vector<1x16xf32>
        tpu.vector_store %arg10[%parallel_loop3A_829, %parallel_loop3A_830], %parallel_loop3A_833 {strides = array<i32>} : memref<16x1024xf32, #tpu.memory_space<vmem>>, vector<1x16xf32>,
        %parallel_loop3A_834 = arith.index_cast %parallel_loop3A_189 : i32 to index
        %parallel_loop3A_835 = arith.constant 736 : index
        %parallel_loop3A_836 = tpu.vector_load %arg6[%parallel_loop3A_834, %parallel_loop3A_835] {strides = array<i32>} : memref<16x1024xf32, #tpu.memory_space<vmem>>, vector<1x16xf32>,
        %parallel_loop3A_837 = vector.shape_cast %parallel_loop3A_836 : vector<1x16xf32> to vector<16xf32>
        %parallel_loop3A_838 = arith.index_cast %parallel_loop3A_189 : i32 to index
        %parallel_loop3A_839 = arith.constant 736 : index
        %parallel_loop3A_840 = tpu.vector_load %arg8[%parallel_loop3A_838, %parallel_loop3A_839] {strides = array<i32>} : memref<16x1024xf32, #tpu.memory_space<vmem>>, vector<1x16xf32>,
        %parallel_loop3A_841 = vector.shape_cast %parallel_loop3A_840 : vector<1x16xf32> to vector<16xf32>
        %parallel_loop3A_842 = arith.addf %parallel_loop3A_837, %parallel_loop3A_841 : vector<16xf32>
        %parallel_loop3A_843 = arith.index_cast %parallel_loop3A_189 : i32 to index
        %parallel_loop3A_844 = arith.constant 736 : index
        %parallel_loop3A_845 = tpu.vector_load %arg10[%parallel_loop3A_843, %parallel_loop3A_844] {strides = array<i32>} : memref<16x1024xf32, #tpu.memory_space<vmem>>, vector<1x16xf32>,
        %parallel_loop3A_846 = vector.shape_cast %parallel_loop3A_845 : vector<1x16xf32> to vector<16xf32>
        %parallel_loop3A_847 = vector.shape_cast %parallel_loop3A_842 : vector<16xf32> to vector<1x16xf32>
        tpu.vector_store %arg10[%parallel_loop3A_843, %parallel_loop3A_844], %parallel_loop3A_847 {strides = array<i32>} : memref<16x1024xf32, #tpu.memory_space<vmem>>, vector<1x16xf32>,
        %parallel_loop3A_848 = arith.index_cast %parallel_loop3A_189 : i32 to index
        %parallel_loop3A_849 = arith.constant 752 : index
        %parallel_loop3A_850 = tpu.vector_load %arg6[%parallel_loop3A_848, %parallel_loop3A_849] {strides = array<i32>} : memref<16x1024xf32, #tpu.memory_space<vmem>>, vector<1x16xf32>,
        %parallel_loop3A_851 = vector.shape_cast %parallel_loop3A_850 : vector<1x16xf32> to vector<16xf32>
        %parallel_loop3A_852 = arith.index_cast %parallel_loop3A_189 : i32 to index
        %parallel_loop3A_853 = arith.constant 752 : index
        %parallel_loop3A_854 = tpu.vector_load %arg8[%parallel_loop3A_852, %parallel_loop3A_853] {strides = array<i32>} : memref<16x1024xf32, #tpu.memory_space<vmem>>, vector<1x16xf32>,
        %parallel_loop3A_855 = vector.shape_cast %parallel_loop3A_854 : vector<1x16xf32> to vector<16xf32>
        %parallel_loop3A_856 = arith.addf %parallel_loop3A_851, %parallel_loop3A_855 : vector<16xf32>
        %parallel_loop3A_857 = arith.index_cast %parallel_loop3A_189 : i32 to index
        %parallel_loop3A_858 = arith.constant 752 : index
        %parallel_loop3A_859 = tpu.vector_load %arg10[%parallel_loop3A_857, %parallel_loop3A_858] {strides = array<i32>} : memref<16x1024xf32, #tpu.memory_space<vmem>>, vector<1x16xf32>,
        %parallel_loop3A_860 = vector.shape_cast %parallel_loop3A_859 : vector<1x16xf32> to vector<16xf32>
        %parallel_loop3A_861 = vector.shape_cast %parallel_loop3A_856 : vector<16xf32> to vector<1x16xf32>
        tpu.vector_store %arg10[%parallel_loop3A_857, %parallel_loop3A_858], %parallel_loop3A_861 {strides = array<i32>} : memref<16x1024xf32, #tpu.memory_space<vmem>>, vector<1x16xf32>,
        %parallel_loop3A_862 = arith.index_cast %parallel_loop3A_189 : i32 to index
        %parallel_loop3A_863 = arith.constant 768 : index
        %parallel_loop3A_864 = tpu.vector_load %arg6[%parallel_loop3A_862, %parallel_loop3A_863] {strides = array<i32>} : memref<16x1024xf32, #tpu.memory_space<vmem>>, vector<1x16xf32>,
        %parallel_loop3A_865 = vector.shape_cast %parallel_loop3A_864 : vector<1x16xf32> to vector<16xf32>
        %parallel_loop3A_866 = arith.index_cast %parallel_loop3A_189 : i32 to index
        %parallel_loop3A_867 = arith.constant 768 : index
        %parallel_loop3A_868 = tpu.vector_load %arg8[%parallel_loop3A_866, %parallel_loop3A_867] {strides = array<i32>} : memref<16x1024xf32, #tpu.memory_space<vmem>>, vector<1x16xf32>,
        %parallel_loop3A_869 = vector.shape_cast %parallel_loop3A_868 : vector<1x16xf32> to vector<16xf32>
        %parallel_loop3A_870 = arith.addf %parallel_loop3A_865, %parallel_loop3A_869 : vector<16xf32>
        %parallel_loop3A_871 = arith.index_cast %parallel_loop3A_189 : i32 to index
        %parallel_loop3A_872 = arith.constant 768 : index
        %parallel_loop3A_873 = tpu.vector_load %arg10[%parallel_loop3A_871, %parallel_loop3A_872] {strides = array<i32>} : memref<16x1024xf32, #tpu.memory_space<vmem>>, vector<1x16xf32>,
        %parallel_loop3A_874 = vector.shape_cast %parallel_loop3A_873 : vector<1x16xf32> to vector<16xf32>
        %parallel_loop3A_875 = vector.shape_cast %parallel_loop3A_870 : vector<16xf32> to vector<1x16xf32>
        tpu.vector_store %arg10[%parallel_loop3A_871, %parallel_loop3A_872], %parallel_loop3A_875 {strides = array<i32>} : memref<16x1024xf32, #tpu.memory_space<vmem>>, vector<1x16xf32>,
        %parallel_loop3A_876 = arith.index_cast %parallel_loop3A_189 : i32 to index
        %parallel_loop3A_877 = arith.constant 784 : index
        %parallel_loop3A_878 = tpu.vector_load %arg6[%parallel_loop3A_876, %parallel_loop3A_877] {strides = array<i32>} : memref<16x1024xf32, #tpu.memory_space<vmem>>, vector<1x16xf32>,
        %parallel_loop3A_879 = vector.shape_cast %parallel_loop3A_878 : vector<1x16xf32> to vector<16xf32>
        %parallel_loop3A_880 = arith.index_cast %parallel_loop3A_189 : i32 to index
        %parallel_loop3A_881 = arith.constant 784 : index
        %parallel_loop3A_882 = tpu.vector_load %arg8[%parallel_loop3A_880, %parallel_loop3A_881] {strides = array<i32>} : memref<16x1024xf32, #tpu.memory_space<vmem>>, vector<1x16xf32>,
        %parallel_loop3A_883 = vector.shape_cast %parallel_loop3A_882 : vector<1x16xf32> to vector<16xf32>
        %parallel_loop3A_884 = arith.addf %parallel_loop3A_879, %parallel_loop3A_883 : vector<16xf32>
        %parallel_loop3A_885 = arith.index_cast %parallel_loop3A_189 : i32 to index
        %parallel_loop3A_886 = arith.constant 784 : index
        %parallel_loop3A_887 = tpu.vector_load %arg10[%parallel_loop3A_885, %parallel_loop3A_886] {strides = array<i32>} : memref<16x1024xf32, #tpu.memory_space<vmem>>, vector<1x16xf32>,
        %parallel_loop3A_888 = vector.shape_cast %parallel_loop3A_887 : vector<1x16xf32> to vector<16xf32>
        %parallel_loop3A_889 = vector.shape_cast %parallel_loop3A_884 : vector<16xf32> to vector<1x16xf32>
        tpu.vector_store %arg10[%parallel_loop3A_885, %parallel_loop3A_886], %parallel_loop3A_889 {strides = array<i32>} : memref<16x1024xf32, #tpu.memory_space<vmem>>, vector<1x16xf32>,
        %parallel_loop3A_890 = arith.index_cast %parallel_loop3A_189 : i32 to index
        %parallel_loop3A_891 = arith.constant 800 : index
        %parallel_loop3A_892 = tpu.vector_load %arg6[%parallel_loop3A_890, %parallel_loop3A_891] {strides = array<i32>} : memref<16x1024xf32, #tpu.memory_space<vmem>>, vector<1x16xf32>,
        %parallel_loop3A_893 = vector.shape_cast %parallel_loop3A_892 : vector<1x16xf32> to vector<16xf32>
        %parallel_loop3A_894 = arith.index_cast %parallel_loop3A_189 : i32 to index
        %parallel_loop3A_895 = arith.constant 800 : index
        %parallel_loop3A_896 = tpu.vector_load %arg8[%parallel_loop3A_894, %parallel_loop3A_895] {strides = array<i32>} : memref<16x1024xf32, #tpu.memory_space<vmem>>, vector<1x16xf32>,
        %parallel_loop3A_897 = vector.shape_cast %parallel_loop3A_896 : vector<1x16xf32> to vector<16xf32>
        %parallel_loop3A_898 = arith.addf %parallel_loop3A_893, %parallel_loop3A_897 : vector<16xf32>
        %parallel_loop3A_899 = arith.index_cast %parallel_loop3A_189 : i32 to index
        %parallel_loop3A_900 = arith.constant 800 : index
        %parallel_loop3A_901 = tpu.vector_load %arg10[%parallel_loop3A_899, %parallel_loop3A_900] {strides = array<i32>} : memref<16x1024xf32, #tpu.memory_space<vmem>>, vector<1x16xf32>,
        %parallel_loop3A_902 = vector.shape_cast %parallel_loop3A_901 : vector<1x16xf32> to vector<16xf32>
        %parallel_loop3A_903 = vector.shape_cast %parallel_loop3A_898 : vector<16xf32> to vector<1x16xf32>
        tpu.vector_store %arg10[%parallel_loop3A_899, %parallel_loop3A_900], %parallel_loop3A_903 {strides = array<i32>} : memref<16x1024xf32, #tpu.memory_space<vmem>>, vector<1x16xf32>,
        %parallel_loop3A_904 = arith.index_cast %parallel_loop3A_189 : i32 to index
        %parallel_loop3A_905 = arith.constant 816 : index
        %parallel_loop3A_906 = tpu.vector_load %arg6[%parallel_loop3A_904, %parallel_loop3A_905] {strides = array<i32>} : memref<16x1024xf32, #tpu.memory_space<vmem>>, vector<1x16xf32>,
        %parallel_loop3A_907 = vector.shape_cast %parallel_loop3A_906 : vector<1x16xf32> to vector<16xf32>
        %parallel_loop3A_908 = arith.index_cast %parallel_loop3A_189 : i32 to index
        %parallel_loop3A_909 = arith.constant 816 : index
        %parallel_loop3A_910 = tpu.vector_load %arg8[%parallel_loop3A_908, %parallel_loop3A_909] {strides = array<i32>} : memref<16x1024xf32, #tpu.memory_space<vmem>>, vector<1x16xf32>,
        %parallel_loop3A_911 = vector.shape_cast %parallel_loop3A_910 : vector<1x16xf32> to vector<16xf32>
        %parallel_loop3A_912 = arith.addf %parallel_loop3A_907, %parallel_loop3A_911 : vector<16xf32>
        %parallel_loop3A_913 = arith.index_cast %parallel_loop3A_189 : i32 to index
        %parallel_loop3A_914 = arith.constant 816 : index
        %parallel_loop3A_915 = tpu.vector_load %arg10[%parallel_loop3A_913, %parallel_loop3A_914] {strides = array<i32>} : memref<16x1024xf32, #tpu.memory_space<vmem>>, vector<1x16xf32>,
        %parallel_loop3A_916 = vector.shape_cast %parallel_loop3A_915 : vector<1x16xf32> to vector<16xf32>
        %parallel_loop3A_917 = vector.shape_cast %parallel_loop3A_912 : vector<16xf32> to vector<1x16xf32>
        tpu.vector_store %arg10[%parallel_loop3A_913, %parallel_loop3A_914], %parallel_loop3A_917 {strides = array<i32>} : memref<16x1024xf32, #tpu.memory_space<vmem>>, vector<1x16xf32>,
        %parallel_loop3A_918 = arith.index_cast %parallel_loop3A_189 : i32 to index
        %parallel_loop3A_919 = arith.constant 832 : index
        %parallel_loop3A_920 = tpu.vector_load %arg6[%parallel_loop3A_918, %parallel_loop3A_919] {strides = array<i32>} : memref<16x1024xf32, #tpu.memory_space<vmem>>, vector<1x16xf32>,
        %parallel_loop3A_921 = vector.shape_cast %parallel_loop3A_920 : vector<1x16xf32> to vector<16xf32>
        %parallel_loop3A_922 = arith.index_cast %parallel_loop3A_189 : i32 to index
        %parallel_loop3A_923 = arith.constant 832 : index
        %parallel_loop3A_924 = tpu.vector_load %arg8[%parallel_loop3A_922, %parallel_loop3A_923] {strides = array<i32>} : memref<16x1024xf32, #tpu.memory_space<vmem>>, vector<1x16xf32>,
        %parallel_loop3A_925 = vector.shape_cast %parallel_loop3A_924 : vector<1x16xf32> to vector<16xf32>
        %parallel_loop3A_926 = arith.addf %parallel_loop3A_921, %parallel_loop3A_925 : vector<16xf32>
        %parallel_loop3A_927 = arith.index_cast %parallel_loop3A_189 : i32 to index
        %parallel_loop3A_928 = arith.constant 832 : index
        %parallel_loop3A_929 = tpu.vector_load %arg10[%parallel_loop3A_927, %parallel_loop3A_928] {strides = array<i32>} : memref<16x1024xf32, #tpu.memory_space<vmem>>, vector<1x16xf32>,
        %parallel_loop3A_930 = vector.shape_cast %parallel_loop3A_929 : vector<1x16xf32> to vector<16xf32>
        %parallel_loop3A_931 = vector.shape_cast %parallel_loop3A_926 : vector<16xf32> to vector<1x16xf32>
        tpu.vector_store %arg10[%parallel_loop3A_927, %parallel_loop3A_928], %parallel_loop3A_931 {strides = array<i32>} : memref<16x1024xf32, #tpu.memory_space<vmem>>, vector<1x16xf32>,
        %parallel_loop3A_932 = arith.index_cast %parallel_loop3A_189 : i32 to index
        %parallel_loop3A_933 = arith.constant 848 : index
        %parallel_loop3A_934 = tpu.vector_load %arg6[%parallel_loop3A_932, %parallel_loop3A_933] {strides = array<i32>} : memref<16x1024xf32, #tpu.memory_space<vmem>>, vector<1x16xf32>,
        %parallel_loop3A_935 = vector.shape_cast %parallel_loop3A_934 : vector<1x16xf32> to vector<16xf32>
        %parallel_loop3A_936 = arith.index_cast %parallel_loop3A_189 : i32 to index
        %parallel_loop3A_937 = arith.constant 848 : index
        %parallel_loop3A_938 = tpu.vector_load %arg8[%parallel_loop3A_936, %parallel_loop3A_937] {strides = array<i32>} : memref<16x1024xf32, #tpu.memory_space<vmem>>, vector<1x16xf32>,
        %parallel_loop3A_939 = vector.shape_cast %parallel_loop3A_938 : vector<1x16xf32> to vector<16xf32>
        %parallel_loop3A_940 = arith.addf %parallel_loop3A_935, %parallel_loop3A_939 : vector<16xf32>
        %parallel_loop3A_941 = arith.index_cast %parallel_loop3A_189 : i32 to index
        %parallel_loop3A_942 = arith.constant 848 : index
        %parallel_loop3A_943 = tpu.vector_load %arg10[%parallel_loop3A_941, %parallel_loop3A_942] {strides = array<i32>} : memref<16x1024xf32, #tpu.memory_space<vmem>>, vector<1x16xf32>,
        %parallel_loop3A_944 = vector.shape_cast %parallel_loop3A_943 : vector<1x16xf32> to vector<16xf32>
        %parallel_loop3A_945 = vector.shape_cast %parallel_loop3A_940 : vector<16xf32> to vector<1x16xf32>
        tpu.vector_store %arg10[%parallel_loop3A_941, %parallel_loop3A_942], %parallel_loop3A_945 {strides = array<i32>} : memref<16x1024xf32, #tpu.memory_space<vmem>>, vector<1x16xf32>,
        %parallel_loop3A_946 = arith.index_cast %parallel_loop3A_189 : i32 to index
        %parallel_loop3A_947 = arith.constant 864 : index
        %parallel_loop3A_948 = tpu.vector_load %arg6[%parallel_loop3A_946, %parallel_loop3A_947] {strides = array<i32>} : memref<16x1024xf32, #tpu.memory_space<vmem>>, vector<1x16xf32>,
        %parallel_loop3A_949 = vector.shape_cast %parallel_loop3A_948 : vector<1x16xf32> to vector<16xf32>
        %parallel_loop3A_950 = arith.index_cast %parallel_loop3A_189 : i32 to index
        %parallel_loop3A_951 = arith.constant 864 : index
        %parallel_loop3A_952 = tpu.vector_load %arg8[%parallel_loop3A_950, %parallel_loop3A_951] {strides = array<i32>} : memref<16x1024xf32, #tpu.memory_space<vmem>>, vector<1x16xf32>,
        %parallel_loop3A_953 = vector.shape_cast %parallel_loop3A_952 : vector<1x16xf32> to vector<16xf32>
        %parallel_loop3A_954 = arith.addf %parallel_loop3A_949, %parallel_loop3A_953 : vector<16xf32>
        %parallel_loop3A_955 = arith.index_cast %parallel_loop3A_189 : i32 to index
        %parallel_loop3A_956 = arith.constant 864 : index
        %parallel_loop3A_957 = tpu.vector_load %arg10[%parallel_loop3A_955, %parallel_loop3A_956] {strides = array<i32>} : memref<16x1024xf32, #tpu.memory_space<vmem>>, vector<1x16xf32>,
        %parallel_loop3A_958 = vector.shape_cast %parallel_loop3A_957 : vector<1x16xf32> to vector<16xf32>
        %parallel_loop3A_959 = vector.shape_cast %parallel_loop3A_954 : vector<16xf32> to vector<1x16xf32>
        tpu.vector_store %arg10[%parallel_loop3A_955, %parallel_loop3A_956], %parallel_loop3A_959 {strides = array<i32>} : memref<16x1024xf32, #tpu.memory_space<vmem>>, vector<1x16xf32>,
        %parallel_loop3A_960 = arith.index_cast %parallel_loop3A_189 : i32 to index
        %parallel_loop3A_961 = arith.constant 880 : index
        %parallel_loop3A_962 = tpu.vector_load %arg6[%parallel_loop3A_960, %parallel_loop3A_961] {strides = array<i32>} : memref<16x1024xf32, #tpu.memory_space<vmem>>, vector<1x16xf32>,
        %parallel_loop3A_963 = vector.shape_cast %parallel_loop3A_962 : vector<1x16xf32> to vector<16xf32>
        %parallel_loop3A_964 = arith.index_cast %parallel_loop3A_189 : i32 to index
        %parallel_loop3A_965 = arith.constant 880 : index
        %parallel_loop3A_966 = tpu.vector_load %arg8[%parallel_loop3A_964, %parallel_loop3A_965] {strides = array<i32>} : memref<16x1024xf32, #tpu.memory_space<vmem>>, vector<1x16xf32>,
        %parallel_loop3A_967 = vector.shape_cast %parallel_loop3A_966 : vector<1x16xf32> to vector<16xf32>
        %parallel_loop3A_968 = arith.addf %parallel_loop3A_963, %parallel_loop3A_967 : vector<16xf32>
        %parallel_loop3A_969 = arith.index_cast %parallel_loop3A_189 : i32 to index
        %parallel_loop3A_970 = arith.constant 880 : index
        %parallel_loop3A_971 = tpu.vector_load %arg10[%parallel_loop3A_969, %parallel_loop3A_970] {strides = array<i32>} : memref<16x1024xf32, #tpu.memory_space<vmem>>, vector<1x16xf32>,
        %parallel_loop3A_972 = vector.shape_cast %parallel_loop3A_971 : vector<1x16xf32> to vector<16xf32>
        %parallel_loop3A_973 = vector.shape_cast %parallel_loop3A_968 : vector<16xf32> to vector<1x16xf32>
        tpu.vector_store %arg10[%parallel_loop3A_969, %parallel_loop3A_970], %parallel_loop3A_973 {strides = array<i32>} : memref<16x1024xf32, #tpu.memory_space<vmem>>, vector<1x16xf32>,
        %parallel_loop3A_974 = arith.index_cast %parallel_loop3A_189 : i32 to index
        %parallel_loop3A_975 = arith.constant 896 : index
        %parallel_loop3A_976 = tpu.vector_load %arg6[%parallel_loop3A_974, %parallel_loop3A_975] {strides = array<i32>} : memref<16x1024xf32, #tpu.memory_space<vmem>>, vector<1x16xf32>,
        %parallel_loop3A_977 = vector.shape_cast %parallel_loop3A_976 : vector<1x16xf32> to vector<16xf32>
        %parallel_loop3A_978 = arith.index_cast %parallel_loop3A_189 : i32 to index
        %parallel_loop3A_979 = arith.constant 896 : index
        %parallel_loop3A_980 = tpu.vector_load %arg8[%parallel_loop3A_978, %parallel_loop3A_979] {strides = array<i32>} : memref<16x1024xf32, #tpu.memory_space<vmem>>, vector<1x16xf32>,
        %parallel_loop3A_981 = vector.shape_cast %parallel_loop3A_980 : vector<1x16xf32> to vector<16xf32>
        %parallel_loop3A_982 = arith.addf %parallel_loop3A_977, %parallel_loop3A_981 : vector<16xf32>
        %parallel_loop3A_983 = arith.index_cast %parallel_loop3A_189 : i32 to index
        %parallel_loop3A_984 = arith.constant 896 : index
        %parallel_loop3A_985 = tpu.vector_load %arg10[%parallel_loop3A_983, %parallel_loop3A_984] {strides = array<i32>} : memref<16x1024xf32, #tpu.memory_space<vmem>>, vector<1x16xf32>,
        %parallel_loop3A_986 = vector.shape_cast %parallel_loop3A_985 : vector<1x16xf32> to vector<16xf32>
        %parallel_loop3A_987 = vector.shape_cast %parallel_loop3A_982 : vector<16xf32> to vector<1x16xf32>
        tpu.vector_store %arg10[%parallel_loop3A_983, %parallel_loop3A_984], %parallel_loop3A_987 {strides = array<i32>} : memref<16x1024xf32, #tpu.memory_space<vmem>>, vector<1x16xf32>,
        %parallel_loop3A_988 = arith.index_cast %parallel_loop3A_189 : i32 to index
        %parallel_loop3A_989 = arith.constant 912 : index
        %parallel_loop3A_990 = tpu.vector_load %arg6[%parallel_loop3A_988, %parallel_loop3A_989] {strides = array<i32>} : memref<16x1024xf32, #tpu.memory_space<vmem>>, vector<1x16xf32>,
        %parallel_loop3A_991 = vector.shape_cast %parallel_loop3A_990 : vector<1x16xf32> to vector<16xf32>
        %parallel_loop3A_992 = arith.index_cast %parallel_loop3A_189 : i32 to index
        %parallel_loop3A_993 = arith.constant 912 : index
        %parallel_loop3A_994 = tpu.vector_load %arg8[%parallel_loop3A_992, %parallel_loop3A_993] {strides = array<i32>} : memref<16x1024xf32, #tpu.memory_space<vmem>>, vector<1x16xf32>,
        %parallel_loop3A_995 = vector.shape_cast %parallel_loop3A_994 : vector<1x16xf32> to vector<16xf32>
        %parallel_loop3A_996 = arith.addf %parallel_loop3A_991, %parallel_loop3A_995 : vector<16xf32>
        %parallel_loop3A_997 = arith.index_cast %parallel_loop3A_189 : i32 to index
        %parallel_loop3A_998 = arith.constant 912 : index
        %parallel_loop3A_999 = tpu.vector_load %arg10[%parallel_loop3A_997, %parallel_loop3A_998] {strides = array<i32>} : memref<16x1024xf32, #tpu.memory_space<vmem>>, vector<1x16xf32>,
        %parallel_loop3A_1000 = vector.shape_cast %parallel_loop3A_999 : vector<1x16xf32> to vector<16xf32>
        %parallel_loop3A_1001 = vector.shape_cast %parallel_loop3A_996 : vector<16xf32> to vector<1x16xf32>
        tpu.vector_store %arg10[%parallel_loop3A_997, %parallel_loop3A_998], %parallel_loop3A_1001 {strides = array<i32>} : memref<16x1024xf32, #tpu.memory_space<vmem>>, vector<1x16xf32>,
        %parallel_loop3A_1002 = arith.index_cast %parallel_loop3A_189 : i32 to index
        %parallel_loop3A_1003 = arith.constant 928 : index
        %parallel_loop3A_1004 = tpu.vector_load %arg6[%parallel_loop3A_1002, %parallel_loop3A_1003] {strides = array<i32>} : memref<16x1024xf32, #tpu.memory_space<vmem>>, vector<1x16xf32>,
        %parallel_loop3A_1005 = vector.shape_cast %parallel_loop3A_1004 : vector<1x16xf32> to vector<16xf32>
        %parallel_loop3A_1006 = arith.index_cast %parallel_loop3A_189 : i32 to index
        %parallel_loop3A_1007 = arith.constant 928 : index
        %parallel_loop3A_1008 = tpu.vector_load %arg8[%parallel_loop3A_1006, %parallel_loop3A_1007] {strides = array<i32>} : memref<16x1024xf32, #tpu.memory_space<vmem>>, vector<1x16xf32>,
        %parallel_loop3A_1009 = vector.shape_cast %parallel_loop3A_1008 : vector<1x16xf32> to vector<16xf32>
        %parallel_loop3A_1010 = arith.addf %parallel_loop3A_1005, %parallel_loop3A_1009 : vector<16xf32>
        %parallel_loop3A_1011 = arith.index_cast %parallel_loop3A_189 : i32 to index
        %parallel_loop3A_1012 = arith.constant 928 : index
        %parallel_loop3A_1013 = tpu.vector_load %arg10[%parallel_loop3A_1011, %parallel_loop3A_1012] {strides = array<i32>} : memref<16x1024xf32, #tpu.memory_space<vmem>>, vector<1x16xf32>,
        %parallel_loop3A_1014 = vector.shape_cast %parallel_loop3A_1013 : vector<1x16xf32> to vector<16xf32>
        %parallel_loop3A_1015 = vector.shape_cast %parallel_loop3A_1010 : vector<16xf32> to vector<1x16xf32>
        tpu.vector_store %arg10[%parallel_loop3A_1011, %parallel_loop3A_1012], %parallel_loop3A_1015 {strides = array<i32>} : memref<16x1024xf32, #tpu.memory_space<vmem>>, vector<1x16xf32>,
        %parallel_loop3A_1016 = arith.index_cast %parallel_loop3A_189 : i32 to index
        %parallel_loop3A_1017 = arith.constant 944 : index
        %parallel_loop3A_1018 = tpu.vector_load %arg6[%parallel_loop3A_1016, %parallel_loop3A_1017] {strides = array<i32>} : memref<16x1024xf32, #tpu.memory_space<vmem>>, vector<1x16xf32>,
        %parallel_loop3A_1019 = vector.shape_cast %parallel_loop3A_1018 : vector<1x16xf32> to vector<16xf32>
        %parallel_loop3A_1020 = arith.index_cast %parallel_loop3A_189 : i32 to index
        %parallel_loop3A_1021 = arith.constant 944 : index
        %parallel_loop3A_1022 = tpu.vector_load %arg8[%parallel_loop3A_1020, %parallel_loop3A_1021] {strides = array<i32>} : memref<16x1024xf32, #tpu.memory_space<vmem>>, vector<1x16xf32>,
        %parallel_loop3A_1023 = vector.shape_cast %parallel_loop3A_1022 : vector<1x16xf32> to vector<16xf32>
        %parallel_loop3A_1024 = arith.addf %parallel_loop3A_1019, %parallel_loop3A_1023 : vector<16xf32>
        %parallel_loop3A_1025 = arith.index_cast %parallel_loop3A_189 : i32 to index
        %parallel_loop3A_1026 = arith.constant 944 : index
        %parallel_loop3A_1027 = tpu.vector_load %arg10[%parallel_loop3A_1025, %parallel_loop3A_1026] {strides = array<i32>} : memref<16x1024xf32, #tpu.memory_space<vmem>>, vector<1x16xf32>,
        %parallel_loop3A_1028 = vector.shape_cast %parallel_loop3A_1027 : vector<1x16xf32> to vector<16xf32>
        %parallel_loop3A_1029 = vector.shape_cast %parallel_loop3A_1024 : vector<16xf32> to vector<1x16xf32>
        tpu.vector_store %arg10[%parallel_loop3A_1025, %parallel_loop3A_1026], %parallel_loop3A_1029 {strides = array<i32>} : memref<16x1024xf32, #tpu.memory_space<vmem>>, vector<1x16xf32>,
        %parallel_loop3A_1030 = arith.index_cast %parallel_loop3A_189 : i32 to index
        %parallel_loop3A_1031 = arith.constant 960 : index
        %parallel_loop3A_1032 = tpu.vector_load %arg6[%parallel_loop3A_1030, %parallel_loop3A_1031] {strides = array<i32>} : memref<16x1024xf32, #tpu.memory_space<vmem>>, vector<1x16xf32>,
        %parallel_loop3A_1033 = vector.shape_cast %parallel_loop3A_1032 : vector<1x16xf32> to vector<16xf32>
        %parallel_loop3A_1034 = arith.index_cast %parallel_loop3A_189 : i32 to index
        %parallel_loop3A_1035 = arith.constant 960 : index
        %parallel_loop3A_1036 = tpu.vector_load %arg8[%parallel_loop3A_1034, %parallel_loop3A_1035] {strides = array<i32>} : memref<16x1024xf32, #tpu.memory_space<vmem>>, vector<1x16xf32>,
        %parallel_loop3A_1037 = vector.shape_cast %parallel_loop3A_1036 : vector<1x16xf32> to vector<16xf32>
        %parallel_loop3A_1038 = arith.addf %parallel_loop3A_1033, %parallel_loop3A_1037 : vector<16xf32>
        %parallel_loop3A_1039 = arith.index_cast %parallel_loop3A_189 : i32 to index
        %parallel_loop3A_1040 = arith.constant 960 : index
        %parallel_loop3A_1041 = tpu.vector_load %arg10[%parallel_loop3A_1039, %parallel_loop3A_1040] {strides = array<i32>} : memref<16x1024xf32, #tpu.memory_space<vmem>>, vector<1x16xf32>,
        %parallel_loop3A_1042 = vector.shape_cast %parallel_loop3A_1041 : vector<1x16xf32> to vector<16xf32>
        %parallel_loop3A_1043 = vector.shape_cast %parallel_loop3A_1038 : vector<16xf32> to vector<1x16xf32>
        tpu.vector_store %arg10[%parallel_loop3A_1039, %parallel_loop3A_1040], %parallel_loop3A_1043 {strides = array<i32>} : memref<16x1024xf32, #tpu.memory_space<vmem>>, vector<1x16xf32>,
        %parallel_loop3A_1044 = arith.index_cast %parallel_loop3A_189 : i32 to index
        %parallel_loop3A_1045 = arith.constant 976 : index
        %parallel_loop3A_1046 = tpu.vector_load %arg6[%parallel_loop3A_1044, %parallel_loop3A_1045] {strides = array<i32>} : memref<16x1024xf32, #tpu.memory_space<vmem>>, vector<1x16xf32>,
        %parallel_loop3A_1047 = vector.shape_cast %parallel_loop3A_1046 : vector<1x16xf32> to vector<16xf32>
        %parallel_loop3A_1048 = arith.index_cast %parallel_loop3A_189 : i32 to index
        %parallel_loop3A_1049 = arith.constant 976 : index
        %parallel_loop3A_1050 = tpu.vector_load %arg8[%parallel_loop3A_1048, %parallel_loop3A_1049] {strides = array<i32>} : memref<16x1024xf32, #tpu.memory_space<vmem>>, vector<1x16xf32>,
        %parallel_loop3A_1051 = vector.shape_cast %parallel_loop3A_1050 : vector<1x16xf32> to vector<16xf32>
        %parallel_loop3A_1052 = arith.addf %parallel_loop3A_1047, %parallel_loop3A_1051 : vector<16xf32>
        %parallel_loop3A_1053 = arith.index_cast %parallel_loop3A_189 : i32 to index
        %parallel_loop3A_1054 = arith.constant 976 : index
        %parallel_loop3A_1055 = tpu.vector_load %arg10[%parallel_loop3A_1053, %parallel_loop3A_1054] {strides = array<i32>} : memref<16x1024xf32, #tpu.memory_space<vmem>>, vector<1x16xf32>,
        %parallel_loop3A_1056 = vector.shape_cast %parallel_loop3A_1055 : vector<1x16xf32> to vector<16xf32>
        %parallel_loop3A_1057 = vector.shape_cast %parallel_loop3A_1052 : vector<16xf32> to vector<1x16xf32>
        tpu.vector_store %arg10[%parallel_loop3A_1053, %parallel_loop3A_1054], %parallel_loop3A_1057 {strides = array<i32>} : memref<16x1024xf32, #tpu.memory_space<vmem>>, vector<1x16xf32>,
        %parallel_loop3A_1058 = arith.index_cast %parallel_loop3A_189 : i32 to index
        %parallel_loop3A_1059 = arith.constant 992 : index
        %parallel_loop3A_1060 = tpu.vector_load %arg6[%parallel_loop3A_1058, %parallel_loop3A_1059] {strides = array<i32>} : memref<16x1024xf32, #tpu.memory_space<vmem>>, vector<1x16xf32>,
        %parallel_loop3A_1061 = vector.shape_cast %parallel_loop3A_1060 : vector<1x16xf32> to vector<16xf32>
        %parallel_loop3A_1062 = arith.index_cast %parallel_loop3A_189 : i32 to index
        %parallel_loop3A_1063 = arith.constant 992 : index
        %parallel_loop3A_1064 = tpu.vector_load %arg8[%parallel_loop3A_1062, %parallel_loop3A_1063] {strides = array<i32>} : memref<16x1024xf32, #tpu.memory_space<vmem>>, vector<1x16xf32>,
        %parallel_loop3A_1065 = vector.shape_cast %parallel_loop3A_1064 : vector<1x16xf32> to vector<16xf32>
        %parallel_loop3A_1066 = arith.addf %parallel_loop3A_1061, %parallel_loop3A_1065 : vector<16xf32>
        %parallel_loop3A_1067 = arith.index_cast %parallel_loop3A_189 : i32 to index
        %parallel_loop3A_1068 = arith.constant 992 : index
        %parallel_loop3A_1069 = tpu.vector_load %arg10[%parallel_loop3A_1067, %parallel_loop3A_1068] {strides = array<i32>} : memref<16x1024xf32, #tpu.memory_space<vmem>>, vector<1x16xf32>,
        %parallel_loop3A_1070 = vector.shape_cast %parallel_loop3A_1069 : vector<1x16xf32> to vector<16xf32>
        %parallel_loop3A_1071 = vector.shape_cast %parallel_loop3A_1066 : vector<16xf32> to vector<1x16xf32>
        tpu.vector_store %arg10[%parallel_loop3A_1067, %parallel_loop3A_1068], %parallel_loop3A_1071 {strides = array<i32>} : memref<16x1024xf32, #tpu.memory_space<vmem>>, vector<1x16xf32>,
        %parallel_loop3A_1072 = arith.index_cast %parallel_loop3A_189 : i32 to index
        %parallel_loop3A_1073 = arith.constant 1008 : index
        %parallel_loop3A_1074 = tpu.vector_load %arg6[%parallel_loop3A_1072, %parallel_loop3A_1073] {strides = array<i32>} : memref<16x1024xf32, #tpu.memory_space<vmem>>, vector<1x16xf32>,
        %parallel_loop3A_1075 = vector.shape_cast %parallel_loop3A_1074 : vector<1x16xf32> to vector<16xf32>
        %parallel_loop3A_1076 = arith.index_cast %parallel_loop3A_189 : i32 to index
        %parallel_loop3A_1077 = arith.constant 1008 : index
        %parallel_loop3A_1078 = tpu.vector_load %arg8[%parallel_loop3A_1076, %parallel_loop3A_1077] {strides = array<i32>} : memref<16x1024xf32, #tpu.memory_space<vmem>>, vector<1x16xf32>,
        %parallel_loop3A_1079 = vector.shape_cast %parallel_loop3A_1078 : vector<1x16xf32> to vector<16xf32>
        %parallel_loop3A_1080 = arith.addf %parallel_loop3A_1075, %parallel_loop3A_1079 : vector<16xf32>
        %parallel_loop3A_1081 = arith.index_cast %parallel_loop3A_189 : i32 to index
        %parallel_loop3A_1082 = arith.constant 1008 : index
        %parallel_loop3A_1083 = tpu.vector_load %arg10[%parallel_loop3A_1081, %parallel_loop3A_1082] {strides = array<i32>} : memref<16x1024xf32, #tpu.memory_space<vmem>>, vector<1x16xf32>,
        %parallel_loop3A_1084 = vector.shape_cast %parallel_loop3A_1083 : vector<1x16xf32> to vector<16xf32>
        %parallel_loop3A_1085 = vector.shape_cast %parallel_loop3A_1080 : vector<16xf32> to vector<1x16xf32>
        tpu.vector_store %arg10[%parallel_loop3A_1081, %parallel_loop3A_1082], %parallel_loop3A_1085 {strides = array<i32>} : memref<16x1024xf32, #tpu.memory_space<vmem>>, vector<1x16xf32>,
      } {sc.loop_unroll_factor = 1 : i64, sc.parallel_access}
      %jit3A_133 = arith.constant 4 : i32
      %div3A_134 = arith.divsi %add3A_113, %jit3A_133 : i32
      %sign3A_135 = arith.constant 0 : i32
      %sign3A_136 = arith.cmpi sgt, %add3A_113, %sign3A_135 : i32
      %sign3A_137 = arith.extui %sign3A_136 : i1 to i32
      %sign3A_138 = arith.constant 0 : i32
      %sign3A_139 = arith.cmpi slt, %add3A_113, %sign3A_138 : i32
      %sign3A_140 = arith.extui %sign3A_139 : i1 to i32
      %sign3A_141 = arith.subi %sign3A_137, %sign3A_140 : i32
      %sign3A_142 = arith.constant 0 : i32
      %sign3A_143 = arith.cmpi sgt, %jit3A_133, %sign3A_142 : i32
      %sign3A_144 = arith.extui %sign3A_143 : i1 to i32
      %sign3A_145 = arith.constant 0 : i32
      %sign3A_146 = arith.cmpi slt, %jit3A_133, %sign3A_145 : i32
      %sign3A_147 = arith.extui %sign3A_146 : i1 to i32
      %sign3A_148 = arith.subi %sign3A_144, %sign3A_147 : i32
      %ne3A_149 = arith.cmpi ne, %sign3A_141, %sign3A_148 : i32
      %rem3A_150 = arith.remsi %add3A_113, %jit3A_133 : i32
      %ne3A_151 = arith.constant 0 : i32
      %ne3A_152 = arith.cmpi ne, %rem3A_150, %ne3A_151 : i32
      %and3A_153 = arith.andi %ne3A_149, %ne3A_152 : i1
      %sub3A_154 = arith.constant 1 : i32
      %sub3A_155 = arith.subi %div3A_134, %sub3A_154 : i32
      %select_n3A_156 = arith.select %and3A_153, %sub3A_155, %div3A_134 : i32
      %jit3A_157 = arith.constant 4 : i32
      %eq3A_158 = arith.constant 0 : i32
      %eq3A_159 = arith.cmpi eq, %jit3A_157, %eq3A_158 : i32
      %jit3A_160 = arith.constant 1 : i32
      %select_n3A_161 = arith.select %eq3A_159, %jit3A_160, %jit3A_157 : i32
      %rem3A_162 = arith.remsi %add3A_113, %select_n3A_161 : i32
      %ne3A_163 = arith.constant 0 : i32
      %ne3A_164 = arith.cmpi ne, %rem3A_162, %ne3A_163 : i32
      %lt3A_165 = arith.constant 0 : i32
      %lt3A_166 = arith.cmpi slt, %rem3A_162, %lt3A_165 : i32
      %lt3A_167 = arith.constant 0 : i32
      %lt3A_168 = arith.cmpi slt, %select_n3A_161, %lt3A_167 : i32
      %ne3A_169 = arith.xori %lt3A_166, %lt3A_168 : i1
      %and3A_170 = arith.andi %ne3A_169, %ne3A_164 : i1
      %add3A_171 = arith.addi %rem3A_162, %select_n3A_161 : i32
      %select_n3A_172 = arith.select %and3A_170, %add3A_171, %rem3A_162 : i32
      %mul3A_173 = arith.constant 16 : i32
      %mul3A_174 = arith.muli %select_n3A_156, %mul3A_173 : i32
      %add3A_175 = arith.addi %mul3A_2, %mul3A_174 : i32
      %dma_start3A_176 = arith.constant 0 : i32
      %dma_start3A_177 = tpu.memref_slice %arg4[%select_n3A_172, %add3A_175, %dma_start3A_176] : memref<4x8192x1024xf32, #tpu.memory_space<hbm>> -> memref<1x16x1024xf32, #tpu.memory_space<hbm>>
      %dma_start3A_178 = tpu.memref_squeeze %dma_start3A_177 : memref<1x16x1024xf32, #tpu.memory_space<hbm>> -> memref<16x1024xf32, #tpu.memory_space<hbm>>
      %dma_start3A_179 = arith.constant 0 : i32
      %dma_start3A_180 = tpu.memref_slice %arg4[%select_n3A_172, %add3A_175, %dma_start3A_179] : memref<4x8192x1024xf32, #tpu.memory_space<hbm>> -> memref<1x16x1024xf32, #tpu.memory_space<hbm>>
      %dma_start3A_181 = tpu.memref_squeeze %dma_start3A_180 : memref<1x16x1024xf32, #tpu.memory_space<hbm>> -> memref<16x1024xf32, #tpu.memory_space<hbm>>
      tpu.enqueue_dma source(%arg10 : memref<16x1024xf32, #tpu.memory_space<vmem>>) target(%dma_start3A_181 : memref<16x1024xf32, #tpu.memory_space<hbm>>) target_semaphore(%arg16 : memref<!tpu.dma_semaphore, #tpu.memory_space<semaphore_mem>>)
      %add3A_182 = arith.constant 2 : i32
      %add3A_183 = arith.addi %add3A_113, %add3A_182 : i32
      %lt3A_184 = arith.constant 64 : i32
      %lt3A_185 = arith.cmpi slt, %add3A_183, %lt3A_184 : i32
      %convert_element_type3A_186 = arith.extui %lt3A_185 : i1 to i32
      %cond3A_187 = arith.constant 0 : i32
      %cond3A_188 = arith.cmpi ne, %convert_element_type3A_186, %cond3A_187 : i32
      scf.if %cond3A_188 {
        %add3A_189 = arith.constant 2 : i32
        %add3A_190 = arith.addi %add3A_113, %add3A_189 : i32
        %jit3A_191 = arith.constant 4 : i32
        %div3A_192 = arith.divsi %add3A_190, %jit3A_191 : i32
        %sign3A_193 = arith.constant 0 : i32
        %sign3A_194 = arith.cmpi sgt, %add3A_190, %sign3A_193 : i32
        %sign3A_195 = arith.extui %sign3A_194 : i1 to i32
        %sign3A_196 = arith.constant 0 : i32
        %sign3A_197 = arith.cmpi slt, %add3A_190, %sign3A_196 : i32
        %sign3A_198 = arith.extui %sign3A_197 : i1 to i32
        %sign3A_199 = arith.subi %sign3A_195, %sign3A_198 : i32
        %sign3A_200 = arith.constant 0 : i32
        %sign3A_201 = arith.cmpi sgt, %jit3A_191, %sign3A_200 : i32
        %sign3A_202 = arith.extui %sign3A_201 : i1 to i32
        %sign3A_203 = arith.constant 0 : i32
        %sign3A_204 = arith.cmpi slt, %jit3A_191, %sign3A_203 : i32
        %sign3A_205 = arith.extui %sign3A_204 : i1 to i32
        %sign3A_206 = arith.subi %sign3A_202, %sign3A_205 : i32
        %ne3A_207 = arith.cmpi ne, %sign3A_199, %sign3A_206 : i32
        %rem3A_208 = arith.remsi %add3A_190, %jit3A_191 : i32
        %ne3A_209 = arith.constant 0 : i32
        %ne3A_210 = arith.cmpi ne, %rem3A_208, %ne3A_209 : i32
        %and3A_211 = arith.andi %ne3A_207, %ne3A_210 : i1
        %sub3A_212 = arith.constant 1 : i32
        %sub3A_213 = arith.subi %div3A_192, %sub3A_212 : i32
        %select_n3A_214 = arith.select %and3A_211, %sub3A_213, %div3A_192 : i32
        %jit3A_215 = arith.constant 4 : i32
        %eq3A_216 = arith.constant 0 : i32
        %eq3A_217 = arith.cmpi eq, %jit3A_215, %eq3A_216 : i32
        %jit3A_218 = arith.constant 1 : i32
        %select_n3A_219 = arith.select %eq3A_217, %jit3A_218, %jit3A_215 : i32
        %rem3A_220 = arith.remsi %add3A_190, %select_n3A_219 : i32
        %ne3A_221 = arith.constant 0 : i32
        %ne3A_222 = arith.cmpi ne, %rem3A_220, %ne3A_221 : i32
        %lt3A_223 = arith.constant 0 : i32
        %lt3A_224 = arith.cmpi slt, %rem3A_220, %lt3A_223 : i32
        %lt3A_225 = arith.constant 0 : i32
        %lt3A_226 = arith.cmpi slt, %select_n3A_219, %lt3A_225 : i32
        %ne3A_227 = arith.xori %lt3A_224, %lt3A_226 : i1
        %and3A_228 = arith.andi %ne3A_227, %ne3A_222 : i1
        %add3A_229 = arith.addi %rem3A_220, %select_n3A_219 : i32
        %select_n3A_230 = arith.select %and3A_228, %add3A_229, %rem3A_220 : i32
        %mul3A_231 = arith.constant 16 : i32
        %mul3A_232 = arith.muli %select_n3A_214, %mul3A_231 : i32
        %add3A_233 = arith.addi %mul3A_2, %mul3A_232 : i32
        %dma_start3A_234 = arith.constant 0 : i32
        %dma_start3A_235 = tpu.memref_slice %arg2[%select_n3A_230, %add3A_233, %dma_start3A_234] : memref<4x8192x1024xf32, #tpu.memory_space<hbm>> -> memref<1x16x1024xf32, #tpu.memory_space<hbm>>
        %dma_start3A_236 = tpu.memref_squeeze %dma_start3A_235 : memref<1x16x1024xf32, #tpu.memory_space<hbm>> -> memref<16x1024xf32, #tpu.memory_space<hbm>>
        %dma_start3A_237 = arith.constant 0 : i32
        %dma_start3A_238 = tpu.memref_slice %arg2[%select_n3A_230, %add3A_233, %dma_start3A_237] : memref<4x8192x1024xf32, #tpu.memory_space<hbm>> -> memref<1x16x1024xf32, #tpu.memory_space<hbm>>
        %dma_start3A_239 = tpu.memref_squeeze %dma_start3A_238 : memref<1x16x1024xf32, #tpu.memory_space<hbm>> -> memref<16x1024xf32, #tpu.memory_space<hbm>>
        tpu.enqueue_dma source(%dma_start3A_239 : memref<16x1024xf32, #tpu.memory_space<hbm>>) target(%arg6 : memref<16x1024xf32, #tpu.memory_space<vmem>>) target_semaphore(%arg12 : memref<!tpu.dma_semaphore, #tpu.memory_space<semaphore_mem>>)
        %dma_start3A_240 = arith.constant 0 : i32
        %dma_start3A_241 = tpu.memref_slice %arg3[%add3A_233, %dma_start3A_240] : memref<8192x1024xf32, #tpu.memory_space<hbm>> -> memref<16x1024xf32, #tpu.memory_space<hbm>>
        %dma_start3A_242 = arith.constant 0 : i32
        %dma_start3A_243 = tpu.memref_slice %arg3[%add3A_233, %dma_start3A_242] : memref<8192x1024xf32, #tpu.memory_space<hbm>> -> memref<16x1024xf32, #tpu.memory_space<hbm>>
        tpu.enqueue_dma source(%dma_start3A_243 : memref<16x1024xf32, #tpu.memory_space<hbm>>) target(%arg8 : memref<16x1024xf32, #tpu.memory_space<vmem>>) target_semaphore(%arg14 : memref<!tpu.dma_semaphore, #tpu.memory_space<semaphore_mem>>)
      } else {
      }
    }
    %scan3A_32 = arith.constant 32 : i32
    %dma_wait3A = arith.constant 0 : i32
    %dma_wait3A_33 = arith.constant 0 : i32
    %dma_wait3A_34 = tpu.memref_slice %arg4[%dma_wait3A, %mul3A_2, %dma_wait3A_33] : memref<4x8192x1024xf32, #tpu.memory_space<hbm>> -> memref<1x16x1024xf32, #tpu.memory_space<hbm>>
    %dma_wait3A_35 = tpu.memref_squeeze %dma_wait3A_34 : memref<1x16x1024xf32, #tpu.memory_space<hbm>> -> memref<16x1024xf32, #tpu.memory_space<hbm>>
    %dma_wait3A_36 = arith.constant 0 : i32
    %dma_wait3A_37 = tpu.memref_slice %arg4[%dma_wait3A, %mul3A_2, %dma_wait3A_36] : memref<4x8192x1024xf32, #tpu.memory_space<hbm>> -> memref<1x16x1024xf32, #tpu.memory_space<hbm>>
    %dma_wait3A_38 = tpu.memref_squeeze %dma_wait3A_37 : memref<1x16x1024xf32, #tpu.memory_space<hbm>> -> memref<16x1024xf32, #tpu.memory_space<hbm>>
    tpu.wait_dma2 semaphore(%arg15 : memref<!tpu.dma_semaphore, #tpu.memory_space<semaphore_mem>>) src(%arg9 : memref<16x1024xf32, #tpu.memory_space<vmem>>) dst(%dma_wait3A_38 : memref<16x1024xf32, #tpu.memory_space<hbm>>)
    %dma_wait3A_39 = arith.constant 0 : i32
    %dma_wait3A_40 = arith.constant 0 : i32
    %dma_wait3A_41 = tpu.memref_slice %arg4[%dma_wait3A_39, %mul3A_2, %dma_wait3A_40] : memref<4x8192x1024xf32, #tpu.memory_space<hbm>> -> memref<1x16x1024xf32, #tpu.memory_space<hbm>>
    %dma_wait3A_42 = tpu.memref_squeeze %dma_wait3A_41 : memref<1x16x1024xf32, #tpu.memory_space<hbm>> -> memref<16x1024xf32, #tpu.memory_space<hbm>>
    %dma_wait3A_43 = arith.constant 0 : i32
    %dma_wait3A_44 = tpu.memref_slice %arg4[%dma_wait3A_39, %mul3A_2, %dma_wait3A_43] : memref<4x8192x1024xf32, #tpu.memory_space<hbm>> -> memref<1x16x1024xf32, #tpu.memory_space<hbm>>
    %dma_wait3A_45 = tpu.memref_squeeze %dma_wait3A_44 : memref<1x16x1024xf32, #tpu.memory_space<hbm>> -> memref<16x1024xf32, #tpu.memory_space<hbm>>
    tpu.wait_dma2 semaphore(%arg16 : memref<!tpu.dma_semaphore, #tpu.memory_space<semaphore_mem>>) src(%arg10 : memref<16x1024xf32, #tpu.memory_space<vmem>>) dst(%dma_wait3A_45 : memref<16x1024xf32, #tpu.memory_space<hbm>>)
    return
  }
}

</mosaic_0001>

<sc_bundles>
// kernel: kernel.3.cloned.1.call-start
scs
__scs_entry_jumppad:
0x0: {  	(pc) =	sbr.rel $0x88, $3  }
0x1: {  	(tag) =	ssettag $0x0;
	lr =	simm.s32 $0x1  }
0x2: {  	[smem:$0x3F9F] =	sst lr;
	_ =	strace $0xD0000000  }
0x3: {  	_ = 	snop  }
0x4: {  	_ = 	snop  }
0x5: {  	_ = 	snop  }
0x6: {  	_ = 	snop  }
0x7: {  	_ = 	snop  }
__scs_overlays_trampoline_lowered:
0x8: {  	[smem:$0x3FAE] =	sst s0  }
0x9: {  	[smem:$0x3FAF] =	sst s1  }
0xa: {  	[smem:$0x3FB0] =	sst s2  }
0xb: {  	[smem:$0x3FB1] =	sst s3  }
0xc: {  	[smem:$0x3FB2] =	sst s4  }
0xd: {  	[smem:$0x3FB3] =	sst s5  }
0xe: {  	[smem:$0x3FB4] =	sst s6  }
0xf: {  	[smem:$0x3FB5] =	sst s7  }
0x10: {  	[smem:$0x3FB6] =	sst s8  }
0x11: {  	[smem:$0x3FB7] =	sst s9;
	s0 =	simm.s32 @!p0 $0x0  }
0x12: {  	s1 =	sld [smem:$0x3F9D];
	s0 =	simm.s32 @p0 $0x1  }
0x13: {  	[smem:$0x3FB8] =	sst s0;
	s0 =	simm.s32 @!p1 $0x0  }
0x14: {  	s2 =	sld [smem:$0x3F9C];
	s0 =	simm.s32 @p1 $0x1  }
0x15: {  	[smem:$0x3FB9] =	sst s0;
	s0 =	simm.s32 @!p2 $0x0  }
0x16: {  	s3 =	sld [smem:$0x3FDB];
	s0 =	simm.s32 @p2 $0x1  }
0x17: {  	s4 =	simm.s32 $0x1BF5;
	[smem:$0x3FBB] =	sst s0  }
0x18: {  	s0 =	sld [smem:$0x3F9E];
	_ =	swait.ge [sflag:s4], $0x0  }
0x19: {  	s7 =	sld [smem:$0x3F9F]  }
0x1a: {  	s8 =	sadd.s32 $0xFFFFE003, lr  }
0x1b: {  	s9 =	sadd.s32 $0xFFFFFEF7, lr;
	s5 =	simm.s32 $0xFFFFFFFF;
	p2 =	slt.u32 s8, $0xFFFFF086  }
0x1c: {  	p1 =	slt.u32 s9, $0xF7A;
	s5 =	simm.s32 @!p2 $0x0  }
0x1d: {  	s5 =	simm.s32 @p1 $0x1;
	p0 =	seq.s32 s7, s2  }
0x1e: {  	s7 =	smul.u32 @!p0 $0xF7A, s2;
	p2 =	seq.s32 @!p0 s5, $0x0  }
0x1f: {  	s9 =	smul.u32 $0xF7A, s1;
	s8 =	simm.s32 @!p0 $0x1BF5;
	p2 =	por !p2, p0  }
0x20: {  	[sflag:s8] =	ssyncset.s32 @!p0 $0xFFFFF086;
	s6 =	sadd.s32 @!p0 s3, s7;
	s7 =	simm.s32 @!p0 $0x108  }
0x21: {  	s3 =	sadd.s32 s3, s9;
	s6 =	sadd.s32 @!p0 $0x88, s6;
	s7 =	simm.s32 @p2 $0x1082  }
0x22: {  	[simem:s7], [sflag:s8] =	dma.local @!p0 [hbm:s6], $0xF7A  }
0x23: {  	s9 =	sor.u32 $0xD0000000, s2;
	s6 =	simm.s32 $0x108;
	_ =	swait.ge @!p0 [sflag:s8], $0x0  }
0x24: {  	s3 =	sadd.s32 $0x88, s3;
	s6 =	simm.s32 @!p1 $0x1082;
	[sflag:s4] =	ssyncset.s32 $0xFFFFF086  }
0x25: {  	[simem:s6], [sflag:s4] =	dma.local [hbm:s3], $0xF7A  }
0x26: {  	[smem:$0x3F9F] =	sst s1;
	(tag) =	ssettag s2;
	_ =	strace s9  }
0x27: {  	s1 =	sld [smem:$0x3FAF]  }
0x28: {  	s2 =	sld [smem:$0x3FB0]  }
0x29: {  	s4 =	sld [smem:$0x3FB2]  }
0x2a: {  	p0 =	seq.s32 s5, $0x0;
	s5 =	sld [smem:$0x3FB3]  }
0x2b: {  	s6 =	sld [smem:$0x3FB4]  }
0x2c: {  	s7 =	sld [smem:$0x3FB5]  }
0x2d: {  	s3 =	simm.s32 $0x108;
	s8 =	sld [smem:$0x3FB6]  }
0x2e: {  	s3 =	simm.s32 @!p0 $0x1082;
	s9 =	sld [smem:$0x3FB7]  }
0x2f: {  	lr =	sadd.s32 s0, s3;
	s0 =	sld [smem:$0x3FAE]  }
0x30: {  	s3 =	sld [smem:$0x3FB1]  }
0x31: {  	[smem:$0x3FBA] =	sst s10  }
0x32: {  	s10 =	sld [smem:$0x3FB8];
	_ =	sdelay $0x3  }
0x33: {  	p0 =	seq.s32 s10, $0x1;
	s10 =	sld [smem:$0x3FBA];
	_ =	sdelay $0x3  }
0x34: {  	[smem:$0x3FBA] =	sst s10  }
0x35: {  	s10 =	sld [smem:$0x3FB9];
	_ =	sdelay $0x3  }
0x36: {  	p1 =	seq.s32 s10, $0x1;
	s10 =	sld [smem:$0x3FBA];
	_ =	sdelay $0x3  }
0x37: {  	[smem:$0x3FBA] =	sst s10  }
0x38: {  	s10 =	sld [smem:$0x3FBB]  }
0x39: {  	_ = 	snop;
	(pc) =	sbr.ind lr, $3  }
0x3a: {  	_ = 	snop  }
0x3b: {  	_ = 	snop  }
0x3c: {  	p2 =	seq.s32 s10, $0x1;
	s10 =	sld [smem:$0x3FBA]  }
0x3d: {  	_ =	shalt  }
0x3e: {  	_ =	shalt  }
0x3f: {  	_ =	shalt  }
0x40: {  	_ =	shalt  }
0x41: {  	_ =	shalt  }
0x42: {  	_ =	shalt  }
0x43: {  	_ =	shalt  }
0x44: {  	_ =	shalt  }
0x45: {  	_ =	shalt  }
0x46: {  	_ =	shalt  }
0x47: {  	_ =	shalt  }
0x48: {  	_ =	shalt  }
0x49: {  	_ =	shalt  }
0x4a: {  	_ =	shalt  }
0x4b: {  	_ =	shalt  }
0x4c: {  	_ =	shalt  }
0x4d: {  	_ =	shalt  }
0x4e: {  	_ =	shalt  }
0x4f: {  	_ =	shalt  }
0x50: {  	_ =	shalt  }
0x51: {  	_ =	shalt  }
0x52: {  	_ =	shalt  }
0x53: {  	_ =	shalt  }
0x54: {  	_ =	shalt  }
0x55: {  	_ =	shalt  }
0x56: {  	_ =	shalt  }
0x57: {  	_ =	shalt  }
0x58: {  	_ =	shalt  }
0x59: {  	_ =	shalt  }
0x5a: {  	_ =	shalt  }
0x5b: {  	_ =	shalt  }
0x5c: {  	_ =	shalt  }
0x5d: {  	_ =	shalt  }
0x5e: {  	_ =	shalt  }
0x5f: {  	_ =	shalt  }
0x60: {  	_ =	shalt  }
0x61: {  	_ =	shalt  }
0x62: {  	_ =	shalt  }
0x63: {  	_ =	shalt  }
0x64: {  	_ =	shalt  }
0x65: {  	_ =	shalt  }
0x66: {  	_ =	shalt  }
0x67: {  	_ =	shalt  }
0x68: {  	_ =	shalt  }
0x69: {  	_ =	shalt  }
0x6a: {  	_ =	shalt  }
0x6b: {  	_ =	shalt  }
0x6c: {  	_ =	shalt  }
0x6d: {  	_ =	shalt  }
0x6e: {  	_ =	shalt  }
0x6f: {  	_ =	shalt  }
0x70: {  	_ =	shalt  }
0x71: {  	_ =	shalt  }
0x72: {  	_ =	shalt  }
0x73: {  	_ =	shalt  }
0x74: {  	_ =	shalt  }
0x75: {  	_ =	shalt  }
0x76: {  	_ =	shalt  }
0x77: {  	_ =	shalt  }
0x78: {  	_ =	shalt  }
0x79: {  	_ =	shalt  }
0x7a: {  	_ =	shalt  }
0x7b: {  	_ =	shalt  }
0x7c: {  	_ =	shalt  }
0x7d: {  	_ =	shalt  }
0x7e: {  	_ =	shalt  }
0x7f: {  	_ =	shalt  }
0x80: {  	_ =	shalt  }
0x81: {  	_ =	shalt  }
0x82: {  	_ =	shalt  }
0x83: {  	_ =	shalt  }
0x84: {  	_ =	shalt  }
0x85: {  	_ =	shalt  }
0x86: {  	_ =	shalt  }
0x87: {  	_ =	shalt  }
.Lfunc_end0:
.L_simem_size_0:
called_computation_lowered:
.L_overlay_start_0:
0x88: {  	s2 =	sld [smem:$0x3FD9]  }
0x89: {  	s3 =	sld [smem:$0x3FFE];
	_ =	sdelay $0x1  }
0x8a: {  	s1 =	srdreg.scid  }
0x8b: {  	s0 =	sand.u32 $0x1, s1  }
0x8c: {  	s18 =	sshll.u32 s0, $0xA;
	s2 =	sadd.s32 s3, s2  }
0x8d: {  	s2 =	sadd.s32 s2, s18  }
0x8e: {  	[smem:$0x3FC6] =	sst s2  }
0x8f: {  	_ = 	snop  }
0x90: {  	s2 =	sld [smem:$0x3FC9]  }
0x91: {  	s19 =	sld [smem:$0x3FC8]  }
0x92: {  	s4 =	sld [smem:$0x3FD0];
	(tm) =	ssettm $0x1  }
0x93: {  	s5 =	sld [smem:$0x3FFB];
	_ =	sdelay $0x3  }
0x94: {  	_ =	strace s5  }
0x95: {  	s5 =	sld [smem:$0x3FFC];
	_ =	sdelay $0x3  }
0x96: {  	_ =	strace s5  }
0x97: {  	s5 =	sld [smem:$0x3FFD];
	_ =	sdelay $0x3  }
0x98: {  	_ =	strace s5  }
0x99: {  	_ =	strace $0x8FFFFFFF  }
0x9a: {  	s20 =	sld [smem:$0x3FDB];
	_ =	sdelay $0x1  }
0x9b: {  	s6 =	simm.s32 $_scs_section_size  }
0x9c: {  	s7 =	simm.s32 $_size__tile_overlayer_lowered;
	s8 =	simm.s32 $_tile_overlayer_lowered  }
0x9d: {  	s23 =	simm.s32 $0x1BFF;
	s22 =	sshll.u32 s8, $0x1;
	s5 =	sadd.s32 s6, s20  }
0x9e: {  	s9 =	simm.s32 $0x0;
	s21 =	sshll.u32 s7, $0x1;
	s7 =	sadd.s32 s22, s5  }
0x9f: {  	[timem:s9], [sflag:s23] =	dma.local [hbm:s7], s21  }
0xa0: {  	_ =	swait.ge [sflag:s23], s21  }
0xa1: {  	s6 =	ssub.s32 $0x0, s21;
	[sflag:s23] =	ssyncset.done $0x0  }
0xa2: {  	[sflag:s23] =	ssyncadd.s32 s6;
	_ =	sdelay $0x1  }
0xa3: {  	s24 =	simm.s32 $0x1B8B  }
0xa4: {  	_ =	swait.ge [sflag:s24], $0x1  }
0xa5: {  	[sflag:s24] =	ssyncset.done $0x0  }
0xa6: {  	s25 =	simm.s32 $0x1B8E;
	[sflag:s24] =	ssyncadd.s32 $0xFFFFFFFF  }
0xa7: {  	s26 =	simm.s32 $execute0_lowered;
	[smem:$0x3FD2] =	sst s25  }
0xa8: {  	s6 =	sshll.u32 s26, $0x1;
	_ =	strace $0x80000046;
	[dreg:$0x1] =	wrdreg $0xFFFFFFFF  }
0xa9: {  	s28 =	simm.s32 $_size_execute0_lowered;
	s5 =	sadd.s32 s5, s6;
	[dreg:$0x0] =	wrdreg $0x0  }
0xaa: {  	s6 =	sshll.u32 s28, $0x1;
	[dreg:$0x2] =	wrdreg s5  }
0xab: {  	[dreg:$0x3] =	wrdreg s6  }
0xac: {  	[dreg:$0x4] =	wrdreg $0xC0  }
0xad: {  	_ =	task [dreg:s9], $0x5FFFF  }
0xae: {  	[dreg:$0x1] =	wrdreg $0xFFFFFFFF  }
0xaf: {  	[dreg:$0x0] =	wrdreg $0x60  }
0xb0: {  	[dreg:$0x2] =	wrdreg s2  }
0xb1: {  	[dreg:$0x3] =	wrdreg s19  }
0xb2: {  	[dreg:$0x4] =	wrdreg s4  }
0xb3: {  	[dreg:$0x5] =	wrdreg $0x9  }
0xb4: {  	_ =	task.clear_ibuf [dreg:s9], $0x6FFFF;
	_ =	strace $0x90000046  }
0xb5: {  	s29 =	simm.s32 $0x9;
	_ =	strace $0x80000048  }
0xb6: {  	_ =	swait.ge [sflag:s29], $0x1  }
0xb7: {  	[sflag:s29] =	ssyncadd.s32 $0xFFFFFFFF  }
0xb8: {  	_ =	strace $0x90000048  }
0xb9: {  	_ =	sfence  }
0xba: {  	s30 =	sld [smem:$0x0];
	_ =	sdelay $0x2  }
0xbb: {  	s31 =	sshll.u32 s1, $0xD;
	s1 =	sshrl.u32 s1, $0x2  }
0xbc: {  	s3 =	sand.u32 $0x4000, s31;
	s1 =	sadd.s32 s1, s30  }
0xbd: {  	s0 =	sor.u32 s3, s0;
	s1 =	sshll.u32 s1, $0x11  }
0xbe: {  	s0 =	sor.u32 s1, s0  }
0xbf: {  	s0 =	sadd.s32 $0x8F2B, s0  }
0xc0: {  	[sflag:s0] =	ssyncadd.remote.s32 $0x1  }
0xc1: {  	_ =	sfence.sel $0xFFFF  }
0xc2: {  	[dreg:$0x0] =	wrdreg $0xFFFFFFFF;
	(pc) =	sbr.abs _section_cstart, $3  }
0xc3: {  	[dreg:$0x1] =	wrdreg $0xFFFFFFFF  }
0xc4: {  	_ =	task.clear_ibuf [dreg:s9], $0x2FFFF;
	_ =	strace $0x9FFFFFFF  }
0xc5: {  	(tm) =	ssettm $0x7FFFFFFF  }
tec
execute0_lowered:
.L_overlay_start_1:
0x0: {  	(tag) =	ssettag $0x1  }
0x1: {  	s1 =	rddreg [dreg:$0x0]  }
0x2: {  	s2 =	rddreg [dreg:$0x1]  }
0x3: {  	s4 =	rddreg [dreg:$0x2]  }
0x4: {  	s0 =	srdreg.scid;
	s5 =	simm.s32 $0x0;
	s6 =	stileid.u32  }
0x5: {  	s14 =	simm.s32 $0x4000;
	s15 =	simm.s32 $0xC000;
	s16 =	simm.s32 $0x1  }
0x6: {  	s17 =	simm.s32 $0x3;
	s18 =	simm.s32 $0x10000;
	s19 =	simm.s32 $0x2  }
0x7: {  	s20 =	simm.s32 $0x4;
	s21 =	simm.s32 $0x14000;
	s22 =	simm.s32 $0x5  }
0x8: {  	s23 =	simm.s32 $0x6;
	s24 =	simm.s32 $0x0;
	s0 =	sand.u32 $0x1, s0  }
0x9: {  	s6 =	sshll.u32 s6, $0x9;
	s3 =	ssub.s32 $0x2, s0;
	s0 =	sshll.u32 s0, $0x8  }
.Ltmp0:
0xa: {  	s7 =	sshrl.u32 s3, $0x1;
	s0 =	sor.u32 s0, s6;
	(pc) =	sbr.rel .LBB2_1-.Ltmp0, $4  }
0xb: {  	[smem:$0x7FF] =	sst s5;
	s3 =	ssub.s32 s3, s7;
	s6 =	sshll.u32 s0, $0x7  }
0xc: {  	s11 =	sadd.s32 $0x100000, s4;
	s8 =	sadd.s32 s1, s6;
	s31 =	smax.u32 s3, $0x1  }
0xd: {  	_ =	strace $0x80000047;
	s30 =	sadd.s32 $0x100000, s8;
	[dreg:$0x5] =	wrdreg s31  }
0xe: {  	s7 =	sshll.u32 s0, $0xA;
	s9 =	sadd.s32 s2, s6;
	[dreg:$0x4] =	wrdreg s30  }
.LBB2_8:
0xf: {  	_ =	swait.ge [sflag:s22], $0x4000  }
0x10: {  	[sflag:s22] =	ssyncset.done $0x0  }
0x11: {  	[sflag:s22] =	ssyncadd.s32 $0xFFFFC000  }
0x12: {  	_ =	swait.ge [sflag:s23], $0x4000  }
0x13: {  	s24 =	sadd.s32 $0x1, s24;
	s0 =	rddreg [dreg:$0x5]  }
0x14: {  	p0 =	sne.s32 s24, s0  }
.Ltmp1:
0x15: {  	_ = 	snop;
	(pc) =	sbr.rel @!p0 .LBB2_9-.Ltmp1, $3  }
0x16: {  	_ =	sdelay $0x1  }
0x17: {  	[sflag:s23] =	ssyncset.done $0x0  }
0x18: {  	[sflag:s23] =	ssyncadd.s32 $0xFFFFC000  }
.LBB2_1:
0x19: {  	[tilespmem:s5], [sflag:$0x1] =	stream.linear.gather [hbm4b:s8+s5], $0x4000, $0x38;
	[tilespmem:$0x18000] =	vst v63  }
0x1a: {  	s0 =	simm.s32 $0x8000  }
0x1b: {  	[tilespmem:s0], [sflag:$0x3] =	stream.linear.gather [hbm4b:s9+s5], $0x4000, $0x38;
	[tilespmem:$0x18000] =	vst v63  }
0x1c: {  	s31 =	rddreg [dreg:$0x4]  }
0x1d: {  	[tilespmem:s14], [sflag:$0x2] =	stream.linear.gather [hbm4b:s31+s5], $0x4000, $0x38;
	[tilespmem:$0x18000] =	vst v63  }
0x1e: {  	s25 =	simm.s32 $0x0  }
0x1f: {  	[tilespmem:s15], [sflag:$0x4] =	stream.linear.gather [hbm4b:s9+s5], $0x4000, $0x38;
	[tilespmem:$0x18000] =	vst v63  }
.LBB2_2:
0x20: {  	_ =	swait.ge [sflag:s16], $0x4000  }
0x21: {  	[sflag:s16] =	ssyncset.done $0x0  }
0x22: {  	[sflag:s16] =	ssyncadd.s32 $0xFFFFC000  }
0x23: {  	_ =	swait.ge [sflag:s17], $0x4000  }
0x24: {  	p0 =	seq.s32 s25, $0x0;
	[sflag:s17] =	ssyncset.done $0x0  }
0x25: {  	s0 =	simm.s32 @!p0 $0x5;
	[sflag:s17] =	ssyncadd.s32 $0xFFFFC000  }
0x26: {  	s28 =	simm.s32 $0x0;
	s3 =	simm.s32 $0x0;
	_ =	swait.ge @!p0 [sflag:s0], $0x4000  }
0x27: {  	s3 =	sand.u32 $0x2000, s3;
	s13 =	sand.u32 $0x380, s28;
	[sflag:s0] =	ssyncset.done @!p0 $0x0  }
0x28: {  	s29 =	sor.u32 s13, s3;
	[sflag:s0] =	ssyncadd.s32 @!p0 $0xFFFFC000  }
0x29: {  	v0 =	vld [tilespmem:s29+$0x0]  }
0x2a: {  	v1 =	vld [tilespmem:s29+$0x8000]  }
0x2b: {  	v2 =	vld [tilespmem:s29+$0x10]  }
0x2c: {  	v3 =	vld [tilespmem:s29+$0x8010]  }
0x2d: {  	v4 =	vld [tilespmem:s29+$0x20]  }
0x2e: {  	v5 =	vld [tilespmem:s29+$0x8020]  }
0x2f: {  	v6 =	vld [tilespmem:s29+$0x30]  }
0x30: {  	v7 =	vld [tilespmem:s29+$0x8030]  }
0x31: {  	v8 =	vld [tilespmem:s29+$0x40]  }
0x32: {  	v9 =	vld [tilespmem:s29+$0x8040]  }
0x33: {  	v10 =	vld [tilespmem:s29+$0x50]  }
0x34: {  	v11 =	vld [tilespmem:s29+$0x8050]  }
0x35: {  	v12 =	vld [tilespmem:s29+$0x60]  }
0x36: {  	v13 =	vld [tilespmem:s29+$0x8060]  }
0x37: {  	v14 =	vld [tilespmem:s29+$0x70]  }
0x38: {  	v15 =	vld [tilespmem:s29+$0x8070]  }
0x39: {  	v16 =	vld [tilespmem:s29+$0x400]  }
0x3a: {  	v17 =	vld [tilespmem:s29+$0x8400]  }
0x3b: {  	v18 =	vld [tilespmem:s29+$0x410]  }
0x3c: {  	v19 =	vld [tilespmem:s29+$0x8410]  }
0x3d: {  	v20 =	vld [tilespmem:s29+$0x420]  }
0x3e: {  	v21 =	vld [tilespmem:s29+$0x8420]  }
0x3f: {  	v22 =	vld [tilespmem:s29+$0x430]  }
0x40: {  	v23 =	vld [tilespmem:s29+$0x8430]  }
0x41: {  	v24 =	vld [tilespmem:s29+$0x440]  }
0x42: {  	v25 =	vld [tilespmem:s29+$0x8440]  }
0x43: {  	v26 =	vld [tilespmem:s29+$0x450]  }
0x44: {  	v27 =	vld [tilespmem:s29+$0x8450]  }
0x45: {  	v28 =	vld [tilespmem:s29+$0x460]  }
0x46: {  	v29 =	vld [tilespmem:s29+$0x8460]  }
0x47: {  	v30 =	vld [tilespmem:s29+$0x470]  }
0x48: {  	v31 =	vld [tilespmem:s29+$0x8470]  }
0x49: {  	v32 =	vld [tilespmem:s29+$0x800]  }
0x4a: {  	v33 =	vld [tilespmem:s29+$0x8800]  }
0x4b: {  	v34 =	vld [tilespmem:s29+$0x810]  }
0x4c: {  	v35 =	vld [tilespmem:s29+$0x8810]  }
0x4d: {  	v36 =	vld [tilespmem:s29+$0x820]  }
0x4e: {  	v37 =	vld [tilespmem:s29+$0x8820]  }
0x4f: {  	v38 =	vld [tilespmem:s29+$0x830]  }
0x50: {  	v39 =	vld [tilespmem:s29+$0x8830]  }
0x51: {  	v40 =	vld [tilespmem:s29+$0x840]  }
0x52: {  	v41 =	vld [tilespmem:s29+$0x8840]  }
0x53: {  	v42 =	vld [tilespmem:s29+$0x850]  }
0x54: {  	v43 =	vld [tilespmem:s29+$0x8850]  }
0x55: {  	v44 =	vld [tilespmem:s29+$0x860]  }
0x56: {  	v45 =	vld [tilespmem:s29+$0x8860]  }
0x57: {  	v46 =	vld [tilespmem:s29+$0x870]  }
0x58: {  	v47 =	vld [tilespmem:s29+$0x8870]  }
0x59: {  	v48 =	vld [tilespmem:s29+$0xC00]  }
0x5a: {  	v49 =	vld [tilespmem:s29+$0x8C00]  }
0x5b: {  	v50 =	vld [tilespmem:s29+$0xC10]  }
0x5c: {  	v51 =	vld [tilespmem:s29+$0x8C10]  }
0x5d: {  	v52 =	vld [tilespmem:s29+$0xC20]  }
0x5e: {  	v53 =	vld [tilespmem:s29+$0x8C20]  }
0x5f: {  	v54 =	vld [tilespmem:s29+$0xC30]  }
0x60: {  	v55 =	vld [tilespmem:s29+$0x8C30]  }
0x61: {  	v56 =	vld [tilespmem:s29+$0xC40]  }
0x62: {  	v57 =	vld [tilespmem:s29+$0x8C40]  }
0x63: {  	v58 =	vld [tilespmem:s29+$0xC50]  }
0x64: {  	v59 =	vld [tilespmem:s29+$0x8C50]  }
0x65: {  	v60 =	vld [tilespmem:s29+$0xC60]  }
0x66: {  	v61 =	vld [tilespmem:s29+$0xC70];
	v0 =	vadd.f32 v1, v0  }
0x67: {  	v1 =	vld [tilespmem:s29+$0x8C60];
	v2 =	vadd.f32 v3, v2  }
0x68: {  	v3 =	vadd.f32 v5, v4;
	v4 =	vld [tilespmem:s29+$0x1010];
	[tilespmem:s29+$0x10000] =	vst v0  }
0x69: {  	v63 =	vadd.f32 v7, v6;
	v5 =	vld [tilespmem:s29+$0x9010];
	[tilespmem:s29+$0x10010] =	vst v2  }
0x6a: {  	v9 =	vadd.f32 v9, v8;
	v6 =	vld [tilespmem:s29+$0x1020];
	[tilespmem:s29+$0x10020] =	vst v3  }
0x6b: {  	v11 =	vadd.f32 v11, v10;
	v7 =	vld [tilespmem:s29+$0x9020];
	[tilespmem:s29+$0x10030] =	vst v63  }
0x6c: {  	v13 =	vadd.f32 v13, v12;
	v8 =	vld [tilespmem:s29+$0x1030];
	[tilespmem:s29+$0x10040] =	vst v9  }
0x6d: {  	v15 =	vadd.f32 v15, v14;
	v10 =	vld [tilespmem:s29+$0x1040];
	[tilespmem:s29+$0x10050] =	vst v11  }
0x6e: {  	v17 =	vadd.f32 v17, v16;
	v12 =	vld [tilespmem:s29+$0x1050];
	[tilespmem:s29+$0x10060] =	vst v13  }
0x6f: {  	v19 =	vadd.f32 v19, v18;
	v14 =	vld [tilespmem:s29+$0x1060];
	[tilespmem:s29+$0x10070] =	vst v15  }
0x70: {  	v21 =	vadd.f32 v21, v20;
	v16 =	vld [tilespmem:s29+$0x1070];
	[tilespmem:s29+$0x10400] =	vst v17  }
0x71: {  	v23 =	vadd.f32 v23, v22;
	v18 =	vld [tilespmem:s29+$0x1400];
	[tilespmem:s29+$0x10410] =	vst v19  }
0x72: {  	v25 =	vadd.f32 v25, v24;
	v20 =	vld [tilespmem:s29+$0x1410];
	[tilespmem:s29+$0x10420] =	vst v21  }
0x73: {  	v27 =	vadd.f32 v27, v26;
	v22 =	vld [tilespmem:s29+$0x1420];
	[tilespmem:s29+$0x10430] =	vst v23  }
0x74: {  	v29 =	vadd.f32 v29, v28;
	v24 =	vld [tilespmem:s29+$0x1430];
	[tilespmem:s29+$0x10440] =	vst v25  }
0x75: {  	v31 =	vadd.f32 v31, v30;
	v26 =	vld [tilespmem:s29+$0x1440];
	[tilespmem:s29+$0x10450] =	vst v27  }
0x76: {  	v33 =	vadd.f32 v33, v32;
	v35 =	vadd.f32 v35, v34;
	v34 =	vld [tilespmem:s29+$0x1450];
	[tilespmem:s29+$0x10460] =	vst v29  }
0x77: {  	v37 =	vadd.f32 v37, v36;
	v36 =	vld [tilespmem:s29+$0x9450];
	[tilespmem:s29+$0x10470] =	vst v31  }
0x78: {  	v41 =	vadd.f32 v41, v40;
	v40 =	vld [tilespmem:s29+$0x9800];
	[tilespmem:s29+$0x10800] =	vst v33  }
0x79: {  	v39 =	vadd.f32 v39, v38;
	v43 =	vadd.f32 v43, v42;
	v42 =	vld [tilespmem:s29+$0x1810];
	[tilespmem:s29+$0x10810] =	vst v35  }
0x7a: {  	v45 =	vadd.f32 v45, v44;
	v44 =	vld [tilespmem:s29+$0x9810];
	[tilespmem:s29+$0x10820] =	vst v37  }
0x7b: {  	v47 =	vadd.f32 v47, v46;
	v46 =	vld [tilespmem:s29+$0x1820];
	[tilespmem:s29+$0x10830] =	vst v39  }
0x7c: {  	v49 =	vadd.f32 v49, v48;
	v48 =	vld [tilespmem:s29+$0x9820];
	[tilespmem:s29+$0x10840] =	vst v41  }
0x7d: {  	v51 =	vadd.f32 v51, v50;
	v50 =	vld [tilespmem:s29+$0x1830];
	[tilespmem:s29+$0x10850] =	vst v43  }
0x7e: {  	v53 =	vadd.f32 v53, v52;
	v52 =	vld [tilespmem:s29+$0x9830];
	[tilespmem:s29+$0x10860] =	vst v45  }
0x7f: {  	v0 =	vld [tilespmem:s29+$0x8C70];
	[tilespmem:s29+$0x10870] =	vst v47  }
0x80: {  	v2 =	vld [tilespmem:s29+$0x1000];
	[tilespmem:s29+$0x10C00] =	vst v49  }
0x81: {  	v62 =	vadd.f32 v55, v54;
	v3 =	vld [tilespmem:s29+$0x9000];
	[tilespmem:s29+$0x10C10] =	vst v51  }
0x82: {  	v9 =	vld [tilespmem:s29+$0x9030];
	[tilespmem:s29+$0x10C20] =	vst v53;
	v33 =	vadd.f32 v57, v56  }
0x83: {  	v11 =	vld [tilespmem:s29+$0x9040];
	[tilespmem:s29+$0x10C30] =	vst v62;
	v35 =	vadd.f32 v59, v58  }
0x84: {  	v13 =	vld [tilespmem:s29+$0x9050];
	[tilespmem:s29+$0x10C40] =	vst v33;
	v1 =	vadd.f32 v1, v60  }
0x85: {  	v15 =	vld [tilespmem:s29+$0x9060];
	[tilespmem:s29+$0x10C50] =	vst v35;
	v38 =	vadd.f32 v7, v6  }
0x86: {  	v17 =	vld [tilespmem:s29+$0x9070];
	v59 =	vadd.f32 v36, v34;
	[tilespmem:s29+$0x10C60] =	vst v1  }
0x87: {  	v19 =	vld [tilespmem:s29+$0x9400];
	v0 =	vadd.f32 v0, v61;
	[tilespmem:s29+$0x11020] =	vst v38  }
0x88: {  	v21 =	vld [tilespmem:s29+$0x9410];
	v2 =	vadd.f32 v3, v2;
	[tilespmem:s29+$0x11450] =	vst v59  }
0x89: {  	v23 =	vld [tilespmem:s29+$0x9420];
	v3 =	vadd.f32 v5, v4;
	[tilespmem:s29+$0x10C70] =	vst v0  }
0x8a: {  	v25 =	vld [tilespmem:s29+$0x9430];
	v39 =	vadd.f32 v9, v8;
	[tilespmem:s29+$0x11000] =	vst v2  }
0x8b: {  	v63 =	vld [tilespmem:s29+$0x9440];
	v41 =	vadd.f32 v11, v10;
	[tilespmem:s29+$0x11010] =	vst v3  }
0x8c: {  	v37 =	vld [tilespmem:s29+$0x1460];
	v43 =	vadd.f32 v13, v12;
	[tilespmem:s29+$0x11030] =	vst v39  }
0x8d: {  	v58 =	vld [tilespmem:s29+$0x1850];
	v45 =	vadd.f32 v15, v14;
	[tilespmem:s29+$0x11040] =	vst v41  }
0x8e: {  	v60 =	vld [tilespmem:s29+$0x9850];
	v47 =	vadd.f32 v17, v16;
	[tilespmem:s29+$0x11050] =	vst v43  }
0x8f: {  	v1 =	vld [tilespmem:s29+$0x9460];
	v49 =	vadd.f32 v19, v18;
	[tilespmem:s29+$0x11060] =	vst v45  }
0x90: {  	v51 =	vadd.f32 v21, v20;
	v0 =	vld [tilespmem:s29+$0x1470];
	[tilespmem:s29+$0x11070] =	vst v47  }
0x91: {  	v53 =	vadd.f32 v23, v22;
	v2 =	vld [tilespmem:s29+$0x9470];
	[tilespmem:s29+$0x11400] =	vst v49  }
0x92: {  	v55 =	vadd.f32 v25, v24;
	v3 =	vld [tilespmem:s29+$0x1800];
	[tilespmem:s29+$0x11410] =	vst v51  }
0x93: {  	v54 =	vld [tilespmem:s29+$0x1840];
	v57 =	vadd.f32 v63, v26;
	[tilespmem:s29+$0x11420] =	vst v53  }
0x94: {  	v56 =	vld [tilespmem:s29+$0x9840];
	[tilespmem:s29+$0x11430] =	vst v55;
	v63 =	vadd.f32 v60, v58  }
0x95: {  	v62 =	vld [tilespmem:s29+$0x9870];
	[tilespmem:s29+$0x11440] =	vst v57;
	v1 =	vadd.f32 v1, v37  }
0x96: {  	v61 =	vld [tilespmem:s29+$0x1860];
	[tilespmem:s29+$0x11850] =	vst v63;
	v0 =	vadd.f32 v2, v0  }
0x97: {  	[tilespmem:s29+$0x11460] =	vst v1;
	v1 =	vld [tilespmem:s29+$0x9860];
	v2 =	vadd.f32 v40, v3  }
0x98: {  	v3 =	vld [tilespmem:s29+$0x1870];
	[tilespmem:s29+$0x11470] =	vst v0;
	v0 =	vadd.f32 v44, v42  }
0x99: {  	[tilespmem:s29+$0x11800] =	vst v2;
	v2 =	vadd.f32 v48, v46  }
0x9a: {  	[tilespmem:s29+$0x11810] =	vst v0;
	v0 =	vadd.f32 v52, v50  }
0x9b: {  	[tilespmem:s29+$0x11820] =	vst v2;
	v2 =	vadd.f32 v56, v54  }
0x9c: {  	s26 =	sshll.u32 s25, $0x1;
	s30 =	simm.s32 $0xFFFFC000;
	s13 =	sand.u32 $0x7, s28;
	[tilespmem:s29+$0x11830] =	vst v0;
	v0 =	vadd.f32 v1, v61  }
0x9d: {  	s31 =	simm.s32 $0x80;
	s3 =	sshll.u32 s13, $0x7;
	s0 =	simm.s32 $0x0;
	[tilespmem:s29+$0x11840] =	vst v2;
	v1 =	vadd.f32 v62, v3  }
.LBB2_3:
0x9e: {  	p1 =	sne.s32 s31, $0x780;
	s3 =	sadd.s32 s3, s28;
	[tilespmem:s29+$0x11860] =	vst v0;
	s30 =	sadd.s32 $0x400, s30  }
0x9f: {  	s13 =	sadd.s32 $0x4000, s30;
	[tilespmem:s29+$0x11870] =	vst v1;
	s10 =	sor.u32 $0x1C00, s3  }
0xa0: {  	s29 =	sand.u32 $0x380, s31;
	s13 =	sand.u32 $0x2000, s13;
	v4 =	vld [tilespmem:s10+$0x0]  }
0xa1: {  	s29 =	sor.u32 s29, s13;
	v6 =	vld [tilespmem:s10+$0x8000]  }
0xa2: {  	v0 =	vld [tilespmem:s29+$0x0]  }
0xa3: {  	v3 =	vld [tilespmem:s29+$0x8000]  }
0xa4: {  	v1 =	vld [tilespmem:s29+$0x10]  }
0xa5: {  	v5 =	vld [tilespmem:s29+$0x8010]  }
0xa6: {  	v2 =	vld [tilespmem:s29+$0x20];
	v7 =	vadd.f32 v6, v4  }
0xa7: {  	v6 =	vld [tilespmem:s29+$0x8020]  }
0xa8: {  	v4 =	vld [tilespmem:s29+$0x30];
	[tilespmem:s10+$0x10000] =	vst v7;
	s10 =	sor.u32 $0x1C10, s3  }
0xa9: {  	v9 =	vld [tilespmem:s10+$0x0]  }
0xaa: {  	v13 =	vld [tilespmem:s10+$0x8000]  }
0xab: {  	v10 =	vld [tilespmem:s29+$0x8030]  }
0xac: {  	v7 =	vld [tilespmem:s29+$0x40]  }
0xad: {  	v11 =	vld [tilespmem:s29+$0x8040]  }
0xae: {  	v8 =	vld [tilespmem:s29+$0x50]  }
0xaf: {  	v12 =	vld [tilespmem:s29+$0x8050];
	v14 =	vadd.f32 v13, v9  }
0xb0: {  	v9 =	vld [tilespmem:s29+$0x60]  }
0xb1: {  	v13 =	vld [tilespmem:s29+$0x8060];
	[tilespmem:s10+$0x10000] =	vst v14;
	s10 =	sor.u32 $0x1C20, s3  }
0xb2: {  	v17 =	vld [tilespmem:s10+$0x0]  }
0xb3: {  	v20 =	vld [tilespmem:s10+$0x8000]  }
0xb4: {  	v14 =	vld [tilespmem:s29+$0x70]  }
0xb5: {  	v18 =	vld [tilespmem:s29+$0x8070]  }
0xb6: {  	v15 =	vld [tilespmem:s29+$0x400]  }
0xb7: {  	v19 =	vld [tilespmem:s29+$0x8400]  }
0xb8: {  	v16 =	vld [tilespmem:s29+$0x410];
	v21 =	vadd.f32 v20, v17  }
0xb9: {  	v20 =	vld [tilespmem:s29+$0x8410]  }
0xba: {  	v17 =	vld [tilespmem:s29+$0x420];
	[tilespmem:s10+$0x10000] =	vst v21;
	s10 =	sor.u32 $0x1C30, s3  }
0xbb: {  	v23 =	vld [tilespmem:s10+$0x0]  }
0xbc: {  	v27 =	vld [tilespmem:s10+$0x8000]  }
0xbd: {  	v24 =	vld [tilespmem:s29+$0x8420]  }
0xbe: {  	v21 =	vld [tilespmem:s29+$0x430]  }
0xbf: {  	v25 =	vld [tilespmem:s29+$0x8430]  }
0xc0: {  	v22 =	vld [tilespmem:s29+$0x440]  }
0xc1: {  	v26 =	vld [tilespmem:s29+$0x8440];
	v28 =	vadd.f32 v27, v23  }
0xc2: {  	v23 =	vld [tilespmem:s29+$0x450]  }
0xc3: {  	v27 =	vld [tilespmem:s29+$0x8450];
	[tilespmem:s10+$0x10000] =	vst v28;
	s10 =	sor.u32 $0x1C40, s3  }
0xc4: {  	v31 =	vld [tilespmem:s10+$0x0]  }
0xc5: {  	v34 =	vld [tilespmem:s10+$0x8000]  }
0xc6: {  	v28 =	vld [tilespmem:s29+$0x460]  }
0xc7: {  	v32 =	vld [tilespmem:s29+$0x8460]  }
0xc8: {  	v29 =	vld [tilespmem:s29+$0x470]  }
0xc9: {  	v33 =	vld [tilespmem:s29+$0x8470]  }
0xca: {  	v30 =	vld [tilespmem:s29+$0x800];
	v35 =	vadd.f32 v34, v31  }
0xcb: {  	v34 =	vld [tilespmem:s29+$0x8800]  }
0xcc: {  	v31 =	vld [tilespmem:s29+$0x810];
	[tilespmem:s10+$0x10000] =	vst v35;
	s10 =	sor.u32 $0x1C50, s3  }
0xcd: {  	v37 =	vld [tilespmem:s10+$0x0]  }
0xce: {  	v41 =	vld [tilespmem:s10+$0x8000]  }
0xcf: {  	v38 =	vld [tilespmem:s29+$0x8810]  }
0xd0: {  	v35 =	vld [tilespmem:s29+$0x820]  }
0xd1: {  	v39 =	vld [tilespmem:s29+$0x8820]  }
0xd2: {  	v36 =	vld [tilespmem:s29+$0x830]  }
0xd3: {  	v40 =	vld [tilespmem:s29+$0x8830];
	v42 =	vadd.f32 v41, v37  }
0xd4: {  	v37 =	vld [tilespmem:s29+$0x840]  }
0xd5: {  	v41 =	vld [tilespmem:s29+$0x8840];
	[tilespmem:s10+$0x10000] =	vst v42;
	s10 =	sor.u32 $0x1C60, s3  }
0xd6: {  	v45 =	vld [tilespmem:s10+$0x0]  }
0xd7: {  	v46 =	vld [tilespmem:s10+$0x8000]  }
0xd8: {  	v42 =	vld [tilespmem:s29+$0x850]  }
0xd9: {  	v47 =	vld [tilespmem:s29+$0x8850]  }
0xda: {  	v43 =	vld [tilespmem:s29+$0x860]  }
0xdb: {  	v48 =	vld [tilespmem:s29+$0x8860]  }
0xdc: {  	v44 =	vld [tilespmem:s29+$0x870];
	v46 =	vadd.f32 v46, v45  }
0xdd: {  	v49 =	vld [tilespmem:s29+$0x8870]  }
0xde: {  	s3 =	sor.u32 $0x1C70, s3;
	v45 =	vld [tilespmem:s29+$0xC00];
	[tilespmem:s10+$0x10000] =	vst v46  }
0xdf: {  	v46 =	vld [tilespmem:s3+$0x0]  }
0xe0: {  	v50 =	vld [tilespmem:s3+$0x8000]  }
0xe1: {  	v51 =	vld [tilespmem:s29+$0x8C00]  }
0xe2: {  	v52 =	vld [tilespmem:s29+$0xC10]  }
0xe3: {  	v53 =	vld [tilespmem:s29+$0x8C10]  }
0xe4: {  	v54 =	vld [tilespmem:s29+$0xC20]  }
0xe5: {  	v55 =	vld [tilespmem:s29+$0x8C20];
	v46 =	vadd.f32 v50, v46  }
0xe6: {  	v50 =	vld [tilespmem:s29+$0xC30]  }
0xe7: {  	v56 =	vld [tilespmem:s29+$0x8C30];
	[tilespmem:s3+$0x10000] =	vst v46  }
0xe8: {  	v46 =	vld [tilespmem:s29+$0xC40]  }
0xe9: {  	v57 =	vld [tilespmem:s29+$0x8C40]  }
0xea: {  	v58 =	vld [tilespmem:s29+$0xC50]  }
0xeb: {  	v59 =	vld [tilespmem:s29+$0x8C50]  }
0xec: {  	v60 =	vld [tilespmem:s29+$0xC60]  }
0xed: {  	v0 =	vadd.f32 v3, v0;
	v3 =	vld [tilespmem:s29+$0x8C60]  }
0xee: {  	v1 =	vadd.f32 v5, v1;
	v5 =	vld [tilespmem:s29+$0xC70]  }
0xef: {  	[tilespmem:s29+$0x10000] =	vst v0;
	v0 =	vadd.f32 v6, v2;
	v2 =	vld [tilespmem:s29+$0x8C70]  }
0xf0: {  	[tilespmem:s29+$0x10010] =	vst v1;
	v1 =	vadd.f32 v10, v4;
	v4 =	vld [tilespmem:s29+$0x1000]  }
0xf1: {  	[tilespmem:s29+$0x10020] =	vst v0;
	v0 =	vadd.f32 v11, v7;
	v6 =	vld [tilespmem:s29+$0x9000]  }
0xf2: {  	[tilespmem:s29+$0x10030] =	vst v1;
	v1 =	vadd.f32 v12, v8;
	v7 =	vld [tilespmem:s29+$0x1010]  }
0xf3: {  	[tilespmem:s29+$0x10040] =	vst v0;
	v0 =	vadd.f32 v13, v9;
	v8 =	vld [tilespmem:s29+$0x9010]  }
0xf4: {  	[tilespmem:s29+$0x10050] =	vst v1;
	v1 =	vadd.f32 v18, v14;
	v9 =	vld [tilespmem:s29+$0x1020]  }
0xf5: {  	[tilespmem:s29+$0x10060] =	vst v0;
	v0 =	vadd.f32 v19, v15;
	v10 =	vld [tilespmem:s29+$0x9020]  }
0xf6: {  	[tilespmem:s29+$0x10070] =	vst v1;
	v1 =	vadd.f32 v20, v16;
	v11 =	vld [tilespmem:s29+$0x1030]  }
0xf7: {  	[tilespmem:s29+$0x10400] =	vst v0;
	v0 =	vadd.f32 v24, v17;
	v12 =	vld [tilespmem:s29+$0x9030]  }
0xf8: {  	[tilespmem:s29+$0x10410] =	vst v1;
	v1 =	vadd.f32 v25, v21;
	v13 =	vld [tilespmem:s29+$0x1040]  }
0xf9: {  	[tilespmem:s29+$0x10420] =	vst v0;
	v0 =	vadd.f32 v26, v22;
	v14 =	vld [tilespmem:s29+$0x9040]  }
0xfa: {  	[tilespmem:s29+$0x10430] =	vst v1;
	v1 =	vadd.f32 v27, v23;
	v15 =	vld [tilespmem:s29+$0x1050]  }
0xfb: {  	[tilespmem:s29+$0x10440] =	vst v0;
	v0 =	vadd.f32 v32, v28;
	v16 =	vld [tilespmem:s29+$0x9050]  }
0xfc: {  	[tilespmem:s29+$0x10450] =	vst v1;
	v1 =	vadd.f32 v33, v29;
	v17 =	vld [tilespmem:s29+$0x1060]  }
0xfd: {  	[tilespmem:s29+$0x10460] =	vst v0;
	v0 =	vadd.f32 v34, v30;
	v18 =	vld [tilespmem:s29+$0x9060]  }
0xfe: {  	[tilespmem:s29+$0x10470] =	vst v1;
	v1 =	vadd.f32 v38, v31;
	v19 =	vld [tilespmem:s29+$0x1070]  }
0xff: {  	[tilespmem:s29+$0x10800] =	vst v0;
	v0 =	vadd.f32 v39, v35;
	v20 =	vld [tilespmem:s29+$0x9070]  }
0x100: {  	[tilespmem:s29+$0x10810] =	vst v1;
	v1 =	vadd.f32 v40, v36;
	v21 =	vld [tilespmem:s29+$0x1400]  }
0x101: {  	[tilespmem:s29+$0x10820] =	vst v0;
	v0 =	vadd.f32 v41, v37;
	v22 =	vld [tilespmem:s29+$0x9400]  }
0x102: {  	[tilespmem:s29+$0x10830] =	vst v1;
	v1 =	vadd.f32 v47, v42;
	v23 =	vld [tilespmem:s29+$0x1410]  }
0x103: {  	[tilespmem:s29+$0x10840] =	vst v0;
	v0 =	vadd.f32 v48, v43;
	v24 =	vld [tilespmem:s29+$0x9410]  }
0x104: {  	[tilespmem:s29+$0x10850] =	vst v1;
	v1 =	vadd.f32 v49, v44;
	v25 =	vld [tilespmem:s29+$0x1420]  }
0x105: {  	[tilespmem:s29+$0x10860] =	vst v0;
	v0 =	vadd.f32 v51, v45;
	v26 =	vld [tilespmem:s29+$0x9420]  }
0x106: {  	[tilespmem:s29+$0x10870] =	vst v1;
	v1 =	vadd.f32 v53, v52;
	v27 =	vld [tilespmem:s29+$0x1430]  }
0x107: {  	[tilespmem:s29+$0x10C00] =	vst v0;
	v0 =	vadd.f32 v55, v54;
	v28 =	vld [tilespmem:s29+$0x9430]  }
0x108: {  	[tilespmem:s29+$0x10C10] =	vst v1;
	v1 =	vadd.f32 v56, v50;
	v29 =	vld [tilespmem:s29+$0x1440]  }
0x109: {  	[tilespmem:s29+$0x10C20] =	vst v0;
	v0 =	vadd.f32 v57, v46;
	v30 =	vld [tilespmem:s29+$0x9440]  }
0x10a: {  	[tilespmem:s29+$0x10C30] =	vst v1;
	v1 =	vadd.f32 v59, v58;
	v31 =	vld [tilespmem:s29+$0x1450]  }
0x10b: {  	[tilespmem:s29+$0x10C40] =	vst v0;
	v0 =	vadd.f32 v3, v60;
	v3 =	vld [tilespmem:s29+$0x9450]  }
0x10c: {  	[tilespmem:s29+$0x10C50] =	vst v1;
	v1 =	vadd.f32 v2, v5;
	v2 =	vld [tilespmem:s29+$0x1460]  }
0x10d: {  	[tilespmem:s29+$0x10C60] =	vst v0;
	v0 =	vadd.f32 v6, v4;
	v4 =	vld [tilespmem:s29+$0x9460]  }
0x10e: {  	[tilespmem:s29+$0x10C70] =	vst v1;
	v1 =	vadd.f32 v8, v7;
	v5 =	vld [tilespmem:s29+$0x1470]  }
0x10f: {  	[tilespmem:s29+$0x11000] =	vst v0;
	v0 =	vadd.f32 v10, v9;
	v6 =	vld [tilespmem:s29+$0x9470]  }
0x110: {  	[tilespmem:s29+$0x11010] =	vst v1;
	v1 =	vadd.f32 v12, v11;
	v7 =	vld [tilespmem:s29+$0x1800]  }
0x111: {  	[tilespmem:s29+$0x11020] =	vst v0;
	v0 =	vadd.f32 v14, v13;
	v8 =	vld [tilespmem:s29+$0x9800]  }
0x112: {  	[tilespmem:s29+$0x11030] =	vst v1;
	v1 =	vadd.f32 v16, v15;
	v9 =	vld [tilespmem:s29+$0x1810]  }
0x113: {  	[tilespmem:s29+$0x11040] =	vst v0;
	v0 =	vadd.f32 v18, v17;
	v10 =	vld [tilespmem:s29+$0x9810]  }
0x114: {  	[tilespmem:s29+$0x11050] =	vst v1;
	v1 =	vadd.f32 v20, v19;
	v11 =	vld [tilespmem:s29+$0x1820]  }
0x115: {  	[tilespmem:s29+$0x11060] =	vst v0;
	v0 =	vadd.f32 v22, v21;
	v12 =	vld [tilespmem:s29+$0x9820]  }
0x116: {  	[tilespmem:s29+$0x11070] =	vst v1;
	v1 =	vadd.f32 v24, v23;
	v13 =	vld [tilespmem:s29+$0x1830]  }
0x117: {  	[tilespmem:s29+$0x11400] =	vst v0;
	v0 =	vadd.f32 v26, v25;
	v14 =	vld [tilespmem:s29+$0x9830]  }
0x118: {  	[tilespmem:s29+$0x11410] =	vst v1;
	v1 =	vadd.f32 v28, v27;
	v15 =	vld [tilespmem:s29+$0x1840]  }
0x119: {  	[tilespmem:s29+$0x11420] =	vst v0;
	v0 =	vadd.f32 v30, v29;
	v16 =	vld [tilespmem:s29+$0x9840]  }
0x11a: {  	[tilespmem:s29+$0x11430] =	vst v1;
	v1 =	vadd.f32 v3, v31;
	v3 =	vld [tilespmem:s29+$0x1850]  }
0x11b: {  	[tilespmem:s29+$0x11440] =	vst v0;
	v0 =	vadd.f32 v4, v2;
	v2 =	vld [tilespmem:s29+$0x9850]  }
0x11c: {  	[tilespmem:s29+$0x11450] =	vst v1;
	v1 =	vadd.f32 v6, v5;
	v4 =	vld [tilespmem:s29+$0x1860]  }
0x11d: {  	[tilespmem:s29+$0x11460] =	vst v0;
	v0 =	vadd.f32 v8, v7;
	v5 =	vld [tilespmem:s29+$0x9860]  }
0x11e: {  	[tilespmem:s29+$0x11470] =	vst v1;
	v1 =	vadd.f32 v10, v9;
	v6 =	vld [tilespmem:s29+$0x1870]  }
0x11f: {  	[tilespmem:s29+$0x11800] =	vst v0;
	v0 =	vadd.f32 v12, v11;
	v7 =	vld [tilespmem:s29+$0x9870]  }
.Ltmp2:
0x120: {  	[tilespmem:s29+$0x11810] =	vst v1;
	v1 =	vadd.f32 v14, v13;
	(pc) =	sbr.rel @p1 .LBB2_3-.Ltmp2, $4  }
0x121: {  	[tilespmem:s29+$0x11820] =	vst v0;
	v0 =	vadd.f32 v16, v15  }
0x122: {  	s0 =	sadd.s32 $0x1, s0;
	[tilespmem:s29+$0x11830] =	vst v1;
	v1 =	vadd.f32 v2, v3  }
0x123: {  	s3 =	sand.u32 $0x7, s0;
	[tilespmem:s29+$0x11840] =	vst v0;
	v0 =	vadd.f32 v5, v4  }
0x124: {  	s28 =	sadd.s32 $0x400, s28;
	s31 =	sadd.s32 $0x80, s31;
	s3 =	sshll.u32 s3, $0x7;
	[tilespmem:s29+$0x11850] =	vst v1;
	v1 =	vadd.f32 v7, v6  }
0x125: {  	s0 =	sadd.s32 s3, s28;
	[tilespmem:s29+$0x11860] =	vst v0  }
0x126: {  	[tilespmem:s29+$0x11870] =	vst v1;
	s3 =	sor.u32 $0x1C00, s0  }
0x127: {  	v0 =	vld [tilespmem:s3+$0x0]  }
0x128: {  	v1 =	vld [tilespmem:s3+$0x8000];
	_ =	sdelay $0x4  }
0x129: {  	v0 =	vadd.f32 v1, v0;
	_ =	sdelay $0x1  }
0x12a: {  	s13 =	sor.u32 $0x1C10, s0;
	[tilespmem:s3+$0x10000] =	vst v0  }
0x12b: {  	v0 =	vld [tilespmem:s13+$0x0]  }
0x12c: {  	v1 =	vld [tilespmem:s13+$0x8000];
	_ =	sdelay $0x4  }
0x12d: {  	v0 =	vadd.f32 v1, v0;
	_ =	sdelay $0x1  }
0x12e: {  	s10 =	sor.u32 $0x1C20, s0;
	[tilespmem:s13+$0x10000] =	vst v0  }
0x12f: {  	v0 =	vld [tilespmem:s10+$0x0]  }
0x130: {  	v1 =	vld [tilespmem:s10+$0x8000];
	_ =	sdelay $0x4  }
0x131: {  	v0 =	vadd.f32 v1, v0;
	_ =	sdelay $0x1  }
0x132: {  	s12 =	sor.u32 $0x1C30, s0;
	[tilespmem:s10+$0x10000] =	vst v0  }
0x133: {  	v0 =	vld [tilespmem:s12+$0x0]  }
0x134: {  	v1 =	vld [tilespmem:s12+$0x8000];
	_ =	sdelay $0x4  }
0x135: {  	v0 =	vadd.f32 v1, v0;
	_ =	sdelay $0x1  }
0x136: {  	s13 =	sor.u32 $0x1C40, s0;
	[tilespmem:s12+$0x10000] =	vst v0  }
0x137: {  	v0 =	vld [tilespmem:s13+$0x0]  }
0x138: {  	v1 =	vld [tilespmem:s13+$0x8000];
	_ =	sdelay $0x4  }
0x139: {  	v0 =	vadd.f32 v1, v0;
	_ =	sdelay $0x1  }
0x13a: {  	s10 =	sor.u32 $0x1C50, s0;
	[tilespmem:s13+$0x10000] =	vst v0  }
0x13b: {  	v0 =	vld [tilespmem:s10+$0x0]  }
0x13c: {  	v1 =	vld [tilespmem:s10+$0x8000];
	_ =	sdelay $0x4  }
0x13d: {  	v0 =	vadd.f32 v1, v0;
	_ =	sdelay $0x1  }
0x13e: {  	s12 =	sor.u32 $0x1C60, s0;
	[tilespmem:s10+$0x10000] =	vst v0  }
0x13f: {  	v0 =	vld [tilespmem:s12+$0x0]  }
0x140: {  	v1 =	vld [tilespmem:s12+$0x8000];
	_ =	sdelay $0x4  }
0x141: {  	v0 =	vadd.f32 v1, v0;
	_ =	sdelay $0x1  }
0x142: {  	s0 =	sor.u32 $0x1C70, s0;
	[tilespmem:s12+$0x10000] =	vst v0  }
0x143: {  	v0 =	vld [tilespmem:s0+$0x0]  }
0x144: {  	v1 =	vld [tilespmem:s0+$0x8000];
	_ =	sdelay $0x2  }
0x145: {  	s13 =	sshll.u32 s25, $0x15;
	s10 =	sshll.u32 s25, $0xA  }
0x146: {  	s3 =	sand.u32 $0x200000, s13;
	s10 =	sand.u32 $0x7800, s10  }
0x147: {  	s3 =	sor.u32 s10, s3;
	v0 =	vadd.f32 v1, v0  }
0x148: {  	p1 =	seq.s32 s25, $0x1F;
	s28 =	sor.u32 s6, s3  }
0x149: {  	s3 =	sadd.s32 s4, s28;
	[tilespmem:s0+$0x10000] =	vst v0;
	s0 =	sadd.s32 @!p1 $0x2, s26  }
0x14a: {  	[hbm4b:s3+s5] =	stream.linear.scatter [tilespmem:s18], [sflag:$0x5], $0x4000, $0x38;
	[tilespmem:$0x18000] =	vst v63  }
0x14b: {  	s3 =	sshll.u32 @!p1 s0, $0xC  }
0x14c: {  	s0 =	sshll.u32 @!p1 s0, $0x17;
	s3 =	sand.u32 @!p1 $0x7C000, s3  }
0x14d: {  	s0 =	sand.u32 @!p1 $0x1000000, s0;
	s3 =	sadd.s32 @!p1 s7, s3  }
0x14e: {  	s0 =	sor.u32 @!p1 s0, s3  }
0x14f: {  	s0 =	sshrl.u32 @!p1 s0, $0x3  }
0x150: {  	s10 =	simm.s32 @!p1 $0x0;
	s0 =	sadd.s32 @!p1 s1, s0  }
0x151: {  	[tilespmem:s10], [sflag:$0x1] =	stream.linear.gather @!p1 [hbm4b:s0+s10], $0x4000, $0x38;
	[tilespmem:$0x18000] =	vst v63  }
0x152: {  	s0 =	sshrl.u32 @!p1 s3, $0x3  }
0x153: {  	s3 =	simm.s32 @!p1 $0x8000;
	s0 =	sadd.s32 @!p1 s2, s0  }
0x154: {  	[tilespmem:s3], [sflag:$0x3] =	stream.linear.gather @!p1 [hbm4b:s0+s10], $0x4000, $0x38;
	[tilespmem:$0x18000] =	vst v63  }
0x155: {  	_ =	swait.ge [sflag:s19], $0x4000  }
0x156: {  	[sflag:s19] =	ssyncset.done $0x0  }
0x157: {  	[sflag:s19] =	ssyncadd.s32 $0xFFFFC000  }
0x158: {  	_ =	swait.ge [sflag:s20], $0x4000  }
0x159: {  	[sflag:s20] =	ssyncset.done $0x0  }
0x15a: {  	s0 =	simm.s32 @!p0 $0x6;
	[sflag:s20] =	ssyncadd.s32 $0xFFFFC000  }
0x15b: {  	s29 =	simm.s32 $0x0;
	s10 =	simm.s32 $0x0;
	_ =	swait.ge @!p0 [sflag:s0], $0x4000  }
0x15c: {  	s12 =	sand.u32 $0x380, s29;
	s3 =	sand.u32 $0x2000, s10;
	[sflag:s0] =	ssyncset.done @!p0 $0x0  }
0x15d: {  	s30 =	sor.u32 s12, s3;
	[sflag:s0] =	ssyncadd.s32 @!p0 $0xFFFFC000  }
0x15e: {  	v0 =	vld [tilespmem:s30+$0x4000]  }
0x15f: {  	v1 =	vld [tilespmem:s30+$0xC000]  }
0x160: {  	v2 =	vld [tilespmem:s30+$0x4010]  }
0x161: {  	v3 =	vld [tilespmem:s30+$0xC010]  }
0x162: {  	v4 =	vld [tilespmem:s30+$0x4020]  }
0x163: {  	v5 =	vld [tilespmem:s30+$0xC020]  }
0x164: {  	v6 =	vld [tilespmem:s30+$0x4030]  }
0x165: {  	v7 =	vld [tilespmem:s30+$0xC030]  }
0x166: {  	v8 =	vld [tilespmem:s30+$0x4040]  }
0x167: {  	v9 =	vld [tilespmem:s30+$0xC040]  }
0x168: {  	v10 =	vld [tilespmem:s30+$0x4050]  }
0x169: {  	v11 =	vld [tilespmem:s30+$0xC050]  }
0x16a: {  	v12 =	vld [tilespmem:s30+$0x4060]  }
0x16b: {  	v13 =	vld [tilespmem:s30+$0xC060]  }
0x16c: {  	v14 =	vld [tilespmem:s30+$0x4070]  }
0x16d: {  	v15 =	vld [tilespmem:s30+$0xC070]  }
0x16e: {  	v16 =	vld [tilespmem:s30+$0x4400]  }
0x16f: {  	v17 =	vld [tilespmem:s30+$0xC400]  }
0x170: {  	v18 =	vld [tilespmem:s30+$0x4410]  }
0x171: {  	v19 =	vld [tilespmem:s30+$0xC410]  }
0x172: {  	v20 =	vld [tilespmem:s30+$0x4420]  }
0x173: {  	v21 =	vld [tilespmem:s30+$0xC420]  }
0x174: {  	v22 =	vld [tilespmem:s30+$0x4430]  }
0x175: {  	v23 =	vld [tilespmem:s30+$0xC430]  }
0x176: {  	v24 =	vld [tilespmem:s30+$0x4440]  }
0x177: {  	v25 =	vld [tilespmem:s30+$0xC440]  }
0x178: {  	v26 =	vld [tilespmem:s30+$0x4450]  }
0x179: {  	v27 =	vld [tilespmem:s30+$0xC450]  }
0x17a: {  	v28 =	vld [tilespmem:s30+$0x4460]  }
0x17b: {  	v29 =	vld [tilespmem:s30+$0xC460]  }
0x17c: {  	v30 =	vld [tilespmem:s30+$0x4470]  }
0x17d: {  	v31 =	vld [tilespmem:s30+$0xC470]  }
0x17e: {  	v32 =	vld [tilespmem:s30+$0x4800]  }
0x17f: {  	v33 =	vld [tilespmem:s30+$0xC800]  }
0x180: {  	v34 =	vld [tilespmem:s30+$0x4810]  }
0x181: {  	v35 =	vld [tilespmem:s30+$0xC810]  }
0x182: {  	v36 =	vld [tilespmem:s30+$0x4820]  }
0x183: {  	v37 =	vld [tilespmem:s30+$0xC820]  }
0x184: {  	v38 =	vld [tilespmem:s30+$0x4830]  }
0x185: {  	v39 =	vld [tilespmem:s30+$0xC830]  }
0x186: {  	v40 =	vld [tilespmem:s30+$0x4840]  }
0x187: {  	v41 =	vld [tilespmem:s30+$0xC840]  }
0x188: {  	v42 =	vld [tilespmem:s30+$0x4850]  }
0x189: {  	v43 =	vld [tilespmem:s30+$0xC850]  }
0x18a: {  	v44 =	vld [tilespmem:s30+$0x4860]  }
0x18b: {  	v45 =	vld [tilespmem:s30+$0xC860]  }
0x18c: {  	v46 =	vld [tilespmem:s30+$0x4870]  }
0x18d: {  	v47 =	vld [tilespmem:s30+$0xC870]  }
0x18e: {  	v48 =	vld [tilespmem:s30+$0x4C00]  }
0x18f: {  	v49 =	vld [tilespmem:s30+$0xCC00]  }
0x190: {  	v50 =	vld [tilespmem:s30+$0x4C10]  }
0x191: {  	v51 =	vld [tilespmem:s30+$0xCC10]  }
0x192: {  	v52 =	vld [tilespmem:s30+$0x4C20]  }
0x193: {  	v53 =	vld [tilespmem:s30+$0xCC20]  }
0x194: {  	v54 =	vld [tilespmem:s30+$0x4C30]  }
0x195: {  	v55 =	vld [tilespmem:s30+$0xCC30]  }
0x196: {  	v56 =	vld [tilespmem:s30+$0x4C40]  }
0x197: {  	v57 =	vld [tilespmem:s30+$0xCC40]  }
0x198: {  	v58 =	vld [tilespmem:s30+$0x4C50]  }
0x199: {  	v59 =	vld [tilespmem:s30+$0xCC50]  }
0x19a: {  	v60 =	vld [tilespmem:s30+$0x4C60]  }
0x19b: {  	v61 =	vld [tilespmem:s30+$0x4C70];
	v0 =	vadd.f32 v1, v0  }
0x19c: {  	v1 =	vld [tilespmem:s30+$0xCC60];
	v2 =	vadd.f32 v3, v2  }
0x19d: {  	v3 =	vadd.f32 v5, v4;
	v4 =	vld [tilespmem:s30+$0x5010];
	[tilespmem:s30+$0x14000] =	vst v0  }
0x19e: {  	v63 =	vadd.f32 v7, v6;
	v5 =	vld [tilespmem:s30+$0xD010];
	[tilespmem:s30+$0x14010] =	vst v2  }
0x19f: {  	v9 =	vadd.f32 v9, v8;
	v6 =	vld [tilespmem:s30+$0x5020];
	[tilespmem:s30+$0x14020] =	vst v3  }
0x1a0: {  	v11 =	vadd.f32 v11, v10;
	v7 =	vld [tilespmem:s30+$0xD020];
	[tilespmem:s30+$0x14030] =	vst v63  }
0x1a1: {  	v13 =	vadd.f32 v13, v12;
	v8 =	vld [tilespmem:s30+$0x5030];
	[tilespmem:s30+$0x14040] =	vst v9  }
0x1a2: {  	v15 =	vadd.f32 v15, v14;
	v10 =	vld [tilespmem:s30+$0x5040];
	[tilespmem:s30+$0x14050] =	vst v11  }
0x1a3: {  	v17 =	vadd.f32 v17, v16;
	v12 =	vld [tilespmem:s30+$0x5050];
	[tilespmem:s30+$0x14060] =	vst v13  }
0x1a4: {  	v19 =	vadd.f32 v19, v18;
	v14 =	vld [tilespmem:s30+$0x5060];
	[tilespmem:s30+$0x14070] =	vst v15  }
0x1a5: {  	v21 =	vadd.f32 v21, v20;
	v16 =	vld [tilespmem:s30+$0x5070];
	[tilespmem:s30+$0x14400] =	vst v17  }
0x1a6: {  	v23 =	vadd.f32 v23, v22;
	v18 =	vld [tilespmem:s30+$0x5400];
	[tilespmem:s30+$0x14410] =	vst v19  }
0x1a7: {  	v25 =	vadd.f32 v25, v24;
	v20 =	vld [tilespmem:s30+$0x5410];
	[tilespmem:s30+$0x14420] =	vst v21  }
0x1a8: {  	v27 =	vadd.f32 v27, v26;
	v22 =	vld [tilespmem:s30+$0x5420];
	[tilespmem:s30+$0x14430] =	vst v23  }
0x1a9: {  	v29 =	vadd.f32 v29, v28;
	v24 =	vld [tilespmem:s30+$0x5430];
	[tilespmem:s30+$0x14440] =	vst v25  }
0x1aa: {  	v31 =	vadd.f32 v31, v30;
	v26 =	vld [tilespmem:s30+$0x5440];
	[tilespmem:s30+$0x14450] =	vst v27  }
0x1ab: {  	v33 =	vadd.f32 v33, v32;
	v35 =	vadd.f32 v35, v34;
	v34 =	vld [tilespmem:s30+$0x5450];
	[tilespmem:s30+$0x14460] =	vst v29  }
0x1ac: {  	v37 =	vadd.f32 v37, v36;
	v36 =	vld [tilespmem:s30+$0xD450];
	[tilespmem:s30+$0x14470] =	vst v31  }
0x1ad: {  	v41 =	vadd.f32 v41, v40;
	v40 =	vld [tilespmem:s30+$0xD800];
	[tilespmem:s30+$0x14800] =	vst v33  }
0x1ae: {  	v39 =	vadd.f32 v39, v38;
	v43 =	vadd.f32 v43, v42;
	v42 =	vld [tilespmem:s30+$0x5810];
	[tilespmem:s30+$0x14810] =	vst v35  }
0x1af: {  	v45 =	vadd.f32 v45, v44;
	v44 =	vld [tilespmem:s30+$0xD810];
	[tilespmem:s30+$0x14820] =	vst v37  }
0x1b0: {  	v47 =	vadd.f32 v47, v46;
	v46 =	vld [tilespmem:s30+$0x5820];
	[tilespmem:s30+$0x14830] =	vst v39  }
0x1b1: {  	v49 =	vadd.f32 v49, v48;
	v48 =	vld [tilespmem:s30+$0xD820];
	[tilespmem:s30+$0x14840] =	vst v41  }
0x1b2: {  	v51 =	vadd.f32 v51, v50;
	v50 =	vld [tilespmem:s30+$0x5830];
	[tilespmem:s30+$0x14850] =	vst v43  }
0x1b3: {  	v53 =	vadd.f32 v53, v52;
	v52 =	vld [tilespmem:s30+$0xD830];
	[tilespmem:s30+$0x14860] =	vst v45  }
0x1b4: {  	v0 =	vld [tilespmem:s30+$0xCC70];
	[tilespmem:s30+$0x14870] =	vst v47  }
0x1b5: {  	v2 =	vld [tilespmem:s30+$0x5000];
	[tilespmem:s30+$0x14C00] =	vst v49  }
0x1b6: {  	v62 =	vadd.f32 v55, v54;
	v3 =	vld [tilespmem:s30+$0xD000];
	[tilespmem:s30+$0x14C10] =	vst v51  }
0x1b7: {  	v9 =	vld [tilespmem:s30+$0xD030];
	[tilespmem:s30+$0x14C20] =	vst v53;
	v33 =	vadd.f32 v57, v56  }
0x1b8: {  	v11 =	vld [tilespmem:s30+$0xD040];
	[tilespmem:s30+$0x14C30] =	vst v62;
	v35 =	vadd.f32 v59, v58  }
0x1b9: {  	v13 =	vld [tilespmem:s30+$0xD050];
	[tilespmem:s30+$0x14C40] =	vst v33;
	v1 =	vadd.f32 v1, v60  }
0x1ba: {  	v15 =	vld [tilespmem:s30+$0xD060];
	[tilespmem:s30+$0x14C50] =	vst v35;
	v38 =	vadd.f32 v7, v6  }
0x1bb: {  	v17 =	vld [tilespmem:s30+$0xD070];
	v59 =	vadd.f32 v36, v34;
	[tilespmem:s30+$0x14C60] =	vst v1  }
0x1bc: {  	v19 =	vld [tilespmem:s30+$0xD400];
	v0 =	vadd.f32 v0, v61;
	[tilespmem:s30+$0x15020] =	vst v38  }
0x1bd: {  	v21 =	vld [tilespmem:s30+$0xD410];
	v2 =	vadd.f32 v3, v2;
	[tilespmem:s30+$0x15450] =	vst v59  }
0x1be: {  	v23 =	vld [tilespmem:s30+$0xD420];
	v3 =	vadd.f32 v5, v4;
	[tilespmem:s30+$0x14C70] =	vst v0  }
0x1bf: {  	v25 =	vld [tilespmem:s30+$0xD430];
	v39 =	vadd.f32 v9, v8;
	[tilespmem:s30+$0x15000] =	vst v2  }
0x1c0: {  	v63 =	vld [tilespmem:s30+$0xD440];
	v41 =	vadd.f32 v11, v10;
	[tilespmem:s30+$0x15010] =	vst v3  }
0x1c1: {  	v37 =	vld [tilespmem:s30+$0x5460];
	v43 =	vadd.f32 v13, v12;
	[tilespmem:s30+$0x15030] =	vst v39  }
0x1c2: {  	v58 =	vld [tilespmem:s30+$0x5850];
	v45 =	vadd.f32 v15, v14;
	[tilespmem:s30+$0x15040] =	vst v41  }
0x1c3: {  	v60 =	vld [tilespmem:s30+$0xD850];
	v47 =	vadd.f32 v17, v16;
	[tilespmem:s30+$0x15050] =	vst v43  }
0x1c4: {  	v1 =	vld [tilespmem:s30+$0xD460];
	v49 =	vadd.f32 v19, v18;
	[tilespmem:s30+$0x15060] =	vst v45  }
0x1c5: {  	v51 =	vadd.f32 v21, v20;
	v0 =	vld [tilespmem:s30+$0x5470];
	[tilespmem:s30+$0x15070] =	vst v47  }
0x1c6: {  	v53 =	vadd.f32 v23, v22;
	v2 =	vld [tilespmem:s30+$0xD470];
	[tilespmem:s30+$0x15400] =	vst v49  }
0x1c7: {  	v55 =	vadd.f32 v25, v24;
	v3 =	vld [tilespmem:s30+$0x5800];
	[tilespmem:s30+$0x15410] =	vst v51  }
0x1c8: {  	v54 =	vld [tilespmem:s30+$0x5840];
	v57 =	vadd.f32 v63, v26;
	[tilespmem:s30+$0x15420] =	vst v53  }
0x1c9: {  	v56 =	vld [tilespmem:s30+$0xD840];
	[tilespmem:s30+$0x15430] =	vst v55;
	v63 =	vadd.f32 v60, v58  }
0x1ca: {  	v62 =	vld [tilespmem:s30+$0xD870];
	[tilespmem:s30+$0x15440] =	vst v57;
	v1 =	vadd.f32 v1, v37  }
0x1cb: {  	v61 =	vld [tilespmem:s30+$0x5860];
	[tilespmem:s30+$0x15850] =	vst v63;
	v0 =	vadd.f32 v2, v0  }
0x1cc: {  	[tilespmem:s30+$0x15460] =	vst v1;
	v1 =	vld [tilespmem:s30+$0xD860];
	v2 =	vadd.f32 v40, v3  }
0x1cd: {  	v3 =	vld [tilespmem:s30+$0x5870];
	[tilespmem:s30+$0x15470] =	vst v0;
	v0 =	vadd.f32 v44, v42  }
0x1ce: {  	[tilespmem:s30+$0x15800] =	vst v2;
	v2 =	vadd.f32 v48, v46  }
0x1cf: {  	[tilespmem:s30+$0x15810] =	vst v0;
	v0 =	vadd.f32 v52, v50  }
0x1d0: {  	[tilespmem:s30+$0x15820] =	vst v2;
	v2 =	vadd.f32 v56, v54  }
0x1d1: {  	s31 =	simm.s32 $0xFFFFC000;
	s13 =	sand.u32 $0x7, s29;
	[tilespmem:s30+$0x15830] =	vst v0;
	v0 =	vadd.f32 v1, v61  }
0x1d2: {  	s13 =	sshll.u32 s13, $0x7;
	s3 =	simm.s32 $0x0;
	s0 =	simm.s32 $0x80;
	[tilespmem:s30+$0x15840] =	vst v2;
	v1 =	vadd.f32 v62, v3  }
.LBB2_5:
0x1d3: {  	p0 =	sne.s32 s0, $0x780;
	s13 =	sadd.s32 s13, s29;
	[tilespmem:s30+$0x15860] =	vst v0;
	s31 =	sadd.s32 $0x400, s31  }
0x1d4: {  	s10 =	sadd.s32 $0x4000, s31;
	[tilespmem:s30+$0x15870] =	vst v1;
	s12 =	sor.u32 $0x1C00, s13  }
0x1d5: {  	s30 =	sand.u32 $0x380, s0;
	s10 =	sand.u32 $0x2000, s10;
	v4 =	vld [tilespmem:s12+$0x4000]  }
0x1d6: {  	s30 =	sor.u32 s30, s10;
	v6 =	vld [tilespmem:s12+$0xC000]  }
0x1d7: {  	v0 =	vld [tilespmem:s30+$0x4000]  }
0x1d8: {  	v3 =	vld [tilespmem:s30+$0xC000]  }
0x1d9: {  	v1 =	vld [tilespmem:s30+$0x4010]  }
0x1da: {  	v5 =	vld [tilespmem:s30+$0xC010]  }
0x1db: {  	v2 =	vld [tilespmem:s30+$0x4020];
	v7 =	vadd.f32 v6, v4  }
0x1dc: {  	v6 =	vld [tilespmem:s30+$0xC020]  }
0x1dd: {  	s10 =	sor.u32 $0x1C10, s13;
	v4 =	vld [tilespmem:s30+$0x4030];
	[tilespmem:s12+$0x14000] =	vst v7  }
0x1de: {  	v9 =	vld [tilespmem:s10+$0x4000]  }
0x1df: {  	v13 =	vld [tilespmem:s10+$0xC000]  }
0x1e0: {  	v10 =	vld [tilespmem:s30+$0xC030]  }
0x1e1: {  	v7 =	vld [tilespmem:s30+$0x4040]  }
0x1e2: {  	v11 =	vld [tilespmem:s30+$0xC040]  }
0x1e3: {  	v8 =	vld [tilespmem:s30+$0x4050]  }
0x1e4: {  	v12 =	vld [tilespmem:s30+$0xC050];
	v14 =	vadd.f32 v13, v9  }
0x1e5: {  	v9 =	vld [tilespmem:s30+$0x4060]  }
0x1e6: {  	v13 =	vld [tilespmem:s30+$0xC060];
	[tilespmem:s10+$0x14000] =	vst v14;
	s10 =	sor.u32 $0x1C20, s13  }
0x1e7: {  	v17 =	vld [tilespmem:s10+$0x4000]  }
0x1e8: {  	v20 =	vld [tilespmem:s10+$0xC000]  }
0x1e9: {  	v14 =	vld [tilespmem:s30+$0x4070]  }
0x1ea: {  	v18 =	vld [tilespmem:s30+$0xC070]  }
0x1eb: {  	v15 =	vld [tilespmem:s30+$0x4400]  }
0x1ec: {  	v19 =	vld [tilespmem:s30+$0xC400]  }
0x1ed: {  	v16 =	vld [tilespmem:s30+$0x4410];
	v21 =	vadd.f32 v20, v17  }
0x1ee: {  	v20 =	vld [tilespmem:s30+$0xC410]  }
0x1ef: {  	v17 =	vld [tilespmem:s30+$0x4420];
	[tilespmem:s10+$0x14000] =	vst v21;
	s10 =	sor.u32 $0x1C30, s13  }
0x1f0: {  	v23 =	vld [tilespmem:s10+$0x4000]  }
0x1f1: {  	v27 =	vld [tilespmem:s10+$0xC000]  }
0x1f2: {  	v24 =	vld [tilespmem:s30+$0xC420]  }
0x1f3: {  	v21 =	vld [tilespmem:s30+$0x4430]  }
0x1f4: {  	v25 =	vld [tilespmem:s30+$0xC430]  }
0x1f5: {  	v22 =	vld [tilespmem:s30+$0x4440]  }
0x1f6: {  	v26 =	vld [tilespmem:s30+$0xC440];
	v28 =	vadd.f32 v27, v23  }
0x1f7: {  	v23 =	vld [tilespmem:s30+$0x4450]  }
0x1f8: {  	v27 =	vld [tilespmem:s30+$0xC450];
	[tilespmem:s10+$0x14000] =	vst v28;
	s10 =	sor.u32 $0x1C40, s13  }
0x1f9: {  	v31 =	vld [tilespmem:s10+$0x4000]  }
0x1fa: {  	v34 =	vld [tilespmem:s10+$0xC000]  }
0x1fb: {  	v28 =	vld [tilespmem:s30+$0x4460]  }
0x1fc: {  	v32 =	vld [tilespmem:s30+$0xC460]  }
0x1fd: {  	v29 =	vld [tilespmem:s30+$0x4470]  }
0x1fe: {  	v33 =	vld [tilespmem:s30+$0xC470]  }
0x1ff: {  	v30 =	vld [tilespmem:s30+$0x4800];
	v35 =	vadd.f32 v34, v31  }
0x200: {  	v34 =	vld [tilespmem:s30+$0xC800]  }
0x201: {  	v31 =	vld [tilespmem:s30+$0x4810];
	[tilespmem:s10+$0x14000] =	vst v35;
	s10 =	sor.u32 $0x1C50, s13  }
0x202: {  	v37 =	vld [tilespmem:s10+$0x4000]  }
0x203: {  	v41 =	vld [tilespmem:s10+$0xC000]  }
0x204: {  	v38 =	vld [tilespmem:s30+$0xC810]  }
0x205: {  	v35 =	vld [tilespmem:s30+$0x4820]  }
0x206: {  	v39 =	vld [tilespmem:s30+$0xC820]  }
0x207: {  	v36 =	vld [tilespmem:s30+$0x4830]  }
0x208: {  	v40 =	vld [tilespmem:s30+$0xC830];
	v42 =	vadd.f32 v41, v37  }
0x209: {  	v37 =	vld [tilespmem:s30+$0x4840]  }
0x20a: {  	v41 =	vld [tilespmem:s30+$0xC840];
	[tilespmem:s10+$0x14000] =	vst v42;
	s10 =	sor.u32 $0x1C60, s13  }
0x20b: {  	v45 =	vld [tilespmem:s10+$0x4000]  }
0x20c: {  	v46 =	vld [tilespmem:s10+$0xC000]  }
0x20d: {  	v42 =	vld [tilespmem:s30+$0x4850]  }
0x20e: {  	v47 =	vld [tilespmem:s30+$0xC850]  }
0x20f: {  	v43 =	vld [tilespmem:s30+$0x4860]  }
0x210: {  	v48 =	vld [tilespmem:s30+$0xC860]  }
0x211: {  	v44 =	vld [tilespmem:s30+$0x4870];
	v46 =	vadd.f32 v46, v45  }
0x212: {  	v49 =	vld [tilespmem:s30+$0xC870]  }
0x213: {  	v45 =	vld [tilespmem:s30+$0x4C00];
	[tilespmem:s10+$0x14000] =	vst v46;
	s10 =	sor.u32 $0x1C70, s13  }
0x214: {  	v46 =	vld [tilespmem:s10+$0x4000]  }
0x215: {  	v50 =	vld [tilespmem:s10+$0xC000]  }
0x216: {  	v51 =	vld [tilespmem:s30+$0xCC00]  }
0x217: {  	v52 =	vld [tilespmem:s30+$0x4C10]  }
0x218: {  	v53 =	vld [tilespmem:s30+$0xCC10]  }
0x219: {  	v54 =	vld [tilespmem:s30+$0x4C20]  }
0x21a: {  	v55 =	vld [tilespmem:s30+$0xCC20];
	v46 =	vadd.f32 v50, v46  }
0x21b: {  	v50 =	vld [tilespmem:s30+$0x4C30]  }
0x21c: {  	v56 =	vld [tilespmem:s30+$0xCC30];
	[tilespmem:s10+$0x14000] =	vst v46  }
0x21d: {  	v46 =	vld [tilespmem:s30+$0x4C40]  }
0x21e: {  	v57 =	vld [tilespmem:s30+$0xCC40]  }
0x21f: {  	v58 =	vld [tilespmem:s30+$0x4C50]  }
0x220: {  	v59 =	vld [tilespmem:s30+$0xCC50]  }
0x221: {  	v60 =	vld [tilespmem:s30+$0x4C60]  }
0x222: {  	v0 =	vadd.f32 v3, v0;
	v3 =	vld [tilespmem:s30+$0xCC60]  }
0x223: {  	v1 =	vadd.f32 v5, v1;
	v5 =	vld [tilespmem:s30+$0x4C70]  }
0x224: {  	[tilespmem:s30+$0x14000] =	vst v0;
	v0 =	vadd.f32 v6, v2;
	v2 =	vld [tilespmem:s30+$0xCC70]  }
0x225: {  	[tilespmem:s30+$0x14010] =	vst v1;
	v1 =	vadd.f32 v10, v4;
	v4 =	vld [tilespmem:s30+$0x5000]  }
0x226: {  	[tilespmem:s30+$0x14020] =	vst v0;
	v0 =	vadd.f32 v11, v7;
	v6 =	vld [tilespmem:s30+$0xD000]  }
0x227: {  	[tilespmem:s30+$0x14030] =	vst v1;
	v1 =	vadd.f32 v12, v8;
	v7 =	vld [tilespmem:s30+$0x5010]  }
0x228: {  	[tilespmem:s30+$0x14040] =	vst v0;
	v0 =	vadd.f32 v13, v9;
	v8 =	vld [tilespmem:s30+$0xD010]  }
0x229: {  	[tilespmem:s30+$0x14050] =	vst v1;
	v1 =	vadd.f32 v18, v14;
	v9 =	vld [tilespmem:s30+$0x5020]  }
0x22a: {  	[tilespmem:s30+$0x14060] =	vst v0;
	v0 =	vadd.f32 v19, v15;
	v10 =	vld [tilespmem:s30+$0xD020]  }
0x22b: {  	[tilespmem:s30+$0x14070] =	vst v1;
	v1 =	vadd.f32 v20, v16;
	v11 =	vld [tilespmem:s30+$0x5030]  }
0x22c: {  	[tilespmem:s30+$0x14400] =	vst v0;
	v0 =	vadd.f32 v24, v17;
	v12 =	vld [tilespmem:s30+$0xD030]  }
0x22d: {  	[tilespmem:s30+$0x14410] =	vst v1;
	v1 =	vadd.f32 v25, v21;
	v13 =	vld [tilespmem:s30+$0x5040]  }
0x22e: {  	[tilespmem:s30+$0x14420] =	vst v0;
	v0 =	vadd.f32 v26, v22;
	v14 =	vld [tilespmem:s30+$0xD040]  }
0x22f: {  	[tilespmem:s30+$0x14430] =	vst v1;
	v1 =	vadd.f32 v27, v23;
	v15 =	vld [tilespmem:s30+$0x5050]  }
0x230: {  	[tilespmem:s30+$0x14440] =	vst v0;
	v0 =	vadd.f32 v32, v28;
	v16 =	vld [tilespmem:s30+$0xD050]  }
0x231: {  	[tilespmem:s30+$0x14450] =	vst v1;
	v1 =	vadd.f32 v33, v29;
	v17 =	vld [tilespmem:s30+$0x5060]  }
0x232: {  	[tilespmem:s30+$0x14460] =	vst v0;
	v0 =	vadd.f32 v34, v30;
	v18 =	vld [tilespmem:s30+$0xD060]  }
0x233: {  	[tilespmem:s30+$0x14470] =	vst v1;
	v1 =	vadd.f32 v38, v31;
	v19 =	vld [tilespmem:s30+$0x5070]  }
0x234: {  	[tilespmem:s30+$0x14800] =	vst v0;
	v0 =	vadd.f32 v39, v35;
	v20 =	vld [tilespmem:s30+$0xD070]  }
0x235: {  	[tilespmem:s30+$0x14810] =	vst v1;
	v1 =	vadd.f32 v40, v36;
	v21 =	vld [tilespmem:s30+$0x5400]  }
0x236: {  	[tilespmem:s30+$0x14820] =	vst v0;
	v0 =	vadd.f32 v41, v37;
	v22 =	vld [tilespmem:s30+$0xD400]  }
0x237: {  	[tilespmem:s30+$0x14830] =	vst v1;
	v1 =	vadd.f32 v47, v42;
	v23 =	vld [tilespmem:s30+$0x5410]  }
0x238: {  	[tilespmem:s30+$0x14840] =	vst v0;
	v0 =	vadd.f32 v48, v43;
	v24 =	vld [tilespmem:s30+$0xD410]  }
0x239: {  	[tilespmem:s30+$0x14850] =	vst v1;
	v1 =	vadd.f32 v49, v44;
	v25 =	vld [tilespmem:s30+$0x5420]  }
0x23a: {  	[tilespmem:s30+$0x14860] =	vst v0;
	v0 =	vadd.f32 v51, v45;
	v26 =	vld [tilespmem:s30+$0xD420]  }
0x23b: {  	[tilespmem:s30+$0x14870] =	vst v1;
	v1 =	vadd.f32 v53, v52;
	v27 =	vld [tilespmem:s30+$0x5430]  }
0x23c: {  	[tilespmem:s30+$0x14C00] =	vst v0;
	v0 =	vadd.f32 v55, v54;
	v28 =	vld [tilespmem:s30+$0xD430]  }
0x23d: {  	[tilespmem:s30+$0x14C10] =	vst v1;
	v1 =	vadd.f32 v56, v50;
	v29 =	vld [tilespmem:s30+$0x5440]  }
0x23e: {  	[tilespmem:s30+$0x14C20] =	vst v0;
	v0 =	vadd.f32 v57, v46;
	v30 =	vld [tilespmem:s30+$0xD440]  }
0x23f: {  	[tilespmem:s30+$0x14C30] =	vst v1;
	v1 =	vadd.f32 v59, v58;
	v31 =	vld [tilespmem:s30+$0x5450]  }
0x240: {  	[tilespmem:s30+$0x14C40] =	vst v0;
	v0 =	vadd.f32 v3, v60;
	v3 =	vld [tilespmem:s30+$0xD450]  }
0x241: {  	[tilespmem:s30+$0x14C50] =	vst v1;
	v1 =	vadd.f32 v2, v5;
	v2 =	vld [tilespmem:s30+$0x5460]  }
0x242: {  	[tilespmem:s30+$0x14C60] =	vst v0;
	v0 =	vadd.f32 v6, v4;
	v4 =	vld [tilespmem:s30+$0xD460]  }
0x243: {  	[tilespmem:s30+$0x14C70] =	vst v1;
	v1 =	vadd.f32 v8, v7;
	v5 =	vld [tilespmem:s30+$0x5470]  }
0x244: {  	[tilespmem:s30+$0x15000] =	vst v0;
	v0 =	vadd.f32 v10, v9;
	v6 =	vld [tilespmem:s30+$0xD470]  }
0x245: {  	[tilespmem:s30+$0x15010] =	vst v1;
	v1 =	vadd.f32 v12, v11;
	v7 =	vld [tilespmem:s30+$0x5800]  }
0x246: {  	[tilespmem:s30+$0x15020] =	vst v0;
	v0 =	vadd.f32 v14, v13;
	v8 =	vld [tilespmem:s30+$0xD800]  }
0x247: {  	[tilespmem:s30+$0x15030] =	vst v1;
	v1 =	vadd.f32 v16, v15;
	v9 =	vld [tilespmem:s30+$0x5810]  }
0x248: {  	[tilespmem:s30+$0x15040] =	vst v0;
	v0 =	vadd.f32 v18, v17;
	v10 =	vld [tilespmem:s30+$0xD810]  }
0x249: {  	[tilespmem:s30+$0x15050] =	vst v1;
	v1 =	vadd.f32 v20, v19;
	v11 =	vld [tilespmem:s30+$0x5820]  }
0x24a: {  	[tilespmem:s30+$0x15060] =	vst v0;
	v0 =	vadd.f32 v22, v21;
	v12 =	vld [tilespmem:s30+$0xD820]  }
0x24b: {  	[tilespmem:s30+$0x15070] =	vst v1;
	v1 =	vadd.f32 v24, v23;
	v13 =	vld [tilespmem:s30+$0x5830]  }
0x24c: {  	[tilespmem:s30+$0x15400] =	vst v0;
	v0 =	vadd.f32 v26, v25;
	v14 =	vld [tilespmem:s30+$0xD830]  }
0x24d: {  	[tilespmem:s30+$0x15410] =	vst v1;
	v1 =	vadd.f32 v28, v27;
	v15 =	vld [tilespmem:s30+$0x5840]  }
0x24e: {  	[tilespmem:s30+$0x15420] =	vst v0;
	v0 =	vadd.f32 v30, v29;
	v16 =	vld [tilespmem:s30+$0xD840]  }
0x24f: {  	[tilespmem:s30+$0x15430] =	vst v1;
	v1 =	vadd.f32 v3, v31;
	v3 =	vld [tilespmem:s30+$0x5850]  }
0x250: {  	[tilespmem:s30+$0x15440] =	vst v0;
	v0 =	vadd.f32 v4, v2;
	v2 =	vld [tilespmem:s30+$0xD850]  }
0x251: {  	[tilespmem:s30+$0x15450] =	vst v1;
	v1 =	vadd.f32 v6, v5;
	v4 =	vld [tilespmem:s30+$0x5860]  }
0x252: {  	[tilespmem:s30+$0x15460] =	vst v0;
	v0 =	vadd.f32 v8, v7;
	v5 =	vld [tilespmem:s30+$0xD860]  }
0x253: {  	[tilespmem:s30+$0x15470] =	vst v1;
	v1 =	vadd.f32 v10, v9;
	v6 =	vld [tilespmem:s30+$0x5870]  }
0x254: {  	[tilespmem:s30+$0x15800] =	vst v0;
	v0 =	vadd.f32 v12, v11;
	v7 =	vld [tilespmem:s30+$0xD870]  }
.Ltmp3:
0x255: {  	[tilespmem:s30+$0x15810] =	vst v1;
	v1 =	vadd.f32 v14, v13;
	(pc) =	sbr.rel @p0 .LBB2_5-.Ltmp3, $4  }
0x256: {  	[tilespmem:s30+$0x15820] =	vst v0;
	v0 =	vadd.f32 v16, v15  }
0x257: {  	s3 =	sadd.s32 $0x1, s3;
	[tilespmem:s30+$0x15830] =	vst v1;
	v1 =	vadd.f32 v2, v3  }
0x258: {  	s10 =	sand.u32 $0x7, s3;
	[tilespmem:s30+$0x15840] =	vst v0;
	v0 =	vadd.f32 v5, v4  }
0x259: {  	s29 =	sadd.s32 $0x400, s29;
	s0 =	sadd.s32 $0x80, s0;
	s13 =	sshll.u32 s10, $0x7;
	[tilespmem:s30+$0x15850] =	vst v1;
	v1 =	vadd.f32 v7, v6  }
0x25a: {  	s0 =	sadd.s32 s13, s29;
	[tilespmem:s30+$0x15860] =	vst v0  }
0x25b: {  	[tilespmem:s30+$0x15870] =	vst v1;
	s3 =	sor.u32 $0x1C00, s0  }
0x25c: {  	v0 =	vld [tilespmem:s3+$0x4000]  }
0x25d: {  	v1 =	vld [tilespmem:s3+$0xC000];
	_ =	sdelay $0x4  }
0x25e: {  	v0 =	vadd.f32 v1, v0;
	_ =	sdelay $0x1  }
0x25f: {  	s31 =	sor.u32 $0x1C10, s0;
	[tilespmem:s3+$0x14000] =	vst v0  }
0x260: {  	v0 =	vld [tilespmem:s31+$0x4000]  }
0x261: {  	v57 =	vld [tilespmem:s31+$0xC000];
	_ =	sdelay $0x4  }
0x262: {  	v0 =	vadd.f32 v57, v0;
	_ =	sdelay $0x1  }
0x263: {  	s10 =	sor.u32 $0x1C20, s0;
	[tilespmem:s31+$0x14000] =	vst v0  }
0x264: {  	v0 =	vld [tilespmem:s10+$0x4000]  }
0x265: {  	v58 =	vld [tilespmem:s10+$0xC000];
	_ =	sdelay $0x4  }
0x266: {  	v0 =	vadd.f32 v58, v0;
	_ =	sdelay $0x1  }
0x267: {  	s12 =	sor.u32 $0x1C30, s0;
	[tilespmem:s10+$0x14000] =	vst v0  }
0x268: {  	v0 =	vld [tilespmem:s12+$0x4000]  }
0x269: {  	v59 =	vld [tilespmem:s12+$0xC000];
	_ =	sdelay $0x4  }
0x26a: {  	v0 =	vadd.f32 v59, v0;
	_ =	sdelay $0x1  }
0x26b: {  	s13 =	sor.u32 $0x1C40, s0;
	[tilespmem:s12+$0x14000] =	vst v0  }
0x26c: {  	v0 =	vld [tilespmem:s13+$0x4000]  }
0x26d: {  	v60 =	vld [tilespmem:s13+$0xC000];
	_ =	sdelay $0x4  }
0x26e: {  	v0 =	vadd.f32 v60, v0;
	_ =	sdelay $0x1  }
0x26f: {  	s29 =	sor.u32 $0x1C50, s0;
	[tilespmem:s13+$0x14000] =	vst v0  }
0x270: {  	v0 =	vld [tilespmem:s29+$0x4000]  }
0x271: {  	v61 =	vld [tilespmem:s29+$0xC000];
	_ =	sdelay $0x4  }
0x272: {  	v0 =	vadd.f32 v61, v0;
	_ =	sdelay $0x1  }
0x273: {  	s30 =	sor.u32 $0x1C60, s0;
	[tilespmem:s29+$0x14000] =	vst v0  }
0x274: {  	v0 =	vld [tilespmem:s30+$0x4000]  }
0x275: {  	v62 =	vld [tilespmem:s30+$0xC000];
	_ =	sdelay $0x4  }
0x276: {  	v0 =	vadd.f32 v62, v0;
	_ =	sdelay $0x1  }
0x277: {  	s0 =	sor.u32 $0x1C70, s0;
	[tilespmem:s30+$0x14000] =	vst v0  }
0x278: {  	v0 =	vld [tilespmem:s0+$0x4000]  }
0x279: {  	v63 =	vld [tilespmem:s0+$0xC000];
	_ =	sdelay $0x3  }
.Ltmp4:
0x27a: {  	_ = 	snop;
	(pc) =	sbr.rel @p1 .LBB2_8-.Ltmp4, $3  }
0x27b: {  	v0 =	vadd.f32 v63, v0;
	_ =	sdelay $0x1  }
0x27c: {  	s31 =	sadd.s32 s28, s11;
	[tilespmem:s0+$0x14000] =	vst v0  }
0x27d: {  	[hbm4b:s31+s5] =	stream.linear.scatter [tilespmem:s21], [sflag:$0x6], $0x4000, $0x38;
	[tilespmem:$0x18000] =	vst v63  }
0x27e: {  	s0 =	sadd.s32 $0x3, s26  }
0x27f: {  	s3 =	sshll.u32 s0, $0xC  }
0x280: {  	s0 =	sshll.u32 s0, $0x17;
	s3 =	sand.u32 $0x7C000, s3  }
0x281: {  	s0 =	sand.u32 $0x1800000, s0;
	s3 =	sadd.s32 s7, s3  }
0x282: {  	s0 =	sadd.s32 s0, s3  }
.Ltmp5:
0x283: {  	s0 =	sshrl.u32 s0, $0x3;
	(pc) =	sbr.rel .LBB2_2-.Ltmp5, $4  }
0x284: {  	s31 =	sshrl.u32 s3, $0x3;
	s0 =	sadd.s32 s1, s0  }
0x285: {  	[tilespmem:s14], [sflag:$0x2] =	stream.linear.gather [hbm4b:s0+s5], $0x4000, $0x38;
	[tilespmem:$0x18000] =	vst v63  }
0x286: {  	s25 =	sadd.s32 $0x1, s25;
	s0 =	sadd.s32 s2, s31  }
0x287: {  	[tilespmem:s15], [sflag:$0x4] =	stream.linear.gather [hbm4b:s0+s5], $0x4000, $0x38;
	[tilespmem:$0x18000] =	vst v63  }
.LBB2_9:
0x288: {  	_ =	sfence.sel $0x180000  }
0x289: {  	[bflag:$0x0] =	sbarrier.arrive $0xFFFF  }
0x28a: {  	_ =	strace $0x90000047  }
0x28b: {  	s0 =	stileid.u32;
	[bflag:$0x2] =	sbarrier.arrive $0xFFFF  }
0x28c: {  	p0 =	sne.s32 s0, $0x0;
	s0 =	rddreg [dreg:$0x3]  }
0x28d: {  	s0 =	sadd.s32 @!p0 $0x100000, s0  }
0x28e: {  	[sflag:s0] =	ssyncadd.tile.s32 @!p0 $0x1;
	_ =	shalt  }
.Lfunc_end2:
_tile_overlayer_lowered:
.L_overlay_start_2:
0x28f: {  	(tag) =	ssettag $0x2  }
0x290: {  	s0 =	rddreg [dreg:$0x0];
	s2 =	stileid.u32  }
0x291: {  	s1 =	rddreg [dreg:$0x1];
	p0 =	sne.s32 s2, $0x0  }
0x292: {  	s3 =	rddreg [dreg:$0x2];
	[bflag:$0x3] =	sbarrier.arrive $0xFFFF;
	s2 =	simm.s32 @!p0 $0x1C07  }
0x293: {  	[timem:s3], [sflag:s2] =	dma.local @!p0 [hbm:s0], s1  }
0x294: {  	s0 =	simm.s32 @!p0 $0x7  }
0x295: {  	_ =	swait.ge @!p0 [sflag:s0], s1  }
0x296: {  	s1 =	ssub.s32 @!p0 $0x0, s1;
	[sflag:s0] =	ssyncset.done @!p0 $0x0  }
0x297: {  	[sflag:s0] =	ssyncadd.s32 @!p0 s1  }
0x298: {  	[bflag:$0x3] =	sbarrier.arrive $0xFFFF  }
0x299: {  	_ =	shalt  }

</sc_bundles>
